<compile_context>
chip_gen: v7x
topology: tpu7x:2x2x1
jax: 0.10.2.dev20260603
libtpu: 0.0.44.dev20260713+nightly
codegen_flags: <defaults>
</compile_context>

<pallas_src>
import functools

import jax
import jax.numpy as jnp
from jax import lax
from jax.experimental import pallas as pl
from jax.experimental.pallas import tpu as pltpu
from jax.experimental.pallas import tpu_sc as plsc

_IOU_TH = 0.5
_LANES = 16


def _keys_of(x):
    ku = lax.bitcast_convert_type(x, jnp.int32)
    return ku ^ ((ku >> 31) & jnp.int32(0x7FFFFFFF))


def _threshold_body(tk, sc_ref, t_ref, q_ref):
    x = sc_ref[0]
    key = _keys_of(x)
    lo = jnp.min(key, axis=(1, 2), keepdims=True)
    hi = jnp.max(key, axis=(1, 2), keepdims=True) + 1

    def body(_, c):
        lo, hi = c
        mid = (lo + hi) >> 1
        cnt = jnp.sum((key >= mid).astype(jnp.int32), axis=(1, 2),
                      keepdims=True)
        ge = cnt >= tk
        return jnp.where(ge, mid, lo), jnp.where(ge, hi, mid)

    lo, hi = lax.fori_loop(0, 32, body, (lo, hi))
    tku = lo ^ ((lo >> 31) & jnp.int32(0x7FFFFFFF))
    t = lax.bitcast_convert_type(tku, jnp.float32)
    n_gt = jnp.sum((x > t).astype(jnp.int32), axis=(1, 2), keepdims=True)
    q = tk - n_gt
    Gs = x.shape[0]
    t_ref[0] = jnp.broadcast_to(t[:, :, 0], (Gs, 128))
    q_ref[0] = jnp.broadcast_to(q[:, :, 0], (Gs, 128))


def _make_select_sc(G, N, NP, C, tK):
    nchunk = NP // _LANES
    info = plsc.get_sparse_core_info()
    nw = info.num_cores * info.num_subcores
    rows_per = -(-G // nw)
    mesh = plsc.VectorSubcoreMesh(core_axis_name="c", subcore_axis_name="s")

    @functools.partial(
        pl.kernel, mesh=mesh,
        compiler_params=pltpu.CompilerParams(needs_layout_passes=False),
        out_type=[
            jax.ShapeDtypeStruct((G, tK), jnp.int32),
            jax.ShapeDtypeStruct((G, tK), jnp.float32),
        ],
        scratch_types=[
            pltpu.VMEM((NP,), jnp.float32),
            pltpu.VMEM((_LANES,), jnp.float32),
            pltpu.VMEM((_LANES,), jnp.int32),
            pltpu.VMEM((tK + _LANES,), jnp.int32),
            pltpu.VMEM((tK + _LANES,), jnp.float32),
        ],
    )
    def sel_kernel(sc_hbm, t_hbm, q_hbm,
                   oidx_hbm, oval_hbm,
                   row_v, t_v, q_v, oidx_v, oval_v):
        wid = lax.axis_index("s") * info.num_cores + lax.axis_index("c")
        iota = lax.iota(jnp.int32, _LANES)
        step16 = jnp.full((_LANES,), _LANES, jnp.int32)
        for j in range(rows_per):
            r = wid * rows_per + j

            @pl.when(r < G)
            def _():
                pltpu.sync_copy(sc_hbm.at[r], row_v)
                pltpu.sync_copy(t_hbm.at[r], t_v)
                pltpu.sync_copy(q_hbm.at[r], q_v)
                tvec = t_v[...]
                qvec = q_v[...]

                def chunk(i, carry):
                    cur, ecur_vec, n16 = carry
                    v = row_v[pl.ds(i * _LANES, _LANES)]
                    gt = v > tvec
                    eq = v == tvec
                    eq_pref = plsc.cumsum(eq.astype(jnp.int32))
                    eqrank = eq_pref + ecur_vec
                    sel = gt | (eq & (eqrank <= qvec))
                    plsc.store_compressed(oidx_v.at[pl.ds(cur, _LANES)], n16,
                                          mask=sel)
                    plsc.store_compressed(oval_v.at[pl.ds(cur, _LANES)], v,
                                          mask=sel)
                    cur = cur + jnp.sum(sel.astype(jnp.int32))
                    ecur_vec = ecur_vec + plsc.all_reduce_population_count(eq)
                    return cur, ecur_vec, n16 + step16

                lax.fori_loop(
                    0, nchunk, chunk,
                    (jnp.int32(0), jnp.zeros((_LANES,), jnp.int32), iota))

                pltpu.sync_copy(oidx_v.at[pl.ds(0, tK)], oidx_hbm.at[r])
                pltpu.sync_copy(oval_v.at[pl.ds(0, tK)], oval_hbm.at[r])

    return sel_kernel


def _nms_body(rowc_ref, colc_ref, masked_ref, keep_ref):
    rc = rowc_ref[0]
    cc = colc_ref[0]
    tK = rc.shape[0]
    x1r = rc[:, 0:1]; y1r = rc[:, 1:2]; x2r = rc[:, 2:3]; y2r = rc[:, 3:4]
    vr = rc[:, 4:5]; nr = rc[:, 5:6]
    x1c = cc[0:1, :]; y1c = cc[1:2, :]; x2c = cc[2:3, :]; y2c = cc[3:4, :]
    vc = cc[4:5, :]; nc = cc[5:6, :]
    arear = (x2r - x1r) * (y2r - y1r)
    areac = (x2c - x1c) * (y2c - y1c)
    xx1 = jnp.maximum(x1r, x1c)
    yy1 = jnp.maximum(y1r, y1c)
    xx2 = jnp.minimum(x2r, x2c)
    yy2 = jnp.minimum(y2r, y2c)
    inter = jnp.clip(xx2 - xx1, 0.0, None) * jnp.clip(yy2 - yy1, 0.0, None)
    union = arear + areac - inter
    iou = inter / union
    prio = (vr > vc) | ((vr == vc) & (nr < nc))
    m = jnp.where((iou > _IOU_TH) & prio, 1.0, 0.0)

    def step(s):
        alive = 1.0 - s
        t = lax.dot_general(alive, m, (((1,), (0,)), ((), ())),
                            preferred_element_type=jnp.float32)
        return jnp.where(t > 0.0, 1.0, 0.0)

    def cond(c):
        return c[1]

    def body(c):
        s, _ = c
        s2 = step(s)
        return s2, jnp.any(s2 != s)

    s0 = jnp.zeros((1, tK), jnp.float32)
    s, _ = lax.while_loop(cond, body, (s0, jnp.bool_(True)))
    keep = s == 0.0
    keep_ref[0] = jnp.where(keep, 1.0, 0.0)
    masked_ref[0] = jnp.where(keep, vc, -jnp.inf)


@jax.jit
def _run(scores, bboxes, topK_i, keepK_i):
    B, N, C = scores.shape
    tK = min(N, 512)
    kK = min(N, 100)
    scores = scores + (topK_i * 0).astype(scores.dtype)
    NP = -(-N // 128) * 128
    Gs = next(g for g in (8, 4, 2, 1) if C % g == 0)
    sel = _make_select_sc(C, N, NP, C, tK)
    masked_l, keepf_l, obox_l = [], [], []
    for b in range(B):
        sct_b = jnp.transpose(scores[b], (1, 0))
        scp_b = jnp.pad(sct_b, ((0, 0), (0, NP - N)), constant_values=-1.0)

        t_b, q_b = pl.pallas_call(
            functools.partial(_threshold_body, tK),
            grid=(C // Gs,),
            compiler_params=pltpu.CompilerParams(
                dimension_semantics=("parallel",)),
            in_specs=[pl.BlockSpec((1, Gs, NP // 128, 128),
                                   lambda i: (i, 0, 0, 0))],
            out_specs=[pl.BlockSpec((1, Gs, 128), lambda i: (i, 0, 0)),
                       pl.BlockSpec((1, Gs, 128), lambda i: (i, 0, 0))],
            out_shape=[jax.ShapeDtypeStruct((C // Gs, Gs, 128), jnp.float32),
                       jax.ShapeDtypeStruct((C // Gs, Gs, 128), jnp.int32)],
        )(scp_b.reshape(C // Gs, Gs, NP // 128, 128))
        t16 = t_b.reshape(C, 128)[:, :_LANES]
        q16 = q_b.reshape(C, 128)[:, :_LANES]

        oidx, oval = sel(scp_b, t16, q16)
        fi = oidx * C + jnp.arange(C, dtype=jnp.int32)[:, None]
        obox = bboxes[b].reshape(N * C, 4)[fi]

        rowc = jnp.concatenate(
            [obox, oval[..., None], oidx.astype(jnp.float32)[..., None],
             jnp.zeros((C, tK, 2), jnp.float32)], axis=-1)
        colc = jnp.transpose(rowc, (0, 2, 1))
        masked_b, keepf_b = pl.pallas_call(
            _nms_body,
            grid=(C,),
            compiler_params=pltpu.CompilerParams(
                dimension_semantics=("parallel",)),
            in_specs=[
                pl.BlockSpec((1, tK, 8), lambda i: (i, 0, 0)),
                pl.BlockSpec((1, 8, tK), lambda i: (i, 0, 0)),
            ],
            out_specs=[
                pl.BlockSpec((1, 1, tK), lambda i: (i, 0, 0)),
                pl.BlockSpec((1, 1, tK), lambda i: (i, 0, 0)),
            ],
            out_shape=[
                jax.ShapeDtypeStruct((C, 1, tK), jnp.float32),
                jax.ShapeDtypeStruct((C, 1, tK), jnp.float32),
            ],
        )(rowc, colc)
        masked_l.append(masked_b)
        keepf_l.append(keepf_b)
        obox_l.append(obox)

    masked = jnp.stack(masked_l)
    keepf = jnp.stack(keepf_l)
    obox = jnp.stack(obox_l)

    masked_flat = masked.reshape(B, C * tK)
    total_kept = jnp.sum(keepf.reshape(B, -1), axis=1).astype(jnp.int32)
    vals, idx = lax.top_k(masked_flat, kK)
    flat_b = obox.reshape(B, C * tK, 4)
    sel_b = jnp.take_along_axis(flat_b, idx[..., None], axis=1)
    sel_c = (idx // tK).astype(scores.dtype)
    valid = jnp.isfinite(vals)
    out_s = jnp.where(valid, vals, 0.0)
    out_b = jnp.where(valid[..., None], sel_b, 0.0)
    out_c = jnp.where(valid, sel_c, -1.0)
    num_det = jnp.minimum(jnp.minimum(total_kept, jnp.int32(kK)), keepK_i)
    return num_det[:, None], out_b, out_s, out_c


def kernel(scores, bboxes, topK, keepTopK):
    topK_i = jnp.asarray(topK).astype(jnp.int32)
    keepK_i = jnp.asarray(keepTopK).astype(jnp.int32)
    return _run(scores, bboxes, topK_i, keepK_i)

# --- scband reference (transcript-rebuilt; emitter-appended) ---
"""Pipeline reference for scband-batched-nms-1202590843778 (READ-ONLY COPY).

The authoritative reference and input builder live on the scoring server;
editing this copy changes nothing except your own understanding.
"""

import jax, jax.numpy as jnp
import numpy as np


def _nms_keep(boxes, iou_th):
    # boxes: [K, 4] sorted by score descending (torchvision-style greedy NMS)
    K = boxes.shape[0]
    x1 = boxes[:, 0]; y1 = boxes[:, 1]; x2 = boxes[:, 2]; y2 = boxes[:, 3]
    area = (x2 - x1) * (y2 - y1)
    xx1 = jnp.maximum(x1[:, None], x1[None, :])
    yy1 = jnp.maximum(y1[:, None], y1[None, :])
    xx2 = jnp.minimum(x2[:, None], x2[None, :])
    yy2 = jnp.minimum(y2[:, None], y2[None, :])
    inter = jnp.clip(xx2 - xx1, 0.0, None) * jnp.clip(yy2 - yy1, 0.0, None)
    union = area[:, None] + area[None, :] - inter
    iou = inter / union
    idxs = jnp.arange(K)
    def body(i, suppressed):
        alive = jnp.logical_not(suppressed[i])
        new_sup = (iou[i] > iou_th) & (idxs > i) & alive
        return suppressed | new_sup
    suppressed = jax.lax.fori_loop(0, K, body, jnp.zeros((K,), dtype=bool))
    return jnp.logical_not(suppressed)


def setup_inputs(seed: int = 0):
    key = jax.random.key(seed)
    k1, k2 = jax.random.split(key)
    B, N, C = 2, 5000, 80
    scores = jax.random.uniform(k1, (B, N, C), dtype=jnp.float32)
    bboxes = jax.random.uniform(k2, (B, N, C, 4), dtype=jnp.float32)
    return {"scores": scores, "bboxes": bboxes, "topK": 512, "keepTopK": 100}


def reference(scores, bboxes, topK, keepTopK):
    # scoreThreshold=0.0 (mask branch skipped), iouThreshold=0.5, backgroundLabelId=-1 (no class skipped)
    iou_th = 0.5
    B, N, C = scores.shape
    tK = min(N, 512)
    kK = min(N, 100)
    topK_i = jnp.asarray(topK).astype(jnp.int32)
    keepK_i = jnp.asarray(keepTopK).astype(jnp.int32)
    scores = scores + (topK_i * 0).astype(scores.dtype)

    def per_batch(sc, bb):
        # sc: [N, C], bb: [N, C, 4]
        sc_t = sc.T                                  # [C, N]
        topv, topi = jax.lax.top_k(sc_t, tK)         # [C, tK]
        bb_t = jnp.transpose(bb, (1, 0, 2))          # [C, N, 4]
        boxes = jnp.take_along_axis(bb_t, topi[:, :, None], axis=1)  # [C, tK, 4]
        keep = jax.vmap(lambda b: _nms_keep(b, iou_th))(boxes)        # [C, tK] bool
        masked = jnp.where(keep, topv, -jnp.inf)
        cls_ids = jnp.broadcast_to(jnp.arange(C, dtype=sc.dtype)[:, None], (C, tK))
        flat_s = masked.reshape(-1)
        flat_b = boxes.reshape(-1, 4)
        flat_c = cls_ids.reshape(-1)
        total_kept = jnp.sum(keep).astype(jnp.int32)
        vals, idx = jax.lax.top_k(flat_s, kK)
        sel_b = jnp.take(flat_b, idx, axis=0)
        sel_c = jnp.take(flat_c, idx, axis=0)
        valid = jnp.isfinite(vals)
        out_s = jnp.where(valid, vals, 0.0)
        out_b = jnp.where(valid[:, None], sel_b, 0.0)
        out_c = jnp.where(valid, sel_c, -1.0)
        num_det = jnp.minimum(jnp.minimum(total_kept, jnp.int32(kK)), keepK_i)
        return num_det, out_b, out_s, out_c

    num_det, nmsed_bboxes, nmsed_scores, nmsed_classes = jax.vmap(per_batch)(scores, bboxes)
    return num_det[:, None], nmsed_bboxes, nmsed_scores, nmsed_classes

if __name__ == "__main__":
    import jax
    _d = setup_inputs()
    print(jax.jit(kernel)(*tuple(_d.values())))

</pallas_src>

<mosaic_0001>
#map = affine_map<(d0, d1) -> (0, 0)>
module attributes {stable_mosaic.version = 14 : i64} {
  func.func @sel_kernel(%arg0: i32, %arg1: i32, %arg2: memref<80x5120xf32, #tpu.memory_space<hbm>>, %arg3: memref<80x16xf32, #tpu.memory_space<hbm>>, %arg4: memref<80x16xi32, #tpu.memory_space<hbm>>, %arg5: memref<80x512xi32, #tpu.memory_space<hbm>>, %arg6: memref<80x512xf32, #tpu.memory_space<hbm>>, %arg7: memref<5120xf32, #tpu.memory_space<vmem>>, %arg8: memref<16xf32, #tpu.memory_space<vmem>>, %arg9: memref<16xi32, #tpu.memory_space<vmem>>, %arg10: memref<528xi32, #tpu.memory_space<vmem>>, %arg11: memref<528xf32, #tpu.memory_space<vmem>>) attributes {dimension_semantics = [#tpu.dimension_semantics<core_parallel>, #tpu.dimension_semantics<subcore_parallel>], iteration_bounds = array<i64: 2, 16>, scalar_prefetch = 0 : i64, scratch_operands = 5 : i64, tpu.core_type = #tpu.core_type<sc_vector_subcore>, window_params = [{transform_indices = #map}, {transform_indices = #map}, {transform_indices = #map}, {transform_indices = #map}, {transform_indices = #map}]} {
    %mul3A = arith.constant 2 : i32
    %mul3A_0 = arith.muli %arg1, %mul3A : i32
    %add3A = arith.addi %mul3A_0, %arg0 : i32
    %iota3A = tpu.iota {dimensions = array<i32: 0>} : vector<16xi32>
    %broadcast_in_dim3A = arith.constant 16 : i32
    %broadcast_in_dim3A_1 = vector.broadcast %broadcast_in_dim3A : i32 to vector<16xi32>
    %mul3A_2 = arith.constant 3 : i32
    %mul3A_3 = arith.muli %add3A, %mul3A_2 : i32
    %add3A_4 = arith.constant 0 : i32
    %add3A_5 = arith.addi %mul3A_3, %add3A_4 : i32
    %lt3A = arith.constant 80 : i32
    %lt3A_6 = arith.cmpi slt, %add3A_5, %lt3A : i32
    %convert_element_type3A = arith.extui %lt3A_6 : i1 to i32
    %cond3A = arith.constant 0 : i32
    %cond3A_7 = arith.cmpi ne, %convert_element_type3A, %cond3A : i32
    scf.if %cond3A_7 {
      "tpu.region"() ({
        %run_scoped3A = tpu.sem_alloc : memref<!tpu.dma_semaphore, #tpu.memory_space<semaphore_mem>>
        %dma_start3A = arith.constant 0 : i32
        %dma_start3A_37 = tpu.memref_slice %arg2[%add3A_5, %dma_start3A] : memref<80x5120xf32, #tpu.memory_space<hbm>> -> memref<1x5120xf32, #tpu.memory_space<hbm>>
        %dma_start3A_38 = tpu.memref_squeeze %dma_start3A_37 : memref<1x5120xf32, #tpu.memory_space<hbm>> -> memref<5120xf32, #tpu.memory_space<hbm>>
        %dma_start3A_39 = arith.constant 0 : i32
        %dma_start3A_40 = tpu.memref_slice %arg2[%add3A_5, %dma_start3A_39] : memref<80x5120xf32, #tpu.memory_space<hbm>> -> memref<1x5120xf32, #tpu.memory_space<hbm>>
        %dma_start3A_41 = tpu.memref_squeeze %dma_start3A_40 : memref<1x5120xf32, #tpu.memory_space<hbm>> -> memref<5120xf32, #tpu.memory_space<hbm>>
        tpu.enqueue_dma source(%dma_start3A_41 : memref<5120xf32, #tpu.memory_space<hbm>>) target(%arg7 : memref<5120xf32, #tpu.memory_space<vmem>>) target_semaphore(%run_scoped3A : memref<!tpu.dma_semaphore, #tpu.memory_space<semaphore_mem>>)
        %dma_wait3A = arith.constant 0 : i32
        %dma_wait3A_42 = tpu.memref_slice %arg2[%add3A_5, %dma_wait3A] : memref<80x5120xf32, #tpu.memory_space<hbm>> -> memref<1x5120xf32, #tpu.memory_space<hbm>>
        %dma_wait3A_43 = tpu.memref_squeeze %dma_wait3A_42 : memref<1x5120xf32, #tpu.memory_space<hbm>> -> memref<5120xf32, #tpu.memory_space<hbm>>
        %dma_wait3A_44 = arith.constant 0 : i32
        %dma_wait3A_45 = tpu.memref_slice %arg2[%add3A_5, %dma_wait3A_44] : memref<80x5120xf32, #tpu.memory_space<hbm>> -> memref<1x5120xf32, #tpu.memory_space<hbm>>
        %dma_wait3A_46 = tpu.memref_squeeze %dma_wait3A_45 : memref<1x5120xf32, #tpu.memory_space<hbm>> -> memref<5120xf32, #tpu.memory_space<hbm>>
        tpu.wait_dma2 semaphore(%run_scoped3A : memref<!tpu.dma_semaphore, #tpu.memory_space<semaphore_mem>>) src(%dma_wait3A_46 : memref<5120xf32, #tpu.memory_space<hbm>>) dst(%arg7 : memref<5120xf32, #tpu.memory_space<vmem>>)
        tpu.yield
      }) : () -> ()
      "tpu.region"() ({
        %run_scoped3A = tpu.sem_alloc : memref<!tpu.dma_semaphore, #tpu.memory_space<semaphore_mem>>
        %dma_start3A = arith.constant 0 : i32
        %dma_start3A_37 = tpu.memref_slice %arg3[%add3A_5, %dma_start3A] : memref<80x16xf32, #tpu.memory_space<hbm>> -> memref<1x16xf32, #tpu.memory_space<hbm>>
        %dma_start3A_38 = tpu.memref_squeeze %dma_start3A_37 : memref<1x16xf32, #tpu.memory_space<hbm>> -> memref<16xf32, #tpu.memory_space<hbm>>
        %dma_start3A_39 = arith.constant 0 : i32
        %dma_start3A_40 = tpu.memref_slice %arg3[%add3A_5, %dma_start3A_39] : memref<80x16xf32, #tpu.memory_space<hbm>> -> memref<1x16xf32, #tpu.memory_space<hbm>>
        %dma_start3A_41 = tpu.memref_squeeze %dma_start3A_40 : memref<1x16xf32, #tpu.memory_space<hbm>> -> memref<16xf32, #tpu.memory_space<hbm>>
        tpu.enqueue_dma source(%dma_start3A_41 : memref<16xf32, #tpu.memory_space<hbm>>) target(%arg8 : memref<16xf32, #tpu.memory_space<vmem>>) target_semaphore(%run_scoped3A : memref<!tpu.dma_semaphore, #tpu.memory_space<semaphore_mem>>)
        %dma_wait3A = arith.constant 0 : i32
        %dma_wait3A_42 = tpu.memref_slice %arg3[%add3A_5, %dma_wait3A] : memref<80x16xf32, #tpu.memory_space<hbm>> -> memref<1x16xf32, #tpu.memory_space<hbm>>
        %dma_wait3A_43 = tpu.memref_squeeze %dma_wait3A_42 : memref<1x16xf32, #tpu.memory_space<hbm>> -> memref<16xf32, #tpu.memory_space<hbm>>
        %dma_wait3A_44 = arith.constant 0 : i32
        %dma_wait3A_45 = tpu.memref_slice %arg3[%add3A_5, %dma_wait3A_44] : memref<80x16xf32, #tpu.memory_space<hbm>> -> memref<1x16xf32, #tpu.memory_space<hbm>>
        %dma_wait3A_46 = tpu.memref_squeeze %dma_wait3A_45 : memref<1x16xf32, #tpu.memory_space<hbm>> -> memref<16xf32, #tpu.memory_space<hbm>>
        tpu.wait_dma2 semaphore(%run_scoped3A : memref<!tpu.dma_semaphore, #tpu.memory_space<semaphore_mem>>) src(%dma_wait3A_46 : memref<16xf32, #tpu.memory_space<hbm>>) dst(%arg8 : memref<16xf32, #tpu.memory_space<vmem>>)
        tpu.yield
      }) : () -> ()
      "tpu.region"() ({
        %run_scoped3A = tpu.sem_alloc : memref<!tpu.dma_semaphore, #tpu.memory_space<semaphore_mem>>
        %dma_start3A = arith.constant 0 : i32
        %dma_start3A_37 = tpu.memref_slice %arg4[%add3A_5, %dma_start3A] : memref<80x16xi32, #tpu.memory_space<hbm>> -> memref<1x16xi32, #tpu.memory_space<hbm>>
        %dma_start3A_38 = tpu.memref_squeeze %dma_start3A_37 : memref<1x16xi32, #tpu.memory_space<hbm>> -> memref<16xi32, #tpu.memory_space<hbm>>
        %dma_start3A_39 = arith.constant 0 : i32
        %dma_start3A_40 = tpu.memref_slice %arg4[%add3A_5, %dma_start3A_39] : memref<80x16xi32, #tpu.memory_space<hbm>> -> memref<1x16xi32, #tpu.memory_space<hbm>>
        %dma_start3A_41 = tpu.memref_squeeze %dma_start3A_40 : memref<1x16xi32, #tpu.memory_space<hbm>> -> memref<16xi32, #tpu.memory_space<hbm>>
        tpu.enqueue_dma source(%dma_start3A_41 : memref<16xi32, #tpu.memory_space<hbm>>) target(%arg9 : memref<16xi32, #tpu.memory_space<vmem>>) target_semaphore(%run_scoped3A : memref<!tpu.dma_semaphore, #tpu.memory_space<semaphore_mem>>)
        %dma_wait3A = arith.constant 0 : i32
        %dma_wait3A_42 = tpu.memref_slice %arg4[%add3A_5, %dma_wait3A] : memref<80x16xi32, #tpu.memory_space<hbm>> -> memref<1x16xi32, #tpu.memory_space<hbm>>
        %dma_wait3A_43 = tpu.memref_squeeze %dma_wait3A_42 : memref<1x16xi32, #tpu.memory_space<hbm>> -> memref<16xi32, #tpu.memory_space<hbm>>
        %dma_wait3A_44 = arith.constant 0 : i32
        %dma_wait3A_45 = tpu.memref_slice %arg4[%add3A_5, %dma_wait3A_44] : memref<80x16xi32, #tpu.memory_space<hbm>> -> memref<1x16xi32, #tpu.memory_space<hbm>>
        %dma_wait3A_46 = tpu.memref_squeeze %dma_wait3A_45 : memref<1x16xi32, #tpu.memory_space<hbm>> -> memref<16xi32, #tpu.memory_space<hbm>>
        tpu.wait_dma2 semaphore(%run_scoped3A : memref<!tpu.dma_semaphore, #tpu.memory_space<semaphore_mem>>) src(%dma_wait3A_46 : memref<16xi32, #tpu.memory_space<hbm>>) dst(%arg9 : memref<16xi32, #tpu.memory_space<vmem>>)
        tpu.yield
      }) : () -> ()
      %get3A = arith.constant 0 : index
      %get3A_26 = tpu.vector_load %arg8[%get3A] {strides = array<i32>} : memref<16xf32, #tpu.memory_space<vmem>>, vector<16xf32>,
      %get3A_27 = arith.constant 0 : index
      %get3A_28 = tpu.vector_load %arg9[%get3A_27] {strides = array<i32>} : memref<16xi32, #tpu.memory_space<vmem>>, vector<16xi32>,
      %broadcast_in_dim3A_29 = arith.constant 0 : i32
      %broadcast_in_dim3A_30 = vector.broadcast %broadcast_in_dim3A_29 : i32 to vector<16xi32>
      %scan3A = arith.constant 0 : i32
      %scan3A_31 = arith.constant 0 : i32
      %scan3A_32 = arith.constant 320 : i32
      %scan3A_33 = arith.addi %scan3A_31, %scan3A_32 : i32
      %scan3A_34 = arith.constant 1 : i32
      %scan3A_35:3 = scf.for %scan3A_37 = %scan3A_31 to %scan3A_33 step %scan3A_34 iter_args(%scan3A_38 = %scan3A, %scan3A_39 = %broadcast_in_dim3A_30, %scan3A_40 = %iota3A) -> (i32, vector<16xi32>, vector<16xi32>)  : i32 {
        %mul3A_41 = arith.constant 16 : i32
        %mul3A_42 = arith.muli %scan3A_37, %mul3A_41 : i32
        %get3A_43 = arith.index_cast %mul3A_42 : i32 to index
        %get3A_44 = tpu.vector_load %arg7[%get3A_43] {strides = array<i32>} : memref<5120xf32, #tpu.memory_space<vmem>>, vector<16xf32>,
        %gt3A = arith.cmpf ogt, %get3A_44, %get3A_26 : vector<16xf32>
        %eq3A = arith.cmpf oeq, %get3A_44, %get3A_26 : vector<16xf32>
        %convert_element_type3A_45 = arith.extui %eq3A : vector<16xi1> to vector<16xi32>
        %broadcast_in_dim3A_46 = arith.constant true
        %broadcast_in_dim3A_47 = vector.broadcast %broadcast_in_dim3A_46 : i1 to vector<16xi1>
        %masked_cumsum3A = tpu.scan <sum>, %convert_element_type3A_45 masked %broadcast_in_dim3A_47 : vector<16xi32>, vector<16xi1> -> vector<16xi32>
        %add3A_48 = arith.addi %masked_cumsum3A, %scan3A_39 : vector<16xi32>
        %le3A = arith.cmpi sle, %add3A_48, %get3A_28 : vector<16xi32>
        %and3A = arith.andi %eq3A, %le3A : vector<16xi1>
        %or3A = arith.ori %gt3A, %and3A : vector<16xi1>
        %swap3A = arith.index_cast %scan3A_38 : i32 to index
        %swap3A_49 = tpu.vector_load %arg10[%swap3A] masked %or3A {strides = array<i32>} : memref<528xi32, #tpu.memory_space<vmem>>, vector<16xi32>, vector<16xi1>
        tpu.vector_store %arg10[%swap3A], %scan3A_40 masked %or3A {strides = array<i32>} : memref<528xi32, #tpu.memory_space<vmem>>, vector<16xi32>, vector<16xi1>
        %swap3A_50 = arith.index_cast %scan3A_38 : i32 to index
        %swap3A_51 = tpu.vector_load %arg11[%swap3A_50] masked %or3A {strides = array<i32>} : memref<528xf32, #tpu.memory_space<vmem>>, vector<16xf32>, vector<16xi1>
        tpu.vector_store %arg11[%swap3A_50], %get3A_44 masked %or3A {strides = array<i32>} : memref<528xf32, #tpu.memory_space<vmem>>, vector<16xf32>, vector<16xi1>
        %convert_element_type3A_52 = arith.extui %or3A : vector<16xi1> to vector<16xi32>
        %reduce_sum3A = arith.constant true
        %reduce_sum3A_53 = vector.broadcast %reduce_sum3A : i1 to vector<16xi1>
        %reduce_sum3A_54 = tpu.scan <sum>, %convert_element_type3A_52 masked %reduce_sum3A_53 : vector<16xi32>, vector<16xi1> -> vector<16xi32>
        %reduce_sum3A_55 = vector.extract %reduce_sum3A_54[15] : i32 from vector<16xi32>
        %add3A_56 = arith.addi %scan3A_38, %reduce_sum3A_55 : i32
        %all_reduce_population_count3A = tpu.all_reduce %eq3A {dim = 0 : i64, kind = #tpu.reduction_kind<sum>} : vector<16xi1> -> vector<16xi32>
        %add3A_57 = arith.addi %scan3A_39, %all_reduce_population_count3A : vector<16xi32>
        %add3A_58 = arith.addi %scan3A_40, %broadcast_in_dim3A_1 : vector<16xi32>
        scf.yield %add3A_56, %add3A_57, %add3A_58 : i32, vector<16xi32>, vector<16xi32>
      }
      %scan3A_36 = arith.constant 320 : i32
      "tpu.region"() ({
        %run_scoped3A = tpu.sem_alloc : memref<!tpu.dma_semaphore, #tpu.memory_space<semaphore_mem>>
        %dma_start3A = arith.constant 0 : i32
        %dma_start3A_37 = tpu.memref_slice %arg10[%dma_start3A] : memref<528xi32, #tpu.memory_space<vmem>> -> memref<512xi32, #tpu.memory_space<vmem>>
        %dma_start3A_38 = arith.constant 0 : i32
        %dma_start3A_39 = tpu.memref_slice %arg5[%add3A_5, %dma_start3A_38] : memref<80x512xi32, #tpu.memory_space<hbm>> -> memref<1x512xi32, #tpu.memory_space<hbm>>
        %dma_start3A_40 = tpu.memref_squeeze %dma_start3A_39 : memref<1x512xi32, #tpu.memory_space<hbm>> -> memref<512xi32, #tpu.memory_space<hbm>>
        %dma_start3A_41 = arith.constant 0 : i32
        %dma_start3A_42 = tpu.memref_slice %arg5[%add3A_5, %dma_start3A_41] : memref<80x512xi32, #tpu.memory_space<hbm>> -> memref<1x512xi32, #tpu.memory_space<hbm>>
        %dma_start3A_43 = tpu.memref_squeeze %dma_start3A_42 : memref<1x512xi32, #tpu.memory_space<hbm>> -> memref<512xi32, #tpu.memory_space<hbm>>
        %dma_start3A_44 = arith.constant 0 : i32
        %dma_start3A_45 = tpu.memref_slice %arg10[%dma_start3A_44] : memref<528xi32, #tpu.memory_space<vmem>> -> memref<512xi32, #tpu.memory_space<vmem>>
        tpu.enqueue_dma source(%dma_start3A_45 : memref<512xi32, #tpu.memory_space<vmem>>) target(%dma_start3A_43 : memref<512xi32, #tpu.memory_space<hbm>>) target_semaphore(%run_scoped3A : memref<!tpu.dma_semaphore, #tpu.memory_space<semaphore_mem>>)
        %dma_wait3A = arith.constant 0 : i32
        %dma_wait3A_46 = tpu.memref_slice %arg10[%dma_wait3A] : memref<528xi32, #tpu.memory_space<vmem>> -> memref<512xi32, #tpu.memory_space<vmem>>
        %dma_wait3A_47 = arith.constant 0 : i32
        %dma_wait3A_48 = tpu.memref_slice %arg5[%add3A_5, %dma_wait3A_47] : memref<80x512xi32, #tpu.memory_space<hbm>> -> memref<1x512xi32, #tpu.memory_space<hbm>>
        %dma_wait3A_49 = tpu.memref_squeeze %dma_wait3A_48 : memref<1x512xi32, #tpu.memory_space<hbm>> -> memref<512xi32, #tpu.memory_space<hbm>>
        %dma_wait3A_50 = arith.constant 0 : i32
        %dma_wait3A_51 = tpu.memref_slice %arg5[%add3A_5, %dma_wait3A_50] : memref<80x512xi32, #tpu.memory_space<hbm>> -> memref<1x512xi32, #tpu.memory_space<hbm>>
        %dma_wait3A_52 = tpu.memref_squeeze %dma_wait3A_51 : memref<1x512xi32, #tpu.memory_space<hbm>> -> memref<512xi32, #tpu.memory_space<hbm>>
        %dma_wait3A_53 = arith.constant 0 : i32
        %dma_wait3A_54 = tpu.memref_slice %arg10[%dma_wait3A_53] : memref<528xi32, #tpu.memory_space<vmem>> -> memref<512xi32, #tpu.memory_space<vmem>>
        tpu.wait_dma2 semaphore(%run_scoped3A : memref<!tpu.dma_semaphore, #tpu.memory_space<semaphore_mem>>) src(%dma_wait3A_54 : memref<512xi32, #tpu.memory_space<vmem>>) dst(%dma_wait3A_52 : memref<512xi32, #tpu.memory_space<hbm>>)
        tpu.yield
      }) : () -> ()
      "tpu.region"() ({
        %run_scoped3A = tpu.sem_alloc : memref<!tpu.dma_semaphore, #tpu.memory_space<semaphore_mem>>
        %dma_start3A = arith.constant 0 : i32
        %dma_start3A_37 = tpu.memref_slice %arg11[%dma_start3A] : memref<528xf32, #tpu.memory_space<vmem>> -> memref<512xf32, #tpu.memory_space<vmem>>
        %dma_start3A_38 = arith.constant 0 : i32
        %dma_start3A_39 = tpu.memref_slice %arg6[%add3A_5, %dma_start3A_38] : memref<80x512xf32, #tpu.memory_space<hbm>> -> memref<1x512xf32, #tpu.memory_space<hbm>>
        %dma_start3A_40 = tpu.memref_squeeze %dma_start3A_39 : memref<1x512xf32, #tpu.memory_space<hbm>> -> memref<512xf32, #tpu.memory_space<hbm>>
        %dma_start3A_41 = arith.constant 0 : i32
        %dma_start3A_42 = tpu.memref_slice %arg6[%add3A_5, %dma_start3A_41] : memref<80x512xf32, #tpu.memory_space<hbm>> -> memref<1x512xf32, #tpu.memory_space<hbm>>
        %dma_start3A_43 = tpu.memref_squeeze %dma_start3A_42 : memref<1x512xf32, #tpu.memory_space<hbm>> -> memref<512xf32, #tpu.memory_space<hbm>>
        %dma_start3A_44 = arith.constant 0 : i32
        %dma_start3A_45 = tpu.memref_slice %arg11[%dma_start3A_44] : memref<528xf32, #tpu.memory_space<vmem>> -> memref<512xf32, #tpu.memory_space<vmem>>
        tpu.enqueue_dma source(%dma_start3A_45 : memref<512xf32, #tpu.memory_space<vmem>>) target(%dma_start3A_43 : memref<512xf32, #tpu.memory_space<hbm>>) target_semaphore(%run_scoped3A : memref<!tpu.dma_semaphore, #tpu.memory_space<semaphore_mem>>)
        %dma_wait3A = arith.constant 0 : i32
        %dma_wait3A_46 = tpu.memref_slice %arg11[%dma_wait3A] : memref<528xf32, #tpu.memory_space<vmem>> -> memref<512xf32, #tpu.memory_space<vmem>>
        %dma_wait3A_47 = arith.constant 0 : i32
        %dma_wait3A_48 = tpu.memref_slice %arg6[%add3A_5, %dma_wait3A_47] : memref<80x512xf32, #tpu.memory_space<hbm>> -> memref<1x512xf32, #tpu.memory_space<hbm>>
        %dma_wait3A_49 = tpu.memref_squeeze %dma_wait3A_48 : memref<1x512xf32, #tpu.memory_space<hbm>> -> memref<512xf32, #tpu.memory_space<hbm>>
        %dma_wait3A_50 = arith.constant 0 : i32
        %dma_wait3A_51 = tpu.memref_slice %arg6[%add3A_5, %dma_wait3A_50] : memref<80x512xf32, #tpu.memory_space<hbm>> -> memref<1x512xf32, #tpu.memory_space<hbm>>
        %dma_wait3A_52 = tpu.memref_squeeze %dma_wait3A_51 : memref<1x512xf32, #tpu.memory_space<hbm>> -> memref<512xf32, #tpu.memory_space<hbm>>
        %dma_wait3A_53 = arith.constant 0 : i32
        %dma_wait3A_54 = tpu.memref_slice %arg11[%dma_wait3A_53] : memref<528xf32, #tpu.memory_space<vmem>> -> memref<512xf32, #tpu.memory_space<vmem>>
        tpu.wait_dma2 semaphore(%run_scoped3A : memref<!tpu.dma_semaphore, #tpu.memory_space<semaphore_mem>>) src(%dma_wait3A_54 : memref<512xf32, #tpu.memory_space<vmem>>) dst(%dma_wait3A_52 : memref<512xf32, #tpu.memory_space<hbm>>)
        tpu.yield
      }) : () -> ()
    } else {
    }
    %mul3A_8 = arith.constant 3 : i32
    %mul3A_9 = arith.muli %add3A, %mul3A_8 : i32
    %add3A_10 = arith.constant 1 : i32
    %add3A_11 = arith.addi %mul3A_9, %add3A_10 : i32
    %lt3A_12 = arith.constant 80 : i32
    %lt3A_13 = arith.cmpi slt, %add3A_11, %lt3A_12 : i32
    %convert_element_type3A_14 = arith.extui %lt3A_13 : i1 to i32
    %cond3A_15 = arith.constant 0 : i32
    %cond3A_16 = arith.cmpi ne, %convert_element_type3A_14, %cond3A_15 : i32
    scf.if %cond3A_16 {
      "tpu.region"() ({
        %run_scoped3A = tpu.sem_alloc : memref<!tpu.dma_semaphore, #tpu.memory_space<semaphore_mem>>
        %dma_start3A = arith.constant 0 : i32
        %dma_start3A_37 = tpu.memref_slice %arg2[%add3A_11, %dma_start3A] : memref<80x5120xf32, #tpu.memory_space<hbm>> -> memref<1x5120xf32, #tpu.memory_space<hbm>>
        %dma_start3A_38 = tpu.memref_squeeze %dma_start3A_37 : memref<1x5120xf32, #tpu.memory_space<hbm>> -> memref<5120xf32, #tpu.memory_space<hbm>>
        %dma_start3A_39 = arith.constant 0 : i32
        %dma_start3A_40 = tpu.memref_slice %arg2[%add3A_11, %dma_start3A_39] : memref<80x5120xf32, #tpu.memory_space<hbm>> -> memref<1x5120xf32, #tpu.memory_space<hbm>>
        %dma_start3A_41 = tpu.memref_squeeze %dma_start3A_40 : memref<1x5120xf32, #tpu.memory_space<hbm>> -> memref<5120xf32, #tpu.memory_space<hbm>>
        tpu.enqueue_dma source(%dma_start3A_41 : memref<5120xf32, #tpu.memory_space<hbm>>) target(%arg7 : memref<5120xf32, #tpu.memory_space<vmem>>) target_semaphore(%run_scoped3A : memref<!tpu.dma_semaphore, #tpu.memory_space<semaphore_mem>>)
        %dma_wait3A = arith.constant 0 : i32
        %dma_wait3A_42 = tpu.memref_slice %arg2[%add3A_11, %dma_wait3A] : memref<80x5120xf32, #tpu.memory_space<hbm>> -> memref<1x5120xf32, #tpu.memory_space<hbm>>
        %dma_wait3A_43 = tpu.memref_squeeze %dma_wait3A_42 : memref<1x5120xf32, #tpu.memory_space<hbm>> -> memref<5120xf32, #tpu.memory_space<hbm>>
        %dma_wait3A_44 = arith.constant 0 : i32
        %dma_wait3A_45 = tpu.memref_slice %arg2[%add3A_11, %dma_wait3A_44] : memref<80x5120xf32, #tpu.memory_space<hbm>> -> memref<1x5120xf32, #tpu.memory_space<hbm>>
        %dma_wait3A_46 = tpu.memref_squeeze %dma_wait3A_45 : memref<1x5120xf32, #tpu.memory_space<hbm>> -> memref<5120xf32, #tpu.memory_space<hbm>>
        tpu.wait_dma2 semaphore(%run_scoped3A : memref<!tpu.dma_semaphore, #tpu.memory_space<semaphore_mem>>) src(%dma_wait3A_46 : memref<5120xf32, #tpu.memory_space<hbm>>) dst(%arg7 : memref<5120xf32, #tpu.memory_space<vmem>>)
        tpu.yield
      }) : () -> ()
      "tpu.region"() ({
        %run_scoped3A = tpu.sem_alloc : memref<!tpu.dma_semaphore, #tpu.memory_space<semaphore_mem>>
        %dma_start3A = arith.constant 0 : i32
        %dma_start3A_37 = tpu.memref_slice %arg3[%add3A_11, %dma_start3A] : memref<80x16xf32, #tpu.memory_space<hbm>> -> memref<1x16xf32, #tpu.memory_space<hbm>>
        %dma_start3A_38 = tpu.memref_squeeze %dma_start3A_37 : memref<1x16xf32, #tpu.memory_space<hbm>> -> memref<16xf32, #tpu.memory_space<hbm>>
        %dma_start3A_39 = arith.constant 0 : i32
        %dma_start3A_40 = tpu.memref_slice %arg3[%add3A_11, %dma_start3A_39] : memref<80x16xf32, #tpu.memory_space<hbm>> -> memref<1x16xf32, #tpu.memory_space<hbm>>
        %dma_start3A_41 = tpu.memref_squeeze %dma_start3A_40 : memref<1x16xf32, #tpu.memory_space<hbm>> -> memref<16xf32, #tpu.memory_space<hbm>>
        tpu.enqueue_dma source(%dma_start3A_41 : memref<16xf32, #tpu.memory_space<hbm>>) target(%arg8 : memref<16xf32, #tpu.memory_space<vmem>>) target_semaphore(%run_scoped3A : memref<!tpu.dma_semaphore, #tpu.memory_space<semaphore_mem>>)
        %dma_wait3A = arith.constant 0 : i32
        %dma_wait3A_42 = tpu.memref_slice %arg3[%add3A_11, %dma_wait3A] : memref<80x16xf32, #tpu.memory_space<hbm>> -> memref<1x16xf32, #tpu.memory_space<hbm>>
        %dma_wait3A_43 = tpu.memref_squeeze %dma_wait3A_42 : memref<1x16xf32, #tpu.memory_space<hbm>> -> memref<16xf32, #tpu.memory_space<hbm>>
        %dma_wait3A_44 = arith.constant 0 : i32
        %dma_wait3A_45 = tpu.memref_slice %arg3[%add3A_11, %dma_wait3A_44] : memref<80x16xf32, #tpu.memory_space<hbm>> -> memref<1x16xf32, #tpu.memory_space<hbm>>
        %dma_wait3A_46 = tpu.memref_squeeze %dma_wait3A_45 : memref<1x16xf32, #tpu.memory_space<hbm>> -> memref<16xf32, #tpu.memory_space<hbm>>
        tpu.wait_dma2 semaphore(%run_scoped3A : memref<!tpu.dma_semaphore, #tpu.memory_space<semaphore_mem>>) src(%dma_wait3A_46 : memref<16xf32, #tpu.memory_space<hbm>>) dst(%arg8 : memref<16xf32, #tpu.memory_space<vmem>>)
        tpu.yield
      }) : () -> ()
      "tpu.region"() ({
        %run_scoped3A = tpu.sem_alloc : memref<!tpu.dma_semaphore, #tpu.memory_space<semaphore_mem>>
        %dma_start3A = arith.constant 0 : i32
        %dma_start3A_37 = tpu.memref_slice %arg4[%add3A_11, %dma_start3A] : memref<80x16xi32, #tpu.memory_space<hbm>> -> memref<1x16xi32, #tpu.memory_space<hbm>>
        %dma_start3A_38 = tpu.memref_squeeze %dma_start3A_37 : memref<1x16xi32, #tpu.memory_space<hbm>> -> memref<16xi32, #tpu.memory_space<hbm>>
        %dma_start3A_39 = arith.constant 0 : i32
        %dma_start3A_40 = tpu.memref_slice %arg4[%add3A_11, %dma_start3A_39] : memref<80x16xi32, #tpu.memory_space<hbm>> -> memref<1x16xi32, #tpu.memory_space<hbm>>
        %dma_start3A_41 = tpu.memref_squeeze %dma_start3A_40 : memref<1x16xi32, #tpu.memory_space<hbm>> -> memref<16xi32, #tpu.memory_space<hbm>>
        tpu.enqueue_dma source(%dma_start3A_41 : memref<16xi32, #tpu.memory_space<hbm>>) target(%arg9 : memref<16xi32, #tpu.memory_space<vmem>>) target_semaphore(%run_scoped3A : memref<!tpu.dma_semaphore, #tpu.memory_space<semaphore_mem>>)
        %dma_wait3A = arith.constant 0 : i32
        %dma_wait3A_42 = tpu.memref_slice %arg4[%add3A_11, %dma_wait3A] : memref<80x16xi32, #tpu.memory_space<hbm>> -> memref<1x16xi32, #tpu.memory_space<hbm>>
        %dma_wait3A_43 = tpu.memref_squeeze %dma_wait3A_42 : memref<1x16xi32, #tpu.memory_space<hbm>> -> memref<16xi32, #tpu.memory_space<hbm>>
        %dma_wait3A_44 = arith.constant 0 : i32
        %dma_wait3A_45 = tpu.memref_slice %arg4[%add3A_11, %dma_wait3A_44] : memref<80x16xi32, #tpu.memory_space<hbm>> -> memref<1x16xi32, #tpu.memory_space<hbm>>
        %dma_wait3A_46 = tpu.memref_squeeze %dma_wait3A_45 : memref<1x16xi32, #tpu.memory_space<hbm>> -> memref<16xi32, #tpu.memory_space<hbm>>
        tpu.wait_dma2 semaphore(%run_scoped3A : memref<!tpu.dma_semaphore, #tpu.memory_space<semaphore_mem>>) src(%dma_wait3A_46 : memref<16xi32, #tpu.memory_space<hbm>>) dst(%arg9 : memref<16xi32, #tpu.memory_space<vmem>>)
        tpu.yield
      }) : () -> ()
      %get3A = arith.constant 0 : index
      %get3A_26 = tpu.vector_load %arg8[%get3A] {strides = array<i32>} : memref<16xf32, #tpu.memory_space<vmem>>, vector<16xf32>,
      %get3A_27 = arith.constant 0 : index
      %get3A_28 = tpu.vector_load %arg9[%get3A_27] {strides = array<i32>} : memref<16xi32, #tpu.memory_space<vmem>>, vector<16xi32>,
      %broadcast_in_dim3A_29 = arith.constant 0 : i32
      %broadcast_in_dim3A_30 = vector.broadcast %broadcast_in_dim3A_29 : i32 to vector<16xi32>
      %scan3A = arith.constant 0 : i32
      %scan3A_31 = arith.constant 0 : i32
      %scan3A_32 = arith.constant 320 : i32
      %scan3A_33 = arith.addi %scan3A_31, %scan3A_32 : i32
      %scan3A_34 = arith.constant 1 : i32
      %scan3A_35:3 = scf.for %scan3A_37 = %scan3A_31 to %scan3A_33 step %scan3A_34 iter_args(%scan3A_38 = %scan3A, %scan3A_39 = %broadcast_in_dim3A_30, %scan3A_40 = %iota3A) -> (i32, vector<16xi32>, vector<16xi32>)  : i32 {
        %mul3A_41 = arith.constant 16 : i32
        %mul3A_42 = arith.muli %scan3A_37, %mul3A_41 : i32
        %get3A_43 = arith.index_cast %mul3A_42 : i32 to index
        %get3A_44 = tpu.vector_load %arg7[%get3A_43] {strides = array<i32>} : memref<5120xf32, #tpu.memory_space<vmem>>, vector<16xf32>,
        %gt3A = arith.cmpf ogt, %get3A_44, %get3A_26 : vector<16xf32>
        %eq3A = arith.cmpf oeq, %get3A_44, %get3A_26 : vector<16xf32>
        %convert_element_type3A_45 = arith.extui %eq3A : vector<16xi1> to vector<16xi32>
        %broadcast_in_dim3A_46 = arith.constant true
        %broadcast_in_dim3A_47 = vector.broadcast %broadcast_in_dim3A_46 : i1 to vector<16xi1>
        %masked_cumsum3A = tpu.scan <sum>, %convert_element_type3A_45 masked %broadcast_in_dim3A_47 : vector<16xi32>, vector<16xi1> -> vector<16xi32>
        %add3A_48 = arith.addi %masked_cumsum3A, %scan3A_39 : vector<16xi32>
        %le3A = arith.cmpi sle, %add3A_48, %get3A_28 : vector<16xi32>
        %and3A = arith.andi %eq3A, %le3A : vector<16xi1>
        %or3A = arith.ori %gt3A, %and3A : vector<16xi1>
        %swap3A = arith.index_cast %scan3A_38 : i32 to index
        %swap3A_49 = tpu.vector_load %arg10[%swap3A] masked %or3A {strides = array<i32>} : memref<528xi32, #tpu.memory_space<vmem>>, vector<16xi32>, vector<16xi1>
        tpu.vector_store %arg10[%swap3A], %scan3A_40 masked %or3A {strides = array<i32>} : memref<528xi32, #tpu.memory_space<vmem>>, vector<16xi32>, vector<16xi1>
        %swap3A_50 = arith.index_cast %scan3A_38 : i32 to index
        %swap3A_51 = tpu.vector_load %arg11[%swap3A_50] masked %or3A {strides = array<i32>} : memref<528xf32, #tpu.memory_space<vmem>>, vector<16xf32>, vector<16xi1>
        tpu.vector_store %arg11[%swap3A_50], %get3A_44 masked %or3A {strides = array<i32>} : memref<528xf32, #tpu.memory_space<vmem>>, vector<16xf32>, vector<16xi1>
        %convert_element_type3A_52 = arith.extui %or3A : vector<16xi1> to vector<16xi32>
        %reduce_sum3A = arith.constant true
        %reduce_sum3A_53 = vector.broadcast %reduce_sum3A : i1 to vector<16xi1>
        %reduce_sum3A_54 = tpu.scan <sum>, %convert_element_type3A_52 masked %reduce_sum3A_53 : vector<16xi32>, vector<16xi1> -> vector<16xi32>
        %reduce_sum3A_55 = vector.extract %reduce_sum3A_54[15] : i32 from vector<16xi32>
        %add3A_56 = arith.addi %scan3A_38, %reduce_sum3A_55 : i32
        %all_reduce_population_count3A = tpu.all_reduce %eq3A {dim = 0 : i64, kind = #tpu.reduction_kind<sum>} : vector<16xi1> -> vector<16xi32>
        %add3A_57 = arith.addi %scan3A_39, %all_reduce_population_count3A : vector<16xi32>
        %add3A_58 = arith.addi %scan3A_40, %broadcast_in_dim3A_1 : vector<16xi32>
        scf.yield %add3A_56, %add3A_57, %add3A_58 : i32, vector<16xi32>, vector<16xi32>
      }
      %scan3A_36 = arith.constant 320 : i32
      "tpu.region"() ({
        %run_scoped3A = tpu.sem_alloc : memref<!tpu.dma_semaphore, #tpu.memory_space<semaphore_mem>>
        %dma_start3A = arith.constant 0 : i32
        %dma_start3A_37 = tpu.memref_slice %arg10[%dma_start3A] : memref<528xi32, #tpu.memory_space<vmem>> -> memref<512xi32, #tpu.memory_space<vmem>>
        %dma_start3A_38 = arith.constant 0 : i32
        %dma_start3A_39 = tpu.memref_slice %arg5[%add3A_11, %dma_start3A_38] : memref<80x512xi32, #tpu.memory_space<hbm>> -> memref<1x512xi32, #tpu.memory_space<hbm>>
        %dma_start3A_40 = tpu.memref_squeeze %dma_start3A_39 : memref<1x512xi32, #tpu.memory_space<hbm>> -> memref<512xi32, #tpu.memory_space<hbm>>
        %dma_start3A_41 = arith.constant 0 : i32
        %dma_start3A_42 = tpu.memref_slice %arg5[%add3A_11, %dma_start3A_41] : memref<80x512xi32, #tpu.memory_space<hbm>> -> memref<1x512xi32, #tpu.memory_space<hbm>>
        %dma_start3A_43 = tpu.memref_squeeze %dma_start3A_42 : memref<1x512xi32, #tpu.memory_space<hbm>> -> memref<512xi32, #tpu.memory_space<hbm>>
        %dma_start3A_44 = arith.constant 0 : i32
        %dma_start3A_45 = tpu.memref_slice %arg10[%dma_start3A_44] : memref<528xi32, #tpu.memory_space<vmem>> -> memref<512xi32, #tpu.memory_space<vmem>>
        tpu.enqueue_dma source(%dma_start3A_45 : memref<512xi32, #tpu.memory_space<vmem>>) target(%dma_start3A_43 : memref<512xi32, #tpu.memory_space<hbm>>) target_semaphore(%run_scoped3A : memref<!tpu.dma_semaphore, #tpu.memory_space<semaphore_mem>>)
        %dma_wait3A = arith.constant 0 : i32
        %dma_wait3A_46 = tpu.memref_slice %arg10[%dma_wait3A] : memref<528xi32, #tpu.memory_space<vmem>> -> memref<512xi32, #tpu.memory_space<vmem>>
        %dma_wait3A_47 = arith.constant 0 : i32
        %dma_wait3A_48 = tpu.memref_slice %arg5[%add3A_11, %dma_wait3A_47] : memref<80x512xi32, #tpu.memory_space<hbm>> -> memref<1x512xi32, #tpu.memory_space<hbm>>
        %dma_wait3A_49 = tpu.memref_squeeze %dma_wait3A_48 : memref<1x512xi32, #tpu.memory_space<hbm>> -> memref<512xi32, #tpu.memory_space<hbm>>
        %dma_wait3A_50 = arith.constant 0 : i32
        %dma_wait3A_51 = tpu.memref_slice %arg5[%add3A_11, %dma_wait3A_50] : memref<80x512xi32, #tpu.memory_space<hbm>> -> memref<1x512xi32, #tpu.memory_space<hbm>>
        %dma_wait3A_52 = tpu.memref_squeeze %dma_wait3A_51 : memref<1x512xi32, #tpu.memory_space<hbm>> -> memref<512xi32, #tpu.memory_space<hbm>>
        %dma_wait3A_53 = arith.constant 0 : i32
        %dma_wait3A_54 = tpu.memref_slice %arg10[%dma_wait3A_53] : memref<528xi32, #tpu.memory_space<vmem>> -> memref<512xi32, #tpu.memory_space<vmem>>
        tpu.wait_dma2 semaphore(%run_scoped3A : memref<!tpu.dma_semaphore, #tpu.memory_space<semaphore_mem>>) src(%dma_wait3A_54 : memref<512xi32, #tpu.memory_space<vmem>>) dst(%dma_wait3A_52 : memref<512xi32, #tpu.memory_space<hbm>>)
        tpu.yield
      }) : () -> ()
      "tpu.region"() ({
        %run_scoped3A = tpu.sem_alloc : memref<!tpu.dma_semaphore, #tpu.memory_space<semaphore_mem>>
        %dma_start3A = arith.constant 0 : i32
        %dma_start3A_37 = tpu.memref_slice %arg11[%dma_start3A] : memref<528xf32, #tpu.memory_space<vmem>> -> memref<512xf32, #tpu.memory_space<vmem>>
        %dma_start3A_38 = arith.constant 0 : i32
        %dma_start3A_39 = tpu.memref_slice %arg6[%add3A_11, %dma_start3A_38] : memref<80x512xf32, #tpu.memory_space<hbm>> -> memref<1x512xf32, #tpu.memory_space<hbm>>
        %dma_start3A_40 = tpu.memref_squeeze %dma_start3A_39 : memref<1x512xf32, #tpu.memory_space<hbm>> -> memref<512xf32, #tpu.memory_space<hbm>>
        %dma_start3A_41 = arith.constant 0 : i32
        %dma_start3A_42 = tpu.memref_slice %arg6[%add3A_11, %dma_start3A_41] : memref<80x512xf32, #tpu.memory_space<hbm>> -> memref<1x512xf32, #tpu.memory_space<hbm>>
        %dma_start3A_43 = tpu.memref_squeeze %dma_start3A_42 : memref<1x512xf32, #tpu.memory_space<hbm>> -> memref<512xf32, #tpu.memory_space<hbm>>
        %dma_start3A_44 = arith.constant 0 : i32
        %dma_start3A_45 = tpu.memref_slice %arg11[%dma_start3A_44] : memref<528xf32, #tpu.memory_space<vmem>> -> memref<512xf32, #tpu.memory_space<vmem>>
        tpu.enqueue_dma source(%dma_start3A_45 : memref<512xf32, #tpu.memory_space<vmem>>) target(%dma_start3A_43 : memref<512xf32, #tpu.memory_space<hbm>>) target_semaphore(%run_scoped3A : memref<!tpu.dma_semaphore, #tpu.memory_space<semaphore_mem>>)
        %dma_wait3A = arith.constant 0 : i32
        %dma_wait3A_46 = tpu.memref_slice %arg11[%dma_wait3A] : memref<528xf32, #tpu.memory_space<vmem>> -> memref<512xf32, #tpu.memory_space<vmem>>
        %dma_wait3A_47 = arith.constant 0 : i32
        %dma_wait3A_48 = tpu.memref_slice %arg6[%add3A_11, %dma_wait3A_47] : memref<80x512xf32, #tpu.memory_space<hbm>> -> memref<1x512xf32, #tpu.memory_space<hbm>>
        %dma_wait3A_49 = tpu.memref_squeeze %dma_wait3A_48 : memref<1x512xf32, #tpu.memory_space<hbm>> -> memref<512xf32, #tpu.memory_space<hbm>>
        %dma_wait3A_50 = arith.constant 0 : i32
        %dma_wait3A_51 = tpu.memref_slice %arg6[%add3A_11, %dma_wait3A_50] : memref<80x512xf32, #tpu.memory_space<hbm>> -> memref<1x512xf32, #tpu.memory_space<hbm>>
        %dma_wait3A_52 = tpu.memref_squeeze %dma_wait3A_51 : memref<1x512xf32, #tpu.memory_space<hbm>> -> memref<512xf32, #tpu.memory_space<hbm>>
        %dma_wait3A_53 = arith.constant 0 : i32
        %dma_wait3A_54 = tpu.memref_slice %arg11[%dma_wait3A_53] : memref<528xf32, #tpu.memory_space<vmem>> -> memref<512xf32, #tpu.memory_space<vmem>>
        tpu.wait_dma2 semaphore(%run_scoped3A : memref<!tpu.dma_semaphore, #tpu.memory_space<semaphore_mem>>) src(%dma_wait3A_54 : memref<512xf32, #tpu.memory_space<vmem>>) dst(%dma_wait3A_52 : memref<512xf32, #tpu.memory_space<hbm>>)
        tpu.yield
      }) : () -> ()
    } else {
    }
    %mul3A_17 = arith.constant 3 : i32
    %mul3A_18 = arith.muli %add3A, %mul3A_17 : i32
    %add3A_19 = arith.constant 2 : i32
    %add3A_20 = arith.addi %mul3A_18, %add3A_19 : i32
    %lt3A_21 = arith.constant 80 : i32
    %lt3A_22 = arith.cmpi slt, %add3A_20, %lt3A_21 : i32
    %convert_element_type3A_23 = arith.extui %lt3A_22 : i1 to i32
    %cond3A_24 = arith.constant 0 : i32
    %cond3A_25 = arith.cmpi ne, %convert_element_type3A_23, %cond3A_24 : i32
    scf.if %cond3A_25 {
      "tpu.region"() ({
        %run_scoped3A = tpu.sem_alloc : memref<!tpu.dma_semaphore, #tpu.memory_space<semaphore_mem>>
        %dma_start3A = arith.constant 0 : i32
        %dma_start3A_37 = tpu.memref_slice %arg2[%add3A_20, %dma_start3A] : memref<80x5120xf32, #tpu.memory_space<hbm>> -> memref<1x5120xf32, #tpu.memory_space<hbm>>
        %dma_start3A_38 = tpu.memref_squeeze %dma_start3A_37 : memref<1x5120xf32, #tpu.memory_space<hbm>> -> memref<5120xf32, #tpu.memory_space<hbm>>
        %dma_start3A_39 = arith.constant 0 : i32
        %dma_start3A_40 = tpu.memref_slice %arg2[%add3A_20, %dma_start3A_39] : memref<80x5120xf32, #tpu.memory_space<hbm>> -> memref<1x5120xf32, #tpu.memory_space<hbm>>
        %dma_start3A_41 = tpu.memref_squeeze %dma_start3A_40 : memref<1x5120xf32, #tpu.memory_space<hbm>> -> memref<5120xf32, #tpu.memory_space<hbm>>
        tpu.enqueue_dma source(%dma_start3A_41 : memref<5120xf32, #tpu.memory_space<hbm>>) target(%arg7 : memref<5120xf32, #tpu.memory_space<vmem>>) target_semaphore(%run_scoped3A : memref<!tpu.dma_semaphore, #tpu.memory_space<semaphore_mem>>)
        %dma_wait3A = arith.constant 0 : i32
        %dma_wait3A_42 = tpu.memref_slice %arg2[%add3A_20, %dma_wait3A] : memref<80x5120xf32, #tpu.memory_space<hbm>> -> memref<1x5120xf32, #tpu.memory_space<hbm>>
        %dma_wait3A_43 = tpu.memref_squeeze %dma_wait3A_42 : memref<1x5120xf32, #tpu.memory_space<hbm>> -> memref<5120xf32, #tpu.memory_space<hbm>>
        %dma_wait3A_44 = arith.constant 0 : i32
        %dma_wait3A_45 = tpu.memref_slice %arg2[%add3A_20, %dma_wait3A_44] : memref<80x5120xf32, #tpu.memory_space<hbm>> -> memref<1x5120xf32, #tpu.memory_space<hbm>>
        %dma_wait3A_46 = tpu.memref_squeeze %dma_wait3A_45 : memref<1x5120xf32, #tpu.memory_space<hbm>> -> memref<5120xf32, #tpu.memory_space<hbm>>
        tpu.wait_dma2 semaphore(%run_scoped3A : memref<!tpu.dma_semaphore, #tpu.memory_space<semaphore_mem>>) src(%dma_wait3A_46 : memref<5120xf32, #tpu.memory_space<hbm>>) dst(%arg7 : memref<5120xf32, #tpu.memory_space<vmem>>)
        tpu.yield
      }) : () -> ()
      "tpu.region"() ({
        %run_scoped3A = tpu.sem_alloc : memref<!tpu.dma_semaphore, #tpu.memory_space<semaphore_mem>>
        %dma_start3A = arith.constant 0 : i32
        %dma_start3A_37 = tpu.memref_slice %arg3[%add3A_20, %dma_start3A] : memref<80x16xf32, #tpu.memory_space<hbm>> -> memref<1x16xf32, #tpu.memory_space<hbm>>
        %dma_start3A_38 = tpu.memref_squeeze %dma_start3A_37 : memref<1x16xf32, #tpu.memory_space<hbm>> -> memref<16xf32, #tpu.memory_space<hbm>>
        %dma_start3A_39 = arith.constant 0 : i32
        %dma_start3A_40 = tpu.memref_slice %arg3[%add3A_20, %dma_start3A_39] : memref<80x16xf32, #tpu.memory_space<hbm>> -> memref<1x16xf32, #tpu.memory_space<hbm>>
        %dma_start3A_41 = tpu.memref_squeeze %dma_start3A_40 : memref<1x16xf32, #tpu.memory_space<hbm>> -> memref<16xf32, #tpu.memory_space<hbm>>
        tpu.enqueue_dma source(%dma_start3A_41 : memref<16xf32, #tpu.memory_space<hbm>>) target(%arg8 : memref<16xf32, #tpu.memory_space<vmem>>) target_semaphore(%run_scoped3A : memref<!tpu.dma_semaphore, #tpu.memory_space<semaphore_mem>>)
        %dma_wait3A = arith.constant 0 : i32
        %dma_wait3A_42 = tpu.memref_slice %arg3[%add3A_20, %dma_wait3A] : memref<80x16xf32, #tpu.memory_space<hbm>> -> memref<1x16xf32, #tpu.memory_space<hbm>>
        %dma_wait3A_43 = tpu.memref_squeeze %dma_wait3A_42 : memref<1x16xf32, #tpu.memory_space<hbm>> -> memref<16xf32, #tpu.memory_space<hbm>>
        %dma_wait3A_44 = arith.constant 0 : i32
        %dma_wait3A_45 = tpu.memref_slice %arg3[%add3A_20, %dma_wait3A_44] : memref<80x16xf32, #tpu.memory_space<hbm>> -> memref<1x16xf32, #tpu.memory_space<hbm>>
        %dma_wait3A_46 = tpu.memref_squeeze %dma_wait3A_45 : memref<1x16xf32, #tpu.memory_space<hbm>> -> memref<16xf32, #tpu.memory_space<hbm>>
        tpu.wait_dma2 semaphore(%run_scoped3A : memref<!tpu.dma_semaphore, #tpu.memory_space<semaphore_mem>>) src(%dma_wait3A_46 : memref<16xf32, #tpu.memory_space<hbm>>) dst(%arg8 : memref<16xf32, #tpu.memory_space<vmem>>)
        tpu.yield
      }) : () -> ()
      "tpu.region"() ({
        %run_scoped3A = tpu.sem_alloc : memref<!tpu.dma_semaphore, #tpu.memory_space<semaphore_mem>>
        %dma_start3A = arith.constant 0 : i32
        %dma_start3A_37 = tpu.memref_slice %arg4[%add3A_20, %dma_start3A] : memref<80x16xi32, #tpu.memory_space<hbm>> -> memref<1x16xi32, #tpu.memory_space<hbm>>
        %dma_start3A_38 = tpu.memref_squeeze %dma_start3A_37 : memref<1x16xi32, #tpu.memory_space<hbm>> -> memref<16xi32, #tpu.memory_space<hbm>>
        %dma_start3A_39 = arith.constant 0 : i32
        %dma_start3A_40 = tpu.memref_slice %arg4[%add3A_20, %dma_start3A_39] : memref<80x16xi32, #tpu.memory_space<hbm>> -> memref<1x16xi32, #tpu.memory_space<hbm>>
        %dma_start3A_41 = tpu.memref_squeeze %dma_start3A_40 : memref<1x16xi32, #tpu.memory_space<hbm>> -> memref<16xi32, #tpu.memory_space<hbm>>
        tpu.enqueue_dma source(%dma_start3A_41 : memref<16xi32, #tpu.memory_space<hbm>>) target(%arg9 : memref<16xi32, #tpu.memory_space<vmem>>) target_semaphore(%run_scoped3A : memref<!tpu.dma_semaphore, #tpu.memory_space<semaphore_mem>>)
        %dma_wait3A = arith.constant 0 : i32
        %dma_wait3A_42 = tpu.memref_slice %arg4[%add3A_20, %dma_wait3A] : memref<80x16xi32, #tpu.memory_space<hbm>> -> memref<1x16xi32, #tpu.memory_space<hbm>>
        %dma_wait3A_43 = tpu.memref_squeeze %dma_wait3A_42 : memref<1x16xi32, #tpu.memory_space<hbm>> -> memref<16xi32, #tpu.memory_space<hbm>>
        %dma_wait3A_44 = arith.constant 0 : i32
        %dma_wait3A_45 = tpu.memref_slice %arg4[%add3A_20, %dma_wait3A_44] : memref<80x16xi32, #tpu.memory_space<hbm>> -> memref<1x16xi32, #tpu.memory_space<hbm>>
        %dma_wait3A_46 = tpu.memref_squeeze %dma_wait3A_45 : memref<1x16xi32, #tpu.memory_space<hbm>> -> memref<16xi32, #tpu.memory_space<hbm>>
        tpu.wait_dma2 semaphore(%run_scoped3A : memref<!tpu.dma_semaphore, #tpu.memory_space<semaphore_mem>>) src(%dma_wait3A_46 : memref<16xi32, #tpu.memory_space<hbm>>) dst(%arg9 : memref<16xi32, #tpu.memory_space<vmem>>)
        tpu.yield
      }) : () -> ()
      %get3A = arith.constant 0 : index
      %get3A_26 = tpu.vector_load %arg8[%get3A] {strides = array<i32>} : memref<16xf32, #tpu.memory_space<vmem>>, vector<16xf32>,
      %get3A_27 = arith.constant 0 : index
      %get3A_28 = tpu.vector_load %arg9[%get3A_27] {strides = array<i32>} : memref<16xi32, #tpu.memory_space<vmem>>, vector<16xi32>,
      %broadcast_in_dim3A_29 = arith.constant 0 : i32
      %broadcast_in_dim3A_30 = vector.broadcast %broadcast_in_dim3A_29 : i32 to vector<16xi32>
      %scan3A = arith.constant 0 : i32
      %scan3A_31 = arith.constant 0 : i32
      %scan3A_32 = arith.constant 320 : i32
      %scan3A_33 = arith.addi %scan3A_31, %scan3A_32 : i32
      %scan3A_34 = arith.constant 1 : i32
      %scan3A_35:3 = scf.for %scan3A_37 = %scan3A_31 to %scan3A_33 step %scan3A_34 iter_args(%scan3A_38 = %scan3A, %scan3A_39 = %broadcast_in_dim3A_30, %scan3A_40 = %iota3A) -> (i32, vector<16xi32>, vector<16xi32>)  : i32 {
        %mul3A_41 = arith.constant 16 : i32
        %mul3A_42 = arith.muli %scan3A_37, %mul3A_41 : i32
        %get3A_43 = arith.index_cast %mul3A_42 : i32 to index
        %get3A_44 = tpu.vector_load %arg7[%get3A_43] {strides = array<i32>} : memref<5120xf32, #tpu.memory_space<vmem>>, vector<16xf32>,
        %gt3A = arith.cmpf ogt, %get3A_44, %get3A_26 : vector<16xf32>
        %eq3A = arith.cmpf oeq, %get3A_44, %get3A_26 : vector<16xf32>
        %convert_element_type3A_45 = arith.extui %eq3A : vector<16xi1> to vector<16xi32>
        %broadcast_in_dim3A_46 = arith.constant true
        %broadcast_in_dim3A_47 = vector.broadcast %broadcast_in_dim3A_46 : i1 to vector<16xi1>
        %masked_cumsum3A = tpu.scan <sum>, %convert_element_type3A_45 masked %broadcast_in_dim3A_47 : vector<16xi32>, vector<16xi1> -> vector<16xi32>
        %add3A_48 = arith.addi %masked_cumsum3A, %scan3A_39 : vector<16xi32>
        %le3A = arith.cmpi sle, %add3A_48, %get3A_28 : vector<16xi32>
        %and3A = arith.andi %eq3A, %le3A : vector<16xi1>
        %or3A = arith.ori %gt3A, %and3A : vector<16xi1>
        %swap3A = arith.index_cast %scan3A_38 : i32 to index
        %swap3A_49 = tpu.vector_load %arg10[%swap3A] masked %or3A {strides = array<i32>} : memref<528xi32, #tpu.memory_space<vmem>>, vector<16xi32>, vector<16xi1>
        tpu.vector_store %arg10[%swap3A], %scan3A_40 masked %or3A {strides = array<i32>} : memref<528xi32, #tpu.memory_space<vmem>>, vector<16xi32>, vector<16xi1>
        %swap3A_50 = arith.index_cast %scan3A_38 : i32 to index
        %swap3A_51 = tpu.vector_load %arg11[%swap3A_50] masked %or3A {strides = array<i32>} : memref<528xf32, #tpu.memory_space<vmem>>, vector<16xf32>, vector<16xi1>
        tpu.vector_store %arg11[%swap3A_50], %get3A_44 masked %or3A {strides = array<i32>} : memref<528xf32, #tpu.memory_space<vmem>>, vector<16xf32>, vector<16xi1>
        %convert_element_type3A_52 = arith.extui %or3A : vector<16xi1> to vector<16xi32>
        %reduce_sum3A = arith.constant true
        %reduce_sum3A_53 = vector.broadcast %reduce_sum3A : i1 to vector<16xi1>
        %reduce_sum3A_54 = tpu.scan <sum>, %convert_element_type3A_52 masked %reduce_sum3A_53 : vector<16xi32>, vector<16xi1> -> vector<16xi32>
        %reduce_sum3A_55 = vector.extract %reduce_sum3A_54[15] : i32 from vector<16xi32>
        %add3A_56 = arith.addi %scan3A_38, %reduce_sum3A_55 : i32
        %all_reduce_population_count3A = tpu.all_reduce %eq3A {dim = 0 : i64, kind = #tpu.reduction_kind<sum>} : vector<16xi1> -> vector<16xi32>
        %add3A_57 = arith.addi %scan3A_39, %all_reduce_population_count3A : vector<16xi32>
        %add3A_58 = arith.addi %scan3A_40, %broadcast_in_dim3A_1 : vector<16xi32>
        scf.yield %add3A_56, %add3A_57, %add3A_58 : i32, vector<16xi32>, vector<16xi32>
      }
      %scan3A_36 = arith.constant 320 : i32
      "tpu.region"() ({
        %run_scoped3A = tpu.sem_alloc : memref<!tpu.dma_semaphore, #tpu.memory_space<semaphore_mem>>
        %dma_start3A = arith.constant 0 : i32
        %dma_start3A_37 = tpu.memref_slice %arg10[%dma_start3A] : memref<528xi32, #tpu.memory_space<vmem>> -> memref<512xi32, #tpu.memory_space<vmem>>
        %dma_start3A_38 = arith.constant 0 : i32
        %dma_start3A_39 = tpu.memref_slice %arg5[%add3A_20, %dma_start3A_38] : memref<80x512xi32, #tpu.memory_space<hbm>> -> memref<1x512xi32, #tpu.memory_space<hbm>>
        %dma_start3A_40 = tpu.memref_squeeze %dma_start3A_39 : memref<1x512xi32, #tpu.memory_space<hbm>> -> memref<512xi32, #tpu.memory_space<hbm>>
        %dma_start3A_41 = arith.constant 0 : i32
        %dma_start3A_42 = tpu.memref_slice %arg5[%add3A_20, %dma_start3A_41] : memref<80x512xi32, #tpu.memory_space<hbm>> -> memref<1x512xi32, #tpu.memory_space<hbm>>
        %dma_start3A_43 = tpu.memref_squeeze %dma_start3A_42 : memref<1x512xi32, #tpu.memory_space<hbm>> -> memref<512xi32, #tpu.memory_space<hbm>>
        %dma_start3A_44 = arith.constant 0 : i32
        %dma_start3A_45 = tpu.memref_slice %arg10[%dma_start3A_44] : memref<528xi32, #tpu.memory_space<vmem>> -> memref<512xi32, #tpu.memory_space<vmem>>
        tpu.enqueue_dma source(%dma_start3A_45 : memref<512xi32, #tpu.memory_space<vmem>>) target(%dma_start3A_43 : memref<512xi32, #tpu.memory_space<hbm>>) target_semaphore(%run_scoped3A : memref<!tpu.dma_semaphore, #tpu.memory_space<semaphore_mem>>)
        %dma_wait3A = arith.constant 0 : i32
        %dma_wait3A_46 = tpu.memref_slice %arg10[%dma_wait3A] : memref<528xi32, #tpu.memory_space<vmem>> -> memref<512xi32, #tpu.memory_space<vmem>>
        %dma_wait3A_47 = arith.constant 0 : i32
        %dma_wait3A_48 = tpu.memref_slice %arg5[%add3A_20, %dma_wait3A_47] : memref<80x512xi32, #tpu.memory_space<hbm>> -> memref<1x512xi32, #tpu.memory_space<hbm>>
        %dma_wait3A_49 = tpu.memref_squeeze %dma_wait3A_48 : memref<1x512xi32, #tpu.memory_space<hbm>> -> memref<512xi32, #tpu.memory_space<hbm>>
        %dma_wait3A_50 = arith.constant 0 : i32
        %dma_wait3A_51 = tpu.memref_slice %arg5[%add3A_20, %dma_wait3A_50] : memref<80x512xi32, #tpu.memory_space<hbm>> -> memref<1x512xi32, #tpu.memory_space<hbm>>
        %dma_wait3A_52 = tpu.memref_squeeze %dma_wait3A_51 : memref<1x512xi32, #tpu.memory_space<hbm>> -> memref<512xi32, #tpu.memory_space<hbm>>
        %dma_wait3A_53 = arith.constant 0 : i32
        %dma_wait3A_54 = tpu.memref_slice %arg10[%dma_wait3A_53] : memref<528xi32, #tpu.memory_space<vmem>> -> memref<512xi32, #tpu.memory_space<vmem>>
        tpu.wait_dma2 semaphore(%run_scoped3A : memref<!tpu.dma_semaphore, #tpu.memory_space<semaphore_mem>>) src(%dma_wait3A_54 : memref<512xi32, #tpu.memory_space<vmem>>) dst(%dma_wait3A_52 : memref<512xi32, #tpu.memory_space<hbm>>)
        tpu.yield
      }) : () -> ()
      "tpu.region"() ({
        %run_scoped3A = tpu.sem_alloc : memref<!tpu.dma_semaphore, #tpu.memory_space<semaphore_mem>>
        %dma_start3A = arith.constant 0 : i32
        %dma_start3A_37 = tpu.memref_slice %arg11[%dma_start3A] : memref<528xf32, #tpu.memory_space<vmem>> -> memref<512xf32, #tpu.memory_space<vmem>>
        %dma_start3A_38 = arith.constant 0 : i32
        %dma_start3A_39 = tpu.memref_slice %arg6[%add3A_20, %dma_start3A_38] : memref<80x512xf32, #tpu.memory_space<hbm>> -> memref<1x512xf32, #tpu.memory_space<hbm>>
        %dma_start3A_40 = tpu.memref_squeeze %dma_start3A_39 : memref<1x512xf32, #tpu.memory_space<hbm>> -> memref<512xf32, #tpu.memory_space<hbm>>
        %dma_start3A_41 = arith.constant 0 : i32
        %dma_start3A_42 = tpu.memref_slice %arg6[%add3A_20, %dma_start3A_41] : memref<80x512xf32, #tpu.memory_space<hbm>> -> memref<1x512xf32, #tpu.memory_space<hbm>>
        %dma_start3A_43 = tpu.memref_squeeze %dma_start3A_42 : memref<1x512xf32, #tpu.memory_space<hbm>> -> memref<512xf32, #tpu.memory_space<hbm>>
        %dma_start3A_44 = arith.constant 0 : i32
        %dma_start3A_45 = tpu.memref_slice %arg11[%dma_start3A_44] : memref<528xf32, #tpu.memory_space<vmem>> -> memref<512xf32, #tpu.memory_space<vmem>>
        tpu.enqueue_dma source(%dma_start3A_45 : memref<512xf32, #tpu.memory_space<vmem>>) target(%dma_start3A_43 : memref<512xf32, #tpu.memory_space<hbm>>) target_semaphore(%run_scoped3A : memref<!tpu.dma_semaphore, #tpu.memory_space<semaphore_mem>>)
        %dma_wait3A = arith.constant 0 : i32
        %dma_wait3A_46 = tpu.memref_slice %arg11[%dma_wait3A] : memref<528xf32, #tpu.memory_space<vmem>> -> memref<512xf32, #tpu.memory_space<vmem>>
        %dma_wait3A_47 = arith.constant 0 : i32
        %dma_wait3A_48 = tpu.memref_slice %arg6[%add3A_20, %dma_wait3A_47] : memref<80x512xf32, #tpu.memory_space<hbm>> -> memref<1x512xf32, #tpu.memory_space<hbm>>
        %dma_wait3A_49 = tpu.memref_squeeze %dma_wait3A_48 : memref<1x512xf32, #tpu.memory_space<hbm>> -> memref<512xf32, #tpu.memory_space<hbm>>
        %dma_wait3A_50 = arith.constant 0 : i32
        %dma_wait3A_51 = tpu.memref_slice %arg6[%add3A_20, %dma_wait3A_50] : memref<80x512xf32, #tpu.memory_space<hbm>> -> memref<1x512xf32, #tpu.memory_space<hbm>>
        %dma_wait3A_52 = tpu.memref_squeeze %dma_wait3A_51 : memref<1x512xf32, #tpu.memory_space<hbm>> -> memref<512xf32, #tpu.memory_space<hbm>>
        %dma_wait3A_53 = arith.constant 0 : i32
        %dma_wait3A_54 = tpu.memref_slice %arg11[%dma_wait3A_53] : memref<528xf32, #tpu.memory_space<vmem>> -> memref<512xf32, #tpu.memory_space<vmem>>
        tpu.wait_dma2 semaphore(%run_scoped3A : memref<!tpu.dma_semaphore, #tpu.memory_space<semaphore_mem>>) src(%dma_wait3A_54 : memref<512xf32, #tpu.memory_space<vmem>>) dst(%dma_wait3A_52 : memref<512xf32, #tpu.memory_space<hbm>>)
        tpu.yield
      }) : () -> ()
    } else {
    }
    return
  }
}

#map = affine_map<(d0, d1) -> (0, 0)>
module attributes {stable_mosaic.version = 14 : i64} {
  func.func @sel_kernel(%arg0: i32, %arg1: i32, %arg2: memref<80x5120xf32, #tpu.memory_space<hbm>>, %arg3: memref<80x16xf32, #tpu.memory_space<hbm>>, %arg4: memref<80x16xi32, #tpu.memory_space<hbm>>, %arg5: memref<80x512xi32, #tpu.memory_space<hbm>>, %arg6: memref<80x512xf32, #tpu.memory_space<hbm>>, %arg7: memref<5120xf32, #tpu.memory_space<vmem>>, %arg8: memref<16xf32, #tpu.memory_space<vmem>>, %arg9: memref<16xi32, #tpu.memory_space<vmem>>, %arg10: memref<528xi32, #tpu.memory_space<vmem>>, %arg11: memref<528xf32, #tpu.memory_space<vmem>>) attributes {dimension_semantics = [#tpu.dimension_semantics<core_parallel>, #tpu.dimension_semantics<subcore_parallel>], iteration_bounds = array<i64: 2, 16>, scalar_prefetch = 0 : i64, scratch_operands = 5 : i64, tpu.core_type = #tpu.core_type<sc_vector_subcore>, window_params = [{transform_indices = #map}, {transform_indices = #map}, {transform_indices = #map}, {transform_indices = #map}, {transform_indices = #map}]} {
    %mul3A = arith.constant 2 : i32
    %mul3A_0 = arith.muli %arg1, %mul3A : i32
    %add3A = arith.addi %mul3A_0, %arg0 : i32
    %iota3A = tpu.iota {dimensions = array<i32: 0>} : vector<16xi32>
    %broadcast_in_dim3A = arith.constant 16 : i32
    %broadcast_in_dim3A_1 = vector.broadcast %broadcast_in_dim3A : i32 to vector<16xi32>
    %mul3A_2 = arith.constant 3 : i32
    %mul3A_3 = arith.muli %add3A, %mul3A_2 : i32
    %add3A_4 = arith.constant 0 : i32
    %add3A_5 = arith.addi %mul3A_3, %add3A_4 : i32
    %lt3A = arith.constant 80 : i32
    %lt3A_6 = arith.cmpi slt, %add3A_5, %lt3A : i32
    %convert_element_type3A = arith.extui %lt3A_6 : i1 to i32
    %cond3A = arith.constant 0 : i32
    %cond3A_7 = arith.cmpi ne, %convert_element_type3A, %cond3A : i32
    scf.if %cond3A_7 {
      "tpu.region"() ({
        %run_scoped3A = tpu.sem_alloc : memref<!tpu.dma_semaphore, #tpu.memory_space<semaphore_mem>>
        %dma_start3A = arith.constant 0 : i32
        %dma_start3A_37 = tpu.memref_slice %arg2[%add3A_5, %dma_start3A] : memref<80x5120xf32, #tpu.memory_space<hbm>> -> memref<1x5120xf32, #tpu.memory_space<hbm>>
        %dma_start3A_38 = tpu.memref_squeeze %dma_start3A_37 : memref<1x5120xf32, #tpu.memory_space<hbm>> -> memref<5120xf32, #tpu.memory_space<hbm>>
        %dma_start3A_39 = arith.constant 0 : i32
        %dma_start3A_40 = tpu.memref_slice %arg2[%add3A_5, %dma_start3A_39] : memref<80x5120xf32, #tpu.memory_space<hbm>> -> memref<1x5120xf32, #tpu.memory_space<hbm>>
        %dma_start3A_41 = tpu.memref_squeeze %dma_start3A_40 : memref<1x5120xf32, #tpu.memory_space<hbm>> -> memref<5120xf32, #tpu.memory_space<hbm>>
        tpu.enqueue_dma source(%dma_start3A_41 : memref<5120xf32, #tpu.memory_space<hbm>>) target(%arg7 : memref<5120xf32, #tpu.memory_space<vmem>>) target_semaphore(%run_scoped3A : memref<!tpu.dma_semaphore, #tpu.memory_space<semaphore_mem>>)
        %dma_wait3A = arith.constant 0 : i32
        %dma_wait3A_42 = tpu.memref_slice %arg2[%add3A_5, %dma_wait3A] : memref<80x5120xf32, #tpu.memory_space<hbm>> -> memref<1x5120xf32, #tpu.memory_space<hbm>>
        %dma_wait3A_43 = tpu.memref_squeeze %dma_wait3A_42 : memref<1x5120xf32, #tpu.memory_space<hbm>> -> memref<5120xf32, #tpu.memory_space<hbm>>
        %dma_wait3A_44 = arith.constant 0 : i32
        %dma_wait3A_45 = tpu.memref_slice %arg2[%add3A_5, %dma_wait3A_44] : memref<80x5120xf32, #tpu.memory_space<hbm>> -> memref<1x5120xf32, #tpu.memory_space<hbm>>
        %dma_wait3A_46 = tpu.memref_squeeze %dma_wait3A_45 : memref<1x5120xf32, #tpu.memory_space<hbm>> -> memref<5120xf32, #tpu.memory_space<hbm>>
        tpu.wait_dma2 semaphore(%run_scoped3A : memref<!tpu.dma_semaphore, #tpu.memory_space<semaphore_mem>>) src(%dma_wait3A_46 : memref<5120xf32, #tpu.memory_space<hbm>>) dst(%arg7 : memref<5120xf32, #tpu.memory_space<vmem>>)
        tpu.yield
      }) : () -> ()
      "tpu.region"() ({
        %run_scoped3A = tpu.sem_alloc : memref<!tpu.dma_semaphore, #tpu.memory_space<semaphore_mem>>
        %dma_start3A = arith.constant 0 : i32
        %dma_start3A_37 = tpu.memref_slice %arg3[%add3A_5, %dma_start3A] : memref<80x16xf32, #tpu.memory_space<hbm>> -> memref<1x16xf32, #tpu.memory_space<hbm>>
        %dma_start3A_38 = tpu.memref_squeeze %dma_start3A_37 : memref<1x16xf32, #tpu.memory_space<hbm>> -> memref<16xf32, #tpu.memory_space<hbm>>
        %dma_start3A_39 = arith.constant 0 : i32
        %dma_start3A_40 = tpu.memref_slice %arg3[%add3A_5, %dma_start3A_39] : memref<80x16xf32, #tpu.memory_space<hbm>> -> memref<1x16xf32, #tpu.memory_space<hbm>>
        %dma_start3A_41 = tpu.memref_squeeze %dma_start3A_40 : memref<1x16xf32, #tpu.memory_space<hbm>> -> memref<16xf32, #tpu.memory_space<hbm>>
        tpu.enqueue_dma source(%dma_start3A_41 : memref<16xf32, #tpu.memory_space<hbm>>) target(%arg8 : memref<16xf32, #tpu.memory_space<vmem>>) target_semaphore(%run_scoped3A : memref<!tpu.dma_semaphore, #tpu.memory_space<semaphore_mem>>)
        %dma_wait3A = arith.constant 0 : i32
        %dma_wait3A_42 = tpu.memref_slice %arg3[%add3A_5, %dma_wait3A] : memref<80x16xf32, #tpu.memory_space<hbm>> -> memref<1x16xf32, #tpu.memory_space<hbm>>
        %dma_wait3A_43 = tpu.memref_squeeze %dma_wait3A_42 : memref<1x16xf32, #tpu.memory_space<hbm>> -> memref<16xf32, #tpu.memory_space<hbm>>
        %dma_wait3A_44 = arith.constant 0 : i32
        %dma_wait3A_45 = tpu.memref_slice %arg3[%add3A_5, %dma_wait3A_44] : memref<80x16xf32, #tpu.memory_space<hbm>> -> memref<1x16xf32, #tpu.memory_space<hbm>>
        %dma_wait3A_46 = tpu.memref_squeeze %dma_wait3A_45 : memref<1x16xf32, #tpu.memory_space<hbm>> -> memref<16xf32, #tpu.memory_space<hbm>>
        tpu.wait_dma2 semaphore(%run_scoped3A : memref<!tpu.dma_semaphore, #tpu.memory_space<semaphore_mem>>) src(%dma_wait3A_46 : memref<16xf32, #tpu.memory_space<hbm>>) dst(%arg8 : memref<16xf32, #tpu.memory_space<vmem>>)
        tpu.yield
      }) : () -> ()
      "tpu.region"() ({
        %run_scoped3A = tpu.sem_alloc : memref<!tpu.dma_semaphore, #tpu.memory_space<semaphore_mem>>
        %dma_start3A = arith.constant 0 : i32
        %dma_start3A_37 = tpu.memref_slice %arg4[%add3A_5, %dma_start3A] : memref<80x16xi32, #tpu.memory_space<hbm>> -> memref<1x16xi32, #tpu.memory_space<hbm>>
        %dma_start3A_38 = tpu.memref_squeeze %dma_start3A_37 : memref<1x16xi32, #tpu.memory_space<hbm>> -> memref<16xi32, #tpu.memory_space<hbm>>
        %dma_start3A_39 = arith.constant 0 : i32
        %dma_start3A_40 = tpu.memref_slice %arg4[%add3A_5, %dma_start3A_39] : memref<80x16xi32, #tpu.memory_space<hbm>> -> memref<1x16xi32, #tpu.memory_space<hbm>>
        %dma_start3A_41 = tpu.memref_squeeze %dma_start3A_40 : memref<1x16xi32, #tpu.memory_space<hbm>> -> memref<16xi32, #tpu.memory_space<hbm>>
        tpu.enqueue_dma source(%dma_start3A_41 : memref<16xi32, #tpu.memory_space<hbm>>) target(%arg9 : memref<16xi32, #tpu.memory_space<vmem>>) target_semaphore(%run_scoped3A : memref<!tpu.dma_semaphore, #tpu.memory_space<semaphore_mem>>)
        %dma_wait3A = arith.constant 0 : i32
        %dma_wait3A_42 = tpu.memref_slice %arg4[%add3A_5, %dma_wait3A] : memref<80x16xi32, #tpu.memory_space<hbm>> -> memref<1x16xi32, #tpu.memory_space<hbm>>
        %dma_wait3A_43 = tpu.memref_squeeze %dma_wait3A_42 : memref<1x16xi32, #tpu.memory_space<hbm>> -> memref<16xi32, #tpu.memory_space<hbm>>
        %dma_wait3A_44 = arith.constant 0 : i32
        %dma_wait3A_45 = tpu.memref_slice %arg4[%add3A_5, %dma_wait3A_44] : memref<80x16xi32, #tpu.memory_space<hbm>> -> memref<1x16xi32, #tpu.memory_space<hbm>>
        %dma_wait3A_46 = tpu.memref_squeeze %dma_wait3A_45 : memref<1x16xi32, #tpu.memory_space<hbm>> -> memref<16xi32, #tpu.memory_space<hbm>>
        tpu.wait_dma2 semaphore(%run_scoped3A : memref<!tpu.dma_semaphore, #tpu.memory_space<semaphore_mem>>) src(%dma_wait3A_46 : memref<16xi32, #tpu.memory_space<hbm>>) dst(%arg9 : memref<16xi32, #tpu.memory_space<vmem>>)
        tpu.yield
      }) : () -> ()
      %get3A = arith.constant 0 : index
      %get3A_26 = tpu.vector_load %arg8[%get3A] {strides = array<i32>} : memref<16xf32, #tpu.memory_space<vmem>>, vector<16xf32>,
      %get3A_27 = arith.constant 0 : index
      %get3A_28 = tpu.vector_load %arg9[%get3A_27] {strides = array<i32>} : memref<16xi32, #tpu.memory_space<vmem>>, vector<16xi32>,
      %broadcast_in_dim3A_29 = arith.constant 0 : i32
      %broadcast_in_dim3A_30 = vector.broadcast %broadcast_in_dim3A_29 : i32 to vector<16xi32>
      %scan3A = arith.constant 0 : i32
      %scan3A_31 = arith.constant 0 : i32
      %scan3A_32 = arith.constant 320 : i32
      %scan3A_33 = arith.addi %scan3A_31, %scan3A_32 : i32
      %scan3A_34 = arith.constant 1 : i32
      %scan3A_35:3 = scf.for %scan3A_37 = %scan3A_31 to %scan3A_33 step %scan3A_34 iter_args(%scan3A_38 = %scan3A, %scan3A_39 = %broadcast_in_dim3A_30, %scan3A_40 = %iota3A) -> (i32, vector<16xi32>, vector<16xi32>)  : i32 {
        %mul3A_41 = arith.constant 16 : i32
        %mul3A_42 = arith.muli %scan3A_37, %mul3A_41 : i32
        %get3A_43 = arith.index_cast %mul3A_42 : i32 to index
        %get3A_44 = tpu.vector_load %arg7[%get3A_43] {strides = array<i32>} : memref<5120xf32, #tpu.memory_space<vmem>>, vector<16xf32>,
        %gt3A = arith.cmpf ogt, %get3A_44, %get3A_26 : vector<16xf32>
        %eq3A = arith.cmpf oeq, %get3A_44, %get3A_26 : vector<16xf32>
        %convert_element_type3A_45 = arith.extui %eq3A : vector<16xi1> to vector<16xi32>
        %broadcast_in_dim3A_46 = arith.constant true
        %broadcast_in_dim3A_47 = vector.broadcast %broadcast_in_dim3A_46 : i1 to vector<16xi1>
        %masked_cumsum3A = tpu.scan <sum>, %convert_element_type3A_45 masked %broadcast_in_dim3A_47 : vector<16xi32>, vector<16xi1> -> vector<16xi32>
        %add3A_48 = arith.addi %masked_cumsum3A, %scan3A_39 : vector<16xi32>
        %le3A = arith.cmpi sle, %add3A_48, %get3A_28 : vector<16xi32>
        %and3A = arith.andi %eq3A, %le3A : vector<16xi1>
        %or3A = arith.ori %gt3A, %and3A : vector<16xi1>
        %swap3A = arith.index_cast %scan3A_38 : i32 to index
        %swap3A_49 = tpu.vector_load %arg10[%swap3A] masked %or3A {strides = array<i32>} : memref<528xi32, #tpu.memory_space<vmem>>, vector<16xi32>, vector<16xi1>
        tpu.vector_store %arg10[%swap3A], %scan3A_40 masked %or3A {strides = array<i32>} : memref<528xi32, #tpu.memory_space<vmem>>, vector<16xi32>, vector<16xi1>
        %swap3A_50 = arith.index_cast %scan3A_38 : i32 to index
        %swap3A_51 = tpu.vector_load %arg11[%swap3A_50] masked %or3A {strides = array<i32>} : memref<528xf32, #tpu.memory_space<vmem>>, vector<16xf32>, vector<16xi1>
        tpu.vector_store %arg11[%swap3A_50], %get3A_44 masked %or3A {strides = array<i32>} : memref<528xf32, #tpu.memory_space<vmem>>, vector<16xf32>, vector<16xi1>
        %convert_element_type3A_52 = arith.extui %or3A : vector<16xi1> to vector<16xi32>
        %reduce_sum3A = arith.constant true
        %reduce_sum3A_53 = vector.broadcast %reduce_sum3A : i1 to vector<16xi1>
        %reduce_sum3A_54 = tpu.scan <sum>, %convert_element_type3A_52 masked %reduce_sum3A_53 : vector<16xi32>, vector<16xi1> -> vector<16xi32>
        %reduce_sum3A_55 = vector.extract %reduce_sum3A_54[15] : i32 from vector<16xi32>
        %add3A_56 = arith.addi %scan3A_38, %reduce_sum3A_55 : i32
        %all_reduce_population_count3A = tpu.all_reduce %eq3A {dim = 0 : i64, kind = #tpu.reduction_kind<sum>} : vector<16xi1> -> vector<16xi32>
        %add3A_57 = arith.addi %scan3A_39, %all_reduce_population_count3A : vector<16xi32>
        %add3A_58 = arith.addi %scan3A_40, %broadcast_in_dim3A_1 : vector<16xi32>
        scf.yield %add3A_56, %add3A_57, %add3A_58 : i32, vector<16xi32>, vector<16xi32>
      }
      %scan3A_36 = arith.constant 320 : i32
      "tpu.region"() ({
        %run_scoped3A = tpu.sem_alloc : memref<!tpu.dma_semaphore, #tpu.memory_space<semaphore_mem>>
        %dma_start3A = arith.constant 0 : i32
        %dma_start3A_37 = tpu.memref_slice %arg10[%dma_start3A] : memref<528xi32, #tpu.memory_space<vmem>> -> memref<512xi32, #tpu.memory_space<vmem>>
        %dma_start3A_38 = arith.constant 0 : i32
        %dma_start3A_39 = tpu.memref_slice %arg5[%add3A_5, %dma_start3A_38] : memref<80x512xi32, #tpu.memory_space<hbm>> -> memref<1x512xi32, #tpu.memory_space<hbm>>
        %dma_start3A_40 = tpu.memref_squeeze %dma_start3A_39 : memref<1x512xi32, #tpu.memory_space<hbm>> -> memref<512xi32, #tpu.memory_space<hbm>>
        %dma_start3A_41 = arith.constant 0 : i32
        %dma_start3A_42 = tpu.memref_slice %arg5[%add3A_5, %dma_start3A_41] : memref<80x512xi32, #tpu.memory_space<hbm>> -> memref<1x512xi32, #tpu.memory_space<hbm>>
        %dma_start3A_43 = tpu.memref_squeeze %dma_start3A_42 : memref<1x512xi32, #tpu.memory_space<hbm>> -> memref<512xi32, #tpu.memory_space<hbm>>
        %dma_start3A_44 = arith.constant 0 : i32
        %dma_start3A_45 = tpu.memref_slice %arg10[%dma_start3A_44] : memref<528xi32, #tpu.memory_space<vmem>> -> memref<512xi32, #tpu.memory_space<vmem>>
        tpu.enqueue_dma source(%dma_start3A_45 : memref<512xi32, #tpu.memory_space<vmem>>) target(%dma_start3A_43 : memref<512xi32, #tpu.memory_space<hbm>>) target_semaphore(%run_scoped3A : memref<!tpu.dma_semaphore, #tpu.memory_space<semaphore_mem>>)
        %dma_wait3A = arith.constant 0 : i32
        %dma_wait3A_46 = tpu.memref_slice %arg10[%dma_wait3A] : memref<528xi32, #tpu.memory_space<vmem>> -> memref<512xi32, #tpu.memory_space<vmem>>
        %dma_wait3A_47 = arith.constant 0 : i32
        %dma_wait3A_48 = tpu.memref_slice %arg5[%add3A_5, %dma_wait3A_47] : memref<80x512xi32, #tpu.memory_space<hbm>> -> memref<1x512xi32, #tpu.memory_space<hbm>>
        %dma_wait3A_49 = tpu.memref_squeeze %dma_wait3A_48 : memref<1x512xi32, #tpu.memory_space<hbm>> -> memref<512xi32, #tpu.memory_space<hbm>>
        %dma_wait3A_50 = arith.constant 0 : i32
        %dma_wait3A_51 = tpu.memref_slice %arg5[%add3A_5, %dma_wait3A_50] : memref<80x512xi32, #tpu.memory_space<hbm>> -> memref<1x512xi32, #tpu.memory_space<hbm>>
        %dma_wait3A_52 = tpu.memref_squeeze %dma_wait3A_51 : memref<1x512xi32, #tpu.memory_space<hbm>> -> memref<512xi32, #tpu.memory_space<hbm>>
        %dma_wait3A_53 = arith.constant 0 : i32
        %dma_wait3A_54 = tpu.memref_slice %arg10[%dma_wait3A_53] : memref<528xi32, #tpu.memory_space<vmem>> -> memref<512xi32, #tpu.memory_space<vmem>>
        tpu.wait_dma2 semaphore(%run_scoped3A : memref<!tpu.dma_semaphore, #tpu.memory_space<semaphore_mem>>) src(%dma_wait3A_54 : memref<512xi32, #tpu.memory_space<vmem>>) dst(%dma_wait3A_52 : memref<512xi32, #tpu.memory_space<hbm>>)
        tpu.yield
      }) : () -> ()
      "tpu.region"() ({
        %run_scoped3A = tpu.sem_alloc : memref<!tpu.dma_semaphore, #tpu.memory_space<semaphore_mem>>
        %dma_start3A = arith.constant 0 : i32
        %dma_start3A_37 = tpu.memref_slice %arg11[%dma_start3A] : memref<528xf32, #tpu.memory_space<vmem>> -> memref<512xf32, #tpu.memory_space<vmem>>
        %dma_start3A_38 = arith.constant 0 : i32
        %dma_start3A_39 = tpu.memref_slice %arg6[%add3A_5, %dma_start3A_38] : memref<80x512xf32, #tpu.memory_space<hbm>> -> memref<1x512xf32, #tpu.memory_space<hbm>>
        %dma_start3A_40 = tpu.memref_squeeze %dma_start3A_39 : memref<1x512xf32, #tpu.memory_space<hbm>> -> memref<512xf32, #tpu.memory_space<hbm>>
        %dma_start3A_41 = arith.constant 0 : i32
        %dma_start3A_42 = tpu.memref_slice %arg6[%add3A_5, %dma_start3A_41] : memref<80x512xf32, #tpu.memory_space<hbm>> -> memref<1x512xf32, #tpu.memory_space<hbm>>
        %dma_start3A_43 = tpu.memref_squeeze %dma_start3A_42 : memref<1x512xf32, #tpu.memory_space<hbm>> -> memref<512xf32, #tpu.memory_space<hbm>>
        %dma_start3A_44 = arith.constant 0 : i32
        %dma_start3A_45 = tpu.memref_slice %arg11[%dma_start3A_44] : memref<528xf32, #tpu.memory_space<vmem>> -> memref<512xf32, #tpu.memory_space<vmem>>
        tpu.enqueue_dma source(%dma_start3A_45 : memref<512xf32, #tpu.memory_space<vmem>>) target(%dma_start3A_43 : memref<512xf32, #tpu.memory_space<hbm>>) target_semaphore(%run_scoped3A : memref<!tpu.dma_semaphore, #tpu.memory_space<semaphore_mem>>)
        %dma_wait3A = arith.constant 0 : i32
        %dma_wait3A_46 = tpu.memref_slice %arg11[%dma_wait3A] : memref<528xf32, #tpu.memory_space<vmem>> -> memref<512xf32, #tpu.memory_space<vmem>>
        %dma_wait3A_47 = arith.constant 0 : i32
        %dma_wait3A_48 = tpu.memref_slice %arg6[%add3A_5, %dma_wait3A_47] : memref<80x512xf32, #tpu.memory_space<hbm>> -> memref<1x512xf32, #tpu.memory_space<hbm>>
        %dma_wait3A_49 = tpu.memref_squeeze %dma_wait3A_48 : memref<1x512xf32, #tpu.memory_space<hbm>> -> memref<512xf32, #tpu.memory_space<hbm>>
        %dma_wait3A_50 = arith.constant 0 : i32
        %dma_wait3A_51 = tpu.memref_slice %arg6[%add3A_5, %dma_wait3A_50] : memref<80x512xf32, #tpu.memory_space<hbm>> -> memref<1x512xf32, #tpu.memory_space<hbm>>
        %dma_wait3A_52 = tpu.memref_squeeze %dma_wait3A_51 : memref<1x512xf32, #tpu.memory_space<hbm>> -> memref<512xf32, #tpu.memory_space<hbm>>
        %dma_wait3A_53 = arith.constant 0 : i32
        %dma_wait3A_54 = tpu.memref_slice %arg11[%dma_wait3A_53] : memref<528xf32, #tpu.memory_space<vmem>> -> memref<512xf32, #tpu.memory_space<vmem>>
        tpu.wait_dma2 semaphore(%run_scoped3A : memref<!tpu.dma_semaphore, #tpu.memory_space<semaphore_mem>>) src(%dma_wait3A_54 : memref<512xf32, #tpu.memory_space<vmem>>) dst(%dma_wait3A_52 : memref<512xf32, #tpu.memory_space<hbm>>)
        tpu.yield
      }) : () -> ()
    } else {
    }
    %mul3A_8 = arith.constant 3 : i32
    %mul3A_9 = arith.muli %add3A, %mul3A_8 : i32
    %add3A_10 = arith.constant 1 : i32
    %add3A_11 = arith.addi %mul3A_9, %add3A_10 : i32
    %lt3A_12 = arith.constant 80 : i32
    %lt3A_13 = arith.cmpi slt, %add3A_11, %lt3A_12 : i32
    %convert_element_type3A_14 = arith.extui %lt3A_13 : i1 to i32
    %cond3A_15 = arith.constant 0 : i32
    %cond3A_16 = arith.cmpi ne, %convert_element_type3A_14, %cond3A_15 : i32
    scf.if %cond3A_16 {
      "tpu.region"() ({
        %run_scoped3A = tpu.sem_alloc : memref<!tpu.dma_semaphore, #tpu.memory_space<semaphore_mem>>
        %dma_start3A = arith.constant 0 : i32
        %dma_start3A_37 = tpu.memref_slice %arg2[%add3A_11, %dma_start3A] : memref<80x5120xf32, #tpu.memory_space<hbm>> -> memref<1x5120xf32, #tpu.memory_space<hbm>>
        %dma_start3A_38 = tpu.memref_squeeze %dma_start3A_37 : memref<1x5120xf32, #tpu.memory_space<hbm>> -> memref<5120xf32, #tpu.memory_space<hbm>>
        %dma_start3A_39 = arith.constant 0 : i32
        %dma_start3A_40 = tpu.memref_slice %arg2[%add3A_11, %dma_start3A_39] : memref<80x5120xf32, #tpu.memory_space<hbm>> -> memref<1x5120xf32, #tpu.memory_space<hbm>>
        %dma_start3A_41 = tpu.memref_squeeze %dma_start3A_40 : memref<1x5120xf32, #tpu.memory_space<hbm>> -> memref<5120xf32, #tpu.memory_space<hbm>>
        tpu.enqueue_dma source(%dma_start3A_41 : memref<5120xf32, #tpu.memory_space<hbm>>) target(%arg7 : memref<5120xf32, #tpu.memory_space<vmem>>) target_semaphore(%run_scoped3A : memref<!tpu.dma_semaphore, #tpu.memory_space<semaphore_mem>>)
        %dma_wait3A = arith.constant 0 : i32
        %dma_wait3A_42 = tpu.memref_slice %arg2[%add3A_11, %dma_wait3A] : memref<80x5120xf32, #tpu.memory_space<hbm>> -> memref<1x5120xf32, #tpu.memory_space<hbm>>
        %dma_wait3A_43 = tpu.memref_squeeze %dma_wait3A_42 : memref<1x5120xf32, #tpu.memory_space<hbm>> -> memref<5120xf32, #tpu.memory_space<hbm>>
        %dma_wait3A_44 = arith.constant 0 : i32
        %dma_wait3A_45 = tpu.memref_slice %arg2[%add3A_11, %dma_wait3A_44] : memref<80x5120xf32, #tpu.memory_space<hbm>> -> memref<1x5120xf32, #tpu.memory_space<hbm>>
        %dma_wait3A_46 = tpu.memref_squeeze %dma_wait3A_45 : memref<1x5120xf32, #tpu.memory_space<hbm>> -> memref<5120xf32, #tpu.memory_space<hbm>>
        tpu.wait_dma2 semaphore(%run_scoped3A : memref<!tpu.dma_semaphore, #tpu.memory_space<semaphore_mem>>) src(%dma_wait3A_46 : memref<5120xf32, #tpu.memory_space<hbm>>) dst(%arg7 : memref<5120xf32, #tpu.memory_space<vmem>>)
        tpu.yield
      }) : () -> ()
      "tpu.region"() ({
        %run_scoped3A = tpu.sem_alloc : memref<!tpu.dma_semaphore, #tpu.memory_space<semaphore_mem>>
        %dma_start3A = arith.constant 0 : i32
        %dma_start3A_37 = tpu.memref_slice %arg3[%add3A_11, %dma_start3A] : memref<80x16xf32, #tpu.memory_space<hbm>> -> memref<1x16xf32, #tpu.memory_space<hbm>>
        %dma_start3A_38 = tpu.memref_squeeze %dma_start3A_37 : memref<1x16xf32, #tpu.memory_space<hbm>> -> memref<16xf32, #tpu.memory_space<hbm>>
        %dma_start3A_39 = arith.constant 0 : i32
        %dma_start3A_40 = tpu.memref_slice %arg3[%add3A_11, %dma_start3A_39] : memref<80x16xf32, #tpu.memory_space<hbm>> -> memref<1x16xf32, #tpu.memory_space<hbm>>
        %dma_start3A_41 = tpu.memref_squeeze %dma_start3A_40 : memref<1x16xf32, #tpu.memory_space<hbm>> -> memref<16xf32, #tpu.memory_space<hbm>>
        tpu.enqueue_dma source(%dma_start3A_41 : memref<16xf32, #tpu.memory_space<hbm>>) target(%arg8 : memref<16xf32, #tpu.memory_space<vmem>>) target_semaphore(%run_scoped3A : memref<!tpu.dma_semaphore, #tpu.memory_space<semaphore_mem>>)
        %dma_wait3A = arith.constant 0 : i32
        %dma_wait3A_42 = tpu.memref_slice %arg3[%add3A_11, %dma_wait3A] : memref<80x16xf32, #tpu.memory_space<hbm>> -> memref<1x16xf32, #tpu.memory_space<hbm>>
        %dma_wait3A_43 = tpu.memref_squeeze %dma_wait3A_42 : memref<1x16xf32, #tpu.memory_space<hbm>> -> memref<16xf32, #tpu.memory_space<hbm>>
        %dma_wait3A_44 = arith.constant 0 : i32
        %dma_wait3A_45 = tpu.memref_slice %arg3[%add3A_11, %dma_wait3A_44] : memref<80x16xf32, #tpu.memory_space<hbm>> -> memref<1x16xf32, #tpu.memory_space<hbm>>
        %dma_wait3A_46 = tpu.memref_squeeze %dma_wait3A_45 : memref<1x16xf32, #tpu.memory_space<hbm>> -> memref<16xf32, #tpu.memory_space<hbm>>
        tpu.wait_dma2 semaphore(%run_scoped3A : memref<!tpu.dma_semaphore, #tpu.memory_space<semaphore_mem>>) src(%dma_wait3A_46 : memref<16xf32, #tpu.memory_space<hbm>>) dst(%arg8 : memref<16xf32, #tpu.memory_space<vmem>>)
        tpu.yield
      }) : () -> ()
      "tpu.region"() ({
        %run_scoped3A = tpu.sem_alloc : memref<!tpu.dma_semaphore, #tpu.memory_space<semaphore_mem>>
        %dma_start3A = arith.constant 0 : i32
        %dma_start3A_37 = tpu.memref_slice %arg4[%add3A_11, %dma_start3A] : memref<80x16xi32, #tpu.memory_space<hbm>> -> memref<1x16xi32, #tpu.memory_space<hbm>>
        %dma_start3A_38 = tpu.memref_squeeze %dma_start3A_37 : memref<1x16xi32, #tpu.memory_space<hbm>> -> memref<16xi32, #tpu.memory_space<hbm>>
        %dma_start3A_39 = arith.constant 0 : i32
        %dma_start3A_40 = tpu.memref_slice %arg4[%add3A_11, %dma_start3A_39] : memref<80x16xi32, #tpu.memory_space<hbm>> -> memref<1x16xi32, #tpu.memory_space<hbm>>
        %dma_start3A_41 = tpu.memref_squeeze %dma_start3A_40 : memref<1x16xi32, #tpu.memory_space<hbm>> -> memref<16xi32, #tpu.memory_space<hbm>>
        tpu.enqueue_dma source(%dma_start3A_41 : memref<16xi32, #tpu.memory_space<hbm>>) target(%arg9 : memref<16xi32, #tpu.memory_space<vmem>>) target_semaphore(%run_scoped3A : memref<!tpu.dma_semaphore, #tpu.memory_space<semaphore_mem>>)
        %dma_wait3A = arith.constant 0 : i32
        %dma_wait3A_42 = tpu.memref_slice %arg4[%add3A_11, %dma_wait3A] : memref<80x16xi32, #tpu.memory_space<hbm>> -> memref<1x16xi32, #tpu.memory_space<hbm>>
        %dma_wait3A_43 = tpu.memref_squeeze %dma_wait3A_42 : memref<1x16xi32, #tpu.memory_space<hbm>> -> memref<16xi32, #tpu.memory_space<hbm>>
        %dma_wait3A_44 = arith.constant 0 : i32
        %dma_wait3A_45 = tpu.memref_slice %arg4[%add3A_11, %dma_wait3A_44] : memref<80x16xi32, #tpu.memory_space<hbm>> -> memref<1x16xi32, #tpu.memory_space<hbm>>
        %dma_wait3A_46 = tpu.memref_squeeze %dma_wait3A_45 : memref<1x16xi32, #tpu.memory_space<hbm>> -> memref<16xi32, #tpu.memory_space<hbm>>
        tpu.wait_dma2 semaphore(%run_scoped3A : memref<!tpu.dma_semaphore, #tpu.memory_space<semaphore_mem>>) src(%dma_wait3A_46 : memref<16xi32, #tpu.memory_space<hbm>>) dst(%arg9 : memref<16xi32, #tpu.memory_space<vmem>>)
        tpu.yield
      }) : () -> ()
      %get3A = arith.constant 0 : index
      %get3A_26 = tpu.vector_load %arg8[%get3A] {strides = array<i32>} : memref<16xf32, #tpu.memory_space<vmem>>, vector<16xf32>,
      %get3A_27 = arith.constant 0 : index
      %get3A_28 = tpu.vector_load %arg9[%get3A_27] {strides = array<i32>} : memref<16xi32, #tpu.memory_space<vmem>>, vector<16xi32>,
      %broadcast_in_dim3A_29 = arith.constant 0 : i32
      %broadcast_in_dim3A_30 = vector.broadcast %broadcast_in_dim3A_29 : i32 to vector<16xi32>
      %scan3A = arith.constant 0 : i32
      %scan3A_31 = arith.constant 0 : i32
      %scan3A_32 = arith.constant 320 : i32
      %scan3A_33 = arith.addi %scan3A_31, %scan3A_32 : i32
      %scan3A_34 = arith.constant 1 : i32
      %scan3A_35:3 = scf.for %scan3A_37 = %scan3A_31 to %scan3A_33 step %scan3A_34 iter_args(%scan3A_38 = %scan3A, %scan3A_39 = %broadcast_in_dim3A_30, %scan3A_40 = %iota3A) -> (i32, vector<16xi32>, vector<16xi32>)  : i32 {
        %mul3A_41 = arith.constant 16 : i32
        %mul3A_42 = arith.muli %scan3A_37, %mul3A_41 : i32
        %get3A_43 = arith.index_cast %mul3A_42 : i32 to index
        %get3A_44 = tpu.vector_load %arg7[%get3A_43] {strides = array<i32>} : memref<5120xf32, #tpu.memory_space<vmem>>, vector<16xf32>,
        %gt3A = arith.cmpf ogt, %get3A_44, %get3A_26 : vector<16xf32>
        %eq3A = arith.cmpf oeq, %get3A_44, %get3A_26 : vector<16xf32>
        %convert_element_type3A_45 = arith.extui %eq3A : vector<16xi1> to vector<16xi32>
        %broadcast_in_dim3A_46 = arith.constant true
        %broadcast_in_dim3A_47 = vector.broadcast %broadcast_in_dim3A_46 : i1 to vector<16xi1>
        %masked_cumsum3A = tpu.scan <sum>, %convert_element_type3A_45 masked %broadcast_in_dim3A_47 : vector<16xi32>, vector<16xi1> -> vector<16xi32>
        %add3A_48 = arith.addi %masked_cumsum3A, %scan3A_39 : vector<16xi32>
        %le3A = arith.cmpi sle, %add3A_48, %get3A_28 : vector<16xi32>
        %and3A = arith.andi %eq3A, %le3A : vector<16xi1>
        %or3A = arith.ori %gt3A, %and3A : vector<16xi1>
        %swap3A = arith.index_cast %scan3A_38 : i32 to index
        %swap3A_49 = tpu.vector_load %arg10[%swap3A] masked %or3A {strides = array<i32>} : memref<528xi32, #tpu.memory_space<vmem>>, vector<16xi32>, vector<16xi1>
        tpu.vector_store %arg10[%swap3A], %scan3A_40 masked %or3A {strides = array<i32>} : memref<528xi32, #tpu.memory_space<vmem>>, vector<16xi32>, vector<16xi1>
        %swap3A_50 = arith.index_cast %scan3A_38 : i32 to index
        %swap3A_51 = tpu.vector_load %arg11[%swap3A_50] masked %or3A {strides = array<i32>} : memref<528xf32, #tpu.memory_space<vmem>>, vector<16xf32>, vector<16xi1>
        tpu.vector_store %arg11[%swap3A_50], %get3A_44 masked %or3A {strides = array<i32>} : memref<528xf32, #tpu.memory_space<vmem>>, vector<16xf32>, vector<16xi1>
        %convert_element_type3A_52 = arith.extui %or3A : vector<16xi1> to vector<16xi32>
        %reduce_sum3A = arith.constant true
        %reduce_sum3A_53 = vector.broadcast %reduce_sum3A : i1 to vector<16xi1>
        %reduce_sum3A_54 = tpu.scan <sum>, %convert_element_type3A_52 masked %reduce_sum3A_53 : vector<16xi32>, vector<16xi1> -> vector<16xi32>
        %reduce_sum3A_55 = vector.extract %reduce_sum3A_54[15] : i32 from vector<16xi32>
        %add3A_56 = arith.addi %scan3A_38, %reduce_sum3A_55 : i32
        %all_reduce_population_count3A = tpu.all_reduce %eq3A {dim = 0 : i64, kind = #tpu.reduction_kind<sum>} : vector<16xi1> -> vector<16xi32>
        %add3A_57 = arith.addi %scan3A_39, %all_reduce_population_count3A : vector<16xi32>
        %add3A_58 = arith.addi %scan3A_40, %broadcast_in_dim3A_1 : vector<16xi32>
        scf.yield %add3A_56, %add3A_57, %add3A_58 : i32, vector<16xi32>, vector<16xi32>
      }
      %scan3A_36 = arith.constant 320 : i32
      "tpu.region"() ({
        %run_scoped3A = tpu.sem_alloc : memref<!tpu.dma_semaphore, #tpu.memory_space<semaphore_mem>>
        %dma_start3A = arith.constant 0 : i32
        %dma_start3A_37 = tpu.memref_slice %arg10[%dma_start3A] : memref<528xi32, #tpu.memory_space<vmem>> -> memref<512xi32, #tpu.memory_space<vmem>>
        %dma_start3A_38 = arith.constant 0 : i32
        %dma_start3A_39 = tpu.memref_slice %arg5[%add3A_11, %dma_start3A_38] : memref<80x512xi32, #tpu.memory_space<hbm>> -> memref<1x512xi32, #tpu.memory_space<hbm>>
        %dma_start3A_40 = tpu.memref_squeeze %dma_start3A_39 : memref<1x512xi32, #tpu.memory_space<hbm>> -> memref<512xi32, #tpu.memory_space<hbm>>
        %dma_start3A_41 = arith.constant 0 : i32
        %dma_start3A_42 = tpu.memref_slice %arg5[%add3A_11, %dma_start3A_41] : memref<80x512xi32, #tpu.memory_space<hbm>> -> memref<1x512xi32, #tpu.memory_space<hbm>>
        %dma_start3A_43 = tpu.memref_squeeze %dma_start3A_42 : memref<1x512xi32, #tpu.memory_space<hbm>> -> memref<512xi32, #tpu.memory_space<hbm>>
        %dma_start3A_44 = arith.constant 0 : i32
        %dma_start3A_45 = tpu.memref_slice %arg10[%dma_start3A_44] : memref<528xi32, #tpu.memory_space<vmem>> -> memref<512xi32, #tpu.memory_space<vmem>>
        tpu.enqueue_dma source(%dma_start3A_45 : memref<512xi32, #tpu.memory_space<vmem>>) target(%dma_start3A_43 : memref<512xi32, #tpu.memory_space<hbm>>) target_semaphore(%run_scoped3A : memref<!tpu.dma_semaphore, #tpu.memory_space<semaphore_mem>>)
        %dma_wait3A = arith.constant 0 : i32
        %dma_wait3A_46 = tpu.memref_slice %arg10[%dma_wait3A] : memref<528xi32, #tpu.memory_space<vmem>> -> memref<512xi32, #tpu.memory_space<vmem>>
        %dma_wait3A_47 = arith.constant 0 : i32
        %dma_wait3A_48 = tpu.memref_slice %arg5[%add3A_11, %dma_wait3A_47] : memref<80x512xi32, #tpu.memory_space<hbm>> -> memref<1x512xi32, #tpu.memory_space<hbm>>
        %dma_wait3A_49 = tpu.memref_squeeze %dma_wait3A_48 : memref<1x512xi32, #tpu.memory_space<hbm>> -> memref<512xi32, #tpu.memory_space<hbm>>
        %dma_wait3A_50 = arith.constant 0 : i32
        %dma_wait3A_51 = tpu.memref_slice %arg5[%add3A_11, %dma_wait3A_50] : memref<80x512xi32, #tpu.memory_space<hbm>> -> memref<1x512xi32, #tpu.memory_space<hbm>>
        %dma_wait3A_52 = tpu.memref_squeeze %dma_wait3A_51 : memref<1x512xi32, #tpu.memory_space<hbm>> -> memref<512xi32, #tpu.memory_space<hbm>>
        %dma_wait3A_53 = arith.constant 0 : i32
        %dma_wait3A_54 = tpu.memref_slice %arg10[%dma_wait3A_53] : memref<528xi32, #tpu.memory_space<vmem>> -> memref<512xi32, #tpu.memory_space<vmem>>
        tpu.wait_dma2 semaphore(%run_scoped3A : memref<!tpu.dma_semaphore, #tpu.memory_space<semaphore_mem>>) src(%dma_wait3A_54 : memref<512xi32, #tpu.memory_space<vmem>>) dst(%dma_wait3A_52 : memref<512xi32, #tpu.memory_space<hbm>>)
        tpu.yield
      }) : () -> ()
      "tpu.region"() ({
        %run_scoped3A = tpu.sem_alloc : memref<!tpu.dma_semaphore, #tpu.memory_space<semaphore_mem>>
        %dma_start3A = arith.constant 0 : i32
        %dma_start3A_37 = tpu.memref_slice %arg11[%dma_start3A] : memref<528xf32, #tpu.memory_space<vmem>> -> memref<512xf32, #tpu.memory_space<vmem>>
        %dma_start3A_38 = arith.constant 0 : i32
        %dma_start3A_39 = tpu.memref_slice %arg6[%add3A_11, %dma_start3A_38] : memref<80x512xf32, #tpu.memory_space<hbm>> -> memref<1x512xf32, #tpu.memory_space<hbm>>
        %dma_start3A_40 = tpu.memref_squeeze %dma_start3A_39 : memref<1x512xf32, #tpu.memory_space<hbm>> -> memref<512xf32, #tpu.memory_space<hbm>>
        %dma_start3A_41 = arith.constant 0 : i32
        %dma_start3A_42 = tpu.memref_slice %arg6[%add3A_11, %dma_start3A_41] : memref<80x512xf32, #tpu.memory_space<hbm>> -> memref<1x512xf32, #tpu.memory_space<hbm>>
        %dma_start3A_43 = tpu.memref_squeeze %dma_start3A_42 : memref<1x512xf32, #tpu.memory_space<hbm>> -> memref<512xf32, #tpu.memory_space<hbm>>
        %dma_start3A_44 = arith.constant 0 : i32
        %dma_start3A_45 = tpu.memref_slice %arg11[%dma_start3A_44] : memref<528xf32, #tpu.memory_space<vmem>> -> memref<512xf32, #tpu.memory_space<vmem>>
        tpu.enqueue_dma source(%dma_start3A_45 : memref<512xf32, #tpu.memory_space<vmem>>) target(%dma_start3A_43 : memref<512xf32, #tpu.memory_space<hbm>>) target_semaphore(%run_scoped3A : memref<!tpu.dma_semaphore, #tpu.memory_space<semaphore_mem>>)
        %dma_wait3A = arith.constant 0 : i32
        %dma_wait3A_46 = tpu.memref_slice %arg11[%dma_wait3A] : memref<528xf32, #tpu.memory_space<vmem>> -> memref<512xf32, #tpu.memory_space<vmem>>
        %dma_wait3A_47 = arith.constant 0 : i32
        %dma_wait3A_48 = tpu.memref_slice %arg6[%add3A_11, %dma_wait3A_47] : memref<80x512xf32, #tpu.memory_space<hbm>> -> memref<1x512xf32, #tpu.memory_space<hbm>>
        %dma_wait3A_49 = tpu.memref_squeeze %dma_wait3A_48 : memref<1x512xf32, #tpu.memory_space<hbm>> -> memref<512xf32, #tpu.memory_space<hbm>>
        %dma_wait3A_50 = arith.constant 0 : i32
        %dma_wait3A_51 = tpu.memref_slice %arg6[%add3A_11, %dma_wait3A_50] : memref<80x512xf32, #tpu.memory_space<hbm>> -> memref<1x512xf32, #tpu.memory_space<hbm>>
        %dma_wait3A_52 = tpu.memref_squeeze %dma_wait3A_51 : memref<1x512xf32, #tpu.memory_space<hbm>> -> memref<512xf32, #tpu.memory_space<hbm>>
        %dma_wait3A_53 = arith.constant 0 : i32
        %dma_wait3A_54 = tpu.memref_slice %arg11[%dma_wait3A_53] : memref<528xf32, #tpu.memory_space<vmem>> -> memref<512xf32, #tpu.memory_space<vmem>>
        tpu.wait_dma2 semaphore(%run_scoped3A : memref<!tpu.dma_semaphore, #tpu.memory_space<semaphore_mem>>) src(%dma_wait3A_54 : memref<512xf32, #tpu.memory_space<vmem>>) dst(%dma_wait3A_52 : memref<512xf32, #tpu.memory_space<hbm>>)
        tpu.yield
      }) : () -> ()
    } else {
    }
    %mul3A_17 = arith.constant 3 : i32
    %mul3A_18 = arith.muli %add3A, %mul3A_17 : i32
    %add3A_19 = arith.constant 2 : i32
    %add3A_20 = arith.addi %mul3A_18, %add3A_19 : i32
    %lt3A_21 = arith.constant 80 : i32
    %lt3A_22 = arith.cmpi slt, %add3A_20, %lt3A_21 : i32
    %convert_element_type3A_23 = arith.extui %lt3A_22 : i1 to i32
    %cond3A_24 = arith.constant 0 : i32
    %cond3A_25 = arith.cmpi ne, %convert_element_type3A_23, %cond3A_24 : i32
    scf.if %cond3A_25 {
      "tpu.region"() ({
        %run_scoped3A = tpu.sem_alloc : memref<!tpu.dma_semaphore, #tpu.memory_space<semaphore_mem>>
        %dma_start3A = arith.constant 0 : i32
        %dma_start3A_37 = tpu.memref_slice %arg2[%add3A_20, %dma_start3A] : memref<80x5120xf32, #tpu.memory_space<hbm>> -> memref<1x5120xf32, #tpu.memory_space<hbm>>
        %dma_start3A_38 = tpu.memref_squeeze %dma_start3A_37 : memref<1x5120xf32, #tpu.memory_space<hbm>> -> memref<5120xf32, #tpu.memory_space<hbm>>
        %dma_start3A_39 = arith.constant 0 : i32
        %dma_start3A_40 = tpu.memref_slice %arg2[%add3A_20, %dma_start3A_39] : memref<80x5120xf32, #tpu.memory_space<hbm>> -> memref<1x5120xf32, #tpu.memory_space<hbm>>
        %dma_start3A_41 = tpu.memref_squeeze %dma_start3A_40 : memref<1x5120xf32, #tpu.memory_space<hbm>> -> memref<5120xf32, #tpu.memory_space<hbm>>
        tpu.enqueue_dma source(%dma_start3A_41 : memref<5120xf32, #tpu.memory_space<hbm>>) target(%arg7 : memref<5120xf32, #tpu.memory_space<vmem>>) target_semaphore(%run_scoped3A : memref<!tpu.dma_semaphore, #tpu.memory_space<semaphore_mem>>)
        %dma_wait3A = arith.constant 0 : i32
        %dma_wait3A_42 = tpu.memref_slice %arg2[%add3A_20, %dma_wait3A] : memref<80x5120xf32, #tpu.memory_space<hbm>> -> memref<1x5120xf32, #tpu.memory_space<hbm>>
        %dma_wait3A_43 = tpu.memref_squeeze %dma_wait3A_42 : memref<1x5120xf32, #tpu.memory_space<hbm>> -> memref<5120xf32, #tpu.memory_space<hbm>>
        %dma_wait3A_44 = arith.constant 0 : i32
        %dma_wait3A_45 = tpu.memref_slice %arg2[%add3A_20, %dma_wait3A_44] : memref<80x5120xf32, #tpu.memory_space<hbm>> -> memref<1x5120xf32, #tpu.memory_space<hbm>>
        %dma_wait3A_46 = tpu.memref_squeeze %dma_wait3A_45 : memref<1x5120xf32, #tpu.memory_space<hbm>> -> memref<5120xf32, #tpu.memory_space<hbm>>
        tpu.wait_dma2 semaphore(%run_scoped3A : memref<!tpu.dma_semaphore, #tpu.memory_space<semaphore_mem>>) src(%dma_wait3A_46 : memref<5120xf32, #tpu.memory_space<hbm>>) dst(%arg7 : memref<5120xf32, #tpu.memory_space<vmem>>)
        tpu.yield
      }) : () -> ()
      "tpu.region"() ({
        %run_scoped3A = tpu.sem_alloc : memref<!tpu.dma_semaphore, #tpu.memory_space<semaphore_mem>>
        %dma_start3A = arith.constant 0 : i32
        %dma_start3A_37 = tpu.memref_slice %arg3[%add3A_20, %dma_start3A] : memref<80x16xf32, #tpu.memory_space<hbm>> -> memref<1x16xf32, #tpu.memory_space<hbm>>
        %dma_start3A_38 = tpu.memref_squeeze %dma_start3A_37 : memref<1x16xf32, #tpu.memory_space<hbm>> -> memref<16xf32, #tpu.memory_space<hbm>>
        %dma_start3A_39 = arith.constant 0 : i32
        %dma_start3A_40 = tpu.memref_slice %arg3[%add3A_20, %dma_start3A_39] : memref<80x16xf32, #tpu.memory_space<hbm>> -> memref<1x16xf32, #tpu.memory_space<hbm>>
        %dma_start3A_41 = tpu.memref_squeeze %dma_start3A_40 : memref<1x16xf32, #tpu.memory_space<hbm>> -> memref<16xf32, #tpu.memory_space<hbm>>
        tpu.enqueue_dma source(%dma_start3A_41 : memref<16xf32, #tpu.memory_space<hbm>>) target(%arg8 : memref<16xf32, #tpu.memory_space<vmem>>) target_semaphore(%run_scoped3A : memref<!tpu.dma_semaphore, #tpu.memory_space<semaphore_mem>>)
        %dma_wait3A = arith.constant 0 : i32
        %dma_wait3A_42 = tpu.memref_slice %arg3[%add3A_20, %dma_wait3A] : memref<80x16xf32, #tpu.memory_space<hbm>> -> memref<1x16xf32, #tpu.memory_space<hbm>>
        %dma_wait3A_43 = tpu.memref_squeeze %dma_wait3A_42 : memref<1x16xf32, #tpu.memory_space<hbm>> -> memref<16xf32, #tpu.memory_space<hbm>>
        %dma_wait3A_44 = arith.constant 0 : i32
        %dma_wait3A_45 = tpu.memref_slice %arg3[%add3A_20, %dma_wait3A_44] : memref<80x16xf32, #tpu.memory_space<hbm>> -> memref<1x16xf32, #tpu.memory_space<hbm>>
        %dma_wait3A_46 = tpu.memref_squeeze %dma_wait3A_45 : memref<1x16xf32, #tpu.memory_space<hbm>> -> memref<16xf32, #tpu.memory_space<hbm>>
        tpu.wait_dma2 semaphore(%run_scoped3A : memref<!tpu.dma_semaphore, #tpu.memory_space<semaphore_mem>>) src(%dma_wait3A_46 : memref<16xf32, #tpu.memory_space<hbm>>) dst(%arg8 : memref<16xf32, #tpu.memory_space<vmem>>)
        tpu.yield
      }) : () -> ()
      "tpu.region"() ({
        %run_scoped3A = tpu.sem_alloc : memref<!tpu.dma_semaphore, #tpu.memory_space<semaphore_mem>>
        %dma_start3A = arith.constant 0 : i32
        %dma_start3A_37 = tpu.memref_slice %arg4[%add3A_20, %dma_start3A] : memref<80x16xi32, #tpu.memory_space<hbm>> -> memref<1x16xi32, #tpu.memory_space<hbm>>
        %dma_start3A_38 = tpu.memref_squeeze %dma_start3A_37 : memref<1x16xi32, #tpu.memory_space<hbm>> -> memref<16xi32, #tpu.memory_space<hbm>>
        %dma_start3A_39 = arith.constant 0 : i32
        %dma_start3A_40 = tpu.memref_slice %arg4[%add3A_20, %dma_start3A_39] : memref<80x16xi32, #tpu.memory_space<hbm>> -> memref<1x16xi32, #tpu.memory_space<hbm>>
        %dma_start3A_41 = tpu.memref_squeeze %dma_start3A_40 : memref<1x16xi32, #tpu.memory_space<hbm>> -> memref<16xi32, #tpu.memory_space<hbm>>
        tpu.enqueue_dma source(%dma_start3A_41 : memref<16xi32, #tpu.memory_space<hbm>>) target(%arg9 : memref<16xi32, #tpu.memory_space<vmem>>) target_semaphore(%run_scoped3A : memref<!tpu.dma_semaphore, #tpu.memory_space<semaphore_mem>>)
        %dma_wait3A = arith.constant 0 : i32
        %dma_wait3A_42 = tpu.memref_slice %arg4[%add3A_20, %dma_wait3A] : memref<80x16xi32, #tpu.memory_space<hbm>> -> memref<1x16xi32, #tpu.memory_space<hbm>>
        %dma_wait3A_43 = tpu.memref_squeeze %dma_wait3A_42 : memref<1x16xi32, #tpu.memory_space<hbm>> -> memref<16xi32, #tpu.memory_space<hbm>>
        %dma_wait3A_44 = arith.constant 0 : i32
        %dma_wait3A_45 = tpu.memref_slice %arg4[%add3A_20, %dma_wait3A_44] : memref<80x16xi32, #tpu.memory_space<hbm>> -> memref<1x16xi32, #tpu.memory_space<hbm>>
        %dma_wait3A_46 = tpu.memref_squeeze %dma_wait3A_45 : memref<1x16xi32, #tpu.memory_space<hbm>> -> memref<16xi32, #tpu.memory_space<hbm>>
        tpu.wait_dma2 semaphore(%run_scoped3A : memref<!tpu.dma_semaphore, #tpu.memory_space<semaphore_mem>>) src(%dma_wait3A_46 : memref<16xi32, #tpu.memory_space<hbm>>) dst(%arg9 : memref<16xi32, #tpu.memory_space<vmem>>)
        tpu.yield
      }) : () -> ()
      %get3A = arith.constant 0 : index
      %get3A_26 = tpu.vector_load %arg8[%get3A] {strides = array<i32>} : memref<16xf32, #tpu.memory_space<vmem>>, vector<16xf32>,
      %get3A_27 = arith.constant 0 : index
      %get3A_28 = tpu.vector_load %arg9[%get3A_27] {strides = array<i32>} : memref<16xi32, #tpu.memory_space<vmem>>, vector<16xi32>,
      %broadcast_in_dim3A_29 = arith.constant 0 : i32
      %broadcast_in_dim3A_30 = vector.broadcast %broadcast_in_dim3A_29 : i32 to vector<16xi32>
      %scan3A = arith.constant 0 : i32
      %scan3A_31 = arith.constant 0 : i32
      %scan3A_32 = arith.constant 320 : i32
      %scan3A_33 = arith.addi %scan3A_31, %scan3A_32 : i32
      %scan3A_34 = arith.constant 1 : i32
      %scan3A_35:3 = scf.for %scan3A_37 = %scan3A_31 to %scan3A_33 step %scan3A_34 iter_args(%scan3A_38 = %scan3A, %scan3A_39 = %broadcast_in_dim3A_30, %scan3A_40 = %iota3A) -> (i32, vector<16xi32>, vector<16xi32>)  : i32 {
        %mul3A_41 = arith.constant 16 : i32
        %mul3A_42 = arith.muli %scan3A_37, %mul3A_41 : i32
        %get3A_43 = arith.index_cast %mul3A_42 : i32 to index
        %get3A_44 = tpu.vector_load %arg7[%get3A_43] {strides = array<i32>} : memref<5120xf32, #tpu.memory_space<vmem>>, vector<16xf32>,
        %gt3A = arith.cmpf ogt, %get3A_44, %get3A_26 : vector<16xf32>
        %eq3A = arith.cmpf oeq, %get3A_44, %get3A_26 : vector<16xf32>
        %convert_element_type3A_45 = arith.extui %eq3A : vector<16xi1> to vector<16xi32>
        %broadcast_in_dim3A_46 = arith.constant true
        %broadcast_in_dim3A_47 = vector.broadcast %broadcast_in_dim3A_46 : i1 to vector<16xi1>
        %masked_cumsum3A = tpu.scan <sum>, %convert_element_type3A_45 masked %broadcast_in_dim3A_47 : vector<16xi32>, vector<16xi1> -> vector<16xi32>
        %add3A_48 = arith.addi %masked_cumsum3A, %scan3A_39 : vector<16xi32>
        %le3A = arith.cmpi sle, %add3A_48, %get3A_28 : vector<16xi32>
        %and3A = arith.andi %eq3A, %le3A : vector<16xi1>
        %or3A = arith.ori %gt3A, %and3A : vector<16xi1>
        %swap3A = arith.index_cast %scan3A_38 : i32 to index
        %swap3A_49 = tpu.vector_load %arg10[%swap3A] masked %or3A {strides = array<i32>} : memref<528xi32, #tpu.memory_space<vmem>>, vector<16xi32>, vector<16xi1>
        tpu.vector_store %arg10[%swap3A], %scan3A_40 masked %or3A {strides = array<i32>} : memref<528xi32, #tpu.memory_space<vmem>>, vector<16xi32>, vector<16xi1>
        %swap3A_50 = arith.index_cast %scan3A_38 : i32 to index
        %swap3A_51 = tpu.vector_load %arg11[%swap3A_50] masked %or3A {strides = array<i32>} : memref<528xf32, #tpu.memory_space<vmem>>, vector<16xf32>, vector<16xi1>
        tpu.vector_store %arg11[%swap3A_50], %get3A_44 masked %or3A {strides = array<i32>} : memref<528xf32, #tpu.memory_space<vmem>>, vector<16xf32>, vector<16xi1>
        %convert_element_type3A_52 = arith.extui %or3A : vector<16xi1> to vector<16xi32>
        %reduce_sum3A = arith.constant true
        %reduce_sum3A_53 = vector.broadcast %reduce_sum3A : i1 to vector<16xi1>
        %reduce_sum3A_54 = tpu.scan <sum>, %convert_element_type3A_52 masked %reduce_sum3A_53 : vector<16xi32>, vector<16xi1> -> vector<16xi32>
        %reduce_sum3A_55 = vector.extract %reduce_sum3A_54[15] : i32 from vector<16xi32>
        %add3A_56 = arith.addi %scan3A_38, %reduce_sum3A_55 : i32
        %all_reduce_population_count3A = tpu.all_reduce %eq3A {dim = 0 : i64, kind = #tpu.reduction_kind<sum>} : vector<16xi1> -> vector<16xi32>
        %add3A_57 = arith.addi %scan3A_39, %all_reduce_population_count3A : vector<16xi32>
        %add3A_58 = arith.addi %scan3A_40, %broadcast_in_dim3A_1 : vector<16xi32>
        scf.yield %add3A_56, %add3A_57, %add3A_58 : i32, vector<16xi32>, vector<16xi32>
      }
      %scan3A_36 = arith.constant 320 : i32
      "tpu.region"() ({
        %run_scoped3A = tpu.sem_alloc : memref<!tpu.dma_semaphore, #tpu.memory_space<semaphore_mem>>
        %dma_start3A = arith.constant 0 : i32
        %dma_start3A_37 = tpu.memref_slice %arg10[%dma_start3A] : memref<528xi32, #tpu.memory_space<vmem>> -> memref<512xi32, #tpu.memory_space<vmem>>
        %dma_start3A_38 = arith.constant 0 : i32
        %dma_start3A_39 = tpu.memref_slice %arg5[%add3A_20, %dma_start3A_38] : memref<80x512xi32, #tpu.memory_space<hbm>> -> memref<1x512xi32, #tpu.memory_space<hbm>>
        %dma_start3A_40 = tpu.memref_squeeze %dma_start3A_39 : memref<1x512xi32, #tpu.memory_space<hbm>> -> memref<512xi32, #tpu.memory_space<hbm>>
        %dma_start3A_41 = arith.constant 0 : i32
        %dma_start3A_42 = tpu.memref_slice %arg5[%add3A_20, %dma_start3A_41] : memref<80x512xi32, #tpu.memory_space<hbm>> -> memref<1x512xi32, #tpu.memory_space<hbm>>
        %dma_start3A_43 = tpu.memref_squeeze %dma_start3A_42 : memref<1x512xi32, #tpu.memory_space<hbm>> -> memref<512xi32, #tpu.memory_space<hbm>>
        %dma_start3A_44 = arith.constant 0 : i32
        %dma_start3A_45 = tpu.memref_slice %arg10[%dma_start3A_44] : memref<528xi32, #tpu.memory_space<vmem>> -> memref<512xi32, #tpu.memory_space<vmem>>
        tpu.enqueue_dma source(%dma_start3A_45 : memref<512xi32, #tpu.memory_space<vmem>>) target(%dma_start3A_43 : memref<512xi32, #tpu.memory_space<hbm>>) target_semaphore(%run_scoped3A : memref<!tpu.dma_semaphore, #tpu.memory_space<semaphore_mem>>)
        %dma_wait3A = arith.constant 0 : i32
        %dma_wait3A_46 = tpu.memref_slice %arg10[%dma_wait3A] : memref<528xi32, #tpu.memory_space<vmem>> -> memref<512xi32, #tpu.memory_space<vmem>>
        %dma_wait3A_47 = arith.constant 0 : i32
        %dma_wait3A_48 = tpu.memref_slice %arg5[%add3A_20, %dma_wait3A_47] : memref<80x512xi32, #tpu.memory_space<hbm>> -> memref<1x512xi32, #tpu.memory_space<hbm>>
        %dma_wait3A_49 = tpu.memref_squeeze %dma_wait3A_48 : memref<1x512xi32, #tpu.memory_space<hbm>> -> memref<512xi32, #tpu.memory_space<hbm>>
        %dma_wait3A_50 = arith.constant 0 : i32
        %dma_wait3A_51 = tpu.memref_slice %arg5[%add3A_20, %dma_wait3A_50] : memref<80x512xi32, #tpu.memory_space<hbm>> -> memref<1x512xi32, #tpu.memory_space<hbm>>
        %dma_wait3A_52 = tpu.memref_squeeze %dma_wait3A_51 : memref<1x512xi32, #tpu.memory_space<hbm>> -> memref<512xi32, #tpu.memory_space<hbm>>
        %dma_wait3A_53 = arith.constant 0 : i32
        %dma_wait3A_54 = tpu.memref_slice %arg10[%dma_wait3A_53] : memref<528xi32, #tpu.memory_space<vmem>> -> memref<512xi32, #tpu.memory_space<vmem>>
        tpu.wait_dma2 semaphore(%run_scoped3A : memref<!tpu.dma_semaphore, #tpu.memory_space<semaphore_mem>>) src(%dma_wait3A_54 : memref<512xi32, #tpu.memory_space<vmem>>) dst(%dma_wait3A_52 : memref<512xi32, #tpu.memory_space<hbm>>)
        tpu.yield
      }) : () -> ()
      "tpu.region"() ({
        %run_scoped3A = tpu.sem_alloc : memref<!tpu.dma_semaphore, #tpu.memory_space<semaphore_mem>>
        %dma_start3A = arith.constant 0 : i32
        %dma_start3A_37 = tpu.memref_slice %arg11[%dma_start3A] : memref<528xf32, #tpu.memory_space<vmem>> -> memref<512xf32, #tpu.memory_space<vmem>>
        %dma_start3A_38 = arith.constant 0 : i32
        %dma_start3A_39 = tpu.memref_slice %arg6[%add3A_20, %dma_start3A_38] : memref<80x512xf32, #tpu.memory_space<hbm>> -> memref<1x512xf32, #tpu.memory_space<hbm>>
        %dma_start3A_40 = tpu.memref_squeeze %dma_start3A_39 : memref<1x512xf32, #tpu.memory_space<hbm>> -> memref<512xf32, #tpu.memory_space<hbm>>
        %dma_start3A_41 = arith.constant 0 : i32
        %dma_start3A_42 = tpu.memref_slice %arg6[%add3A_20, %dma_start3A_41] : memref<80x512xf32, #tpu.memory_space<hbm>> -> memref<1x512xf32, #tpu.memory_space<hbm>>
        %dma_start3A_43 = tpu.memref_squeeze %dma_start3A_42 : memref<1x512xf32, #tpu.memory_space<hbm>> -> memref<512xf32, #tpu.memory_space<hbm>>
        %dma_start3A_44 = arith.constant 0 : i32
        %dma_start3A_45 = tpu.memref_slice %arg11[%dma_start3A_44] : memref<528xf32, #tpu.memory_space<vmem>> -> memref<512xf32, #tpu.memory_space<vmem>>
        tpu.enqueue_dma source(%dma_start3A_45 : memref<512xf32, #tpu.memory_space<vmem>>) target(%dma_start3A_43 : memref<512xf32, #tpu.memory_space<hbm>>) target_semaphore(%run_scoped3A : memref<!tpu.dma_semaphore, #tpu.memory_space<semaphore_mem>>)
        %dma_wait3A = arith.constant 0 : i32
        %dma_wait3A_46 = tpu.memref_slice %arg11[%dma_wait3A] : memref<528xf32, #tpu.memory_space<vmem>> -> memref<512xf32, #tpu.memory_space<vmem>>
        %dma_wait3A_47 = arith.constant 0 : i32
        %dma_wait3A_48 = tpu.memref_slice %arg6[%add3A_20, %dma_wait3A_47] : memref<80x512xf32, #tpu.memory_space<hbm>> -> memref<1x512xf32, #tpu.memory_space<hbm>>
        %dma_wait3A_49 = tpu.memref_squeeze %dma_wait3A_48 : memref<1x512xf32, #tpu.memory_space<hbm>> -> memref<512xf32, #tpu.memory_space<hbm>>
        %dma_wait3A_50 = arith.constant 0 : i32
        %dma_wait3A_51 = tpu.memref_slice %arg6[%add3A_20, %dma_wait3A_50] : memref<80x512xf32, #tpu.memory_space<hbm>> -> memref<1x512xf32, #tpu.memory_space<hbm>>
        %dma_wait3A_52 = tpu.memref_squeeze %dma_wait3A_51 : memref<1x512xf32, #tpu.memory_space<hbm>> -> memref<512xf32, #tpu.memory_space<hbm>>
        %dma_wait3A_53 = arith.constant 0 : i32
        %dma_wait3A_54 = tpu.memref_slice %arg11[%dma_wait3A_53] : memref<528xf32, #tpu.memory_space<vmem>> -> memref<512xf32, #tpu.memory_space<vmem>>
        tpu.wait_dma2 semaphore(%run_scoped3A : memref<!tpu.dma_semaphore, #tpu.memory_space<semaphore_mem>>) src(%dma_wait3A_54 : memref<512xf32, #tpu.memory_space<vmem>>) dst(%dma_wait3A_52 : memref<512xf32, #tpu.memory_space<hbm>>)
        tpu.yield
      }) : () -> ()
    } else {
    }
    return
  }
}

module attributes {stable_mosaic.version = 14 : i64} {
  func.func @_threshold_body(%arg0: i32, %arg1: memref<1x8x40x128xf32, #tpu.memory_space<vmem>>, %arg2: memref<1x8x128xf32, #tpu.memory_space<vmem>>, %arg3: memref<1x8x128xi32, #tpu.memory_space<vmem>>) attributes {dimension_semantics = [#tpu.dimension_semantics<parallel>], iteration_bounds = array<i64: 10>, scalar_prefetch = 0 : i64, scratch_operands = 0 : i64, tpu.core_type = #tpu.core_type<tc>, window_params = [{transform_indices = @transform_0, window_bounds = array<i64: 1, 8, 40, 128>}, {transform_indices = @transform_1, window_bounds = array<i64: 1, 8, 128>}, {transform_indices = @transform_2, window_bounds = array<i64: 1, 8, 128>}]} {
    %get3A = arith.constant 0 : index
    %get3A_0 = arith.constant 0 : index
    %get3A_1 = arith.constant 0 : index
    %get3A_2 = arith.constant 0 : index
    %get3A_3 = vector.load %arg1[%get3A, %get3A_0, %get3A_1, %get3A_2] : memref<1x8x40x128xf32, #tpu.memory_space<vmem>>, vector<1x8x40x128xf32>
    %get3A_4 = vector.shape_cast %get3A_3 : vector<1x8x40x128xf32> to vector<8x40x128xf32>
    %bitcast_convert_type3A = tpu.bitcast %get3A_4 : vector<8x40x128xf32> -> vector<8x40x128xi32>
    %shift_right_arithmetic3A = arith.constant 31 : i32
    %shift_right_arithmetic3A_5 = vector.broadcast %shift_right_arithmetic3A : i32 to vector<8x40x128xi32>
    %shift_right_arithmetic3A_6 = arith.shrsi %bitcast_convert_type3A, %shift_right_arithmetic3A_5 : vector<8x40x128xi32>
    %and3A = arith.constant 2147483647 : i32
    %and3A_7 = vector.broadcast %and3A : i32 to vector<8x40x128xi32>
    %and3A_8 = arith.andi %shift_right_arithmetic3A_6, %and3A_7 : vector<8x40x128xi32>
    %xor3A = arith.xori %bitcast_convert_type3A, %and3A_8 : vector<8x40x128xi32>
    %reduce_min3A = arith.constant dense<2147483647> : vector<8xi32>
    %reduce_min3A_9 = vector.multi_reduction <minsi>, %xor3A, %reduce_min3A [1, 2] : vector<8x40x128xi32> to vector<8xi32>
    %broadcast_in_dim3A = vector.shape_cast %reduce_min3A_9 : vector<8xi32> to vector<8x1x1xi32>
    %reduce_max3A = arith.constant dense<-2147483648> : vector<8xi32>
    %reduce_max3A_10 = vector.multi_reduction <maxsi>, %xor3A, %reduce_max3A [1, 2] : vector<8x40x128xi32> to vector<8xi32>
    %broadcast_in_dim3A_11 = vector.shape_cast %reduce_max3A_10 : vector<8xi32> to vector<8x1x1xi32>
    %add3A = arith.constant 1 : i32
    %add3A_12 = vector.broadcast %add3A : i32 to vector<8x1x1xi32>
    %add3A_13 = arith.addi %broadcast_in_dim3A_11, %add3A_12 : vector<8x1x1xi32>
    %scan3A = arith.constant 0 : i32
    %scan3A_14 = arith.constant 32 : i32
    %scan3A_15 = arith.addi %scan3A, %scan3A_14 : i32
    %scan3A_16 = arith.constant 1 : i32
    %scan3A_17:2 = scf.for %scan3A_47 = %scan3A to %scan3A_15 step %scan3A_16 iter_args(%scan3A_48 = %broadcast_in_dim3A, %scan3A_49 = %add3A_13) -> (vector<8x1x1xi32>, vector<8x1x1xi32>)  : i32 {
      %add3A_50 = arith.addi %scan3A_48, %scan3A_49 : vector<8x1x1xi32>
      %shift_right_arithmetic3A_51 = arith.constant 1 : i32
      %shift_right_arithmetic3A_52 = vector.broadcast %shift_right_arithmetic3A_51 : i32 to vector<8x1x1xi32>
      %shift_right_arithmetic3A_53 = arith.shrsi %add3A_50, %shift_right_arithmetic3A_52 : vector<8x1x1xi32>
      %ge3A = vector.broadcast %shift_right_arithmetic3A_53 : vector<8x1x1xi32> to vector<8x40x128xi32>
      %ge3A_54 = arith.cmpi sge, %xor3A, %ge3A : vector<8x40x128xi32>
      %convert_element_type3A_55 = arith.extui %ge3A_54 : vector<8x40x128xi1> to vector<8x40x128xi32>
      %reduce_sum3A_56 = arith.constant dense<0> : vector<8xi32>
      %reduce_sum3A_57 = vector.multi_reduction <add>, %convert_element_type3A_55, %reduce_sum3A_56 [1, 2] : vector<8x40x128xi32> to vector<8xi32>
      %broadcast_in_dim3A_58 = vector.shape_cast %reduce_sum3A_57 : vector<8xi32> to vector<8x1x1xi32>
      %ge3A_59 = arith.constant 512 : i32
      %ge3A_60 = vector.broadcast %ge3A_59 : i32 to vector<8x1x1xi32>
      %ge3A_61 = arith.cmpi sge, %broadcast_in_dim3A_58, %ge3A_60 : vector<8x1x1xi32>
      %select_n3A = arith.select %ge3A_61, %shift_right_arithmetic3A_53, %scan3A_48 : vector<8x1x1xi1>, vector<8x1x1xi32>
      %select_n3A_62 = arith.select %ge3A_61, %scan3A_49, %shift_right_arithmetic3A_53 : vector<8x1x1xi1>, vector<8x1x1xi32>
      scf.yield %select_n3A, %select_n3A_62 : vector<8x1x1xi32>, vector<8x1x1xi32>
    }
    %shift_right_arithmetic3A_18 = arith.constant 31 : i32
    %shift_right_arithmetic3A_19 = vector.broadcast %shift_right_arithmetic3A_18 : i32 to vector<8x1x1xi32>
    %shift_right_arithmetic3A_20 = arith.shrsi %scan3A_17#0, %shift_right_arithmetic3A_19 : vector<8x1x1xi32>
    %and3A_21 = arith.constant 2147483647 : i32
    %and3A_22 = vector.broadcast %and3A_21 : i32 to vector<8x1x1xi32>
    %and3A_23 = arith.andi %shift_right_arithmetic3A_20, %and3A_22 : vector<8x1x1xi32>
    %xor3A_24 = arith.xori %scan3A_17#0, %and3A_23 : vector<8x1x1xi32>
    %bitcast_convert_type3A_25 = tpu.bitcast %xor3A_24 : vector<8x1x1xi32> -> vector<8x1x1xf32>
    %gt3A = vector.broadcast %bitcast_convert_type3A_25 : vector<8x1x1xf32> to vector<8x40x128xf32>
    %gt3A_26 = arith.cmpf ogt, %get3A_4, %gt3A : vector<8x40x128xf32>
    %convert_element_type3A = arith.extui %gt3A_26 : vector<8x40x128xi1> to vector<8x40x128xi32>
    %reduce_sum3A = arith.constant dense<0> : vector<8xi32>
    %reduce_sum3A_27 = vector.multi_reduction <add>, %convert_element_type3A, %reduce_sum3A [1, 2] : vector<8x40x128xi32> to vector<8xi32>
    %broadcast_in_dim3A_28 = vector.shape_cast %reduce_sum3A_27 : vector<8xi32> to vector<8x1x1xi32>
    %sub3A = arith.constant 512 : i32
    %sub3A_29 = vector.broadcast %sub3A : i32 to vector<8x1x1xi32>
    %sub3A_30 = arith.subi %sub3A_29, %broadcast_in_dim3A_28 : vector<8x1x1xi32>
    %squeeze3A = vector.shape_cast %bitcast_convert_type3A_25 : vector<8x1x1xf32> to vector<8x1xf32>
    %broadcast_in_dim3A_31 = vector.shape_cast %squeeze3A : vector<8x1xf32> to vector<8x1xf32>
    %broadcast_in_dim3A_32 = vector.broadcast %broadcast_in_dim3A_31 : vector<8x1xf32> to vector<8x128xf32>
    %swap3A = arith.constant 0 : index
    %swap3A_33 = arith.constant 0 : index
    %swap3A_34 = arith.constant 0 : index
    %swap3A_35 = vector.load %arg2[%swap3A, %swap3A_33, %swap3A_34] : memref<1x8x128xf32, #tpu.memory_space<vmem>>, vector<1x8x128xf32>
    %swap3A_36 = vector.shape_cast %swap3A_35 : vector<1x8x128xf32> to vector<8x128xf32>
    %swap3A_37 = vector.shape_cast %broadcast_in_dim3A_32 : vector<8x128xf32> to vector<1x8x128xf32>
    tpu.vector_store %arg2[%swap3A, %swap3A_33, %swap3A_34], %swap3A_37 {strides = array<i32>} : memref<1x8x128xf32, #tpu.memory_space<vmem>>, vector<1x8x128xf32>,
    %squeeze3A_38 = vector.shape_cast %sub3A_30 : vector<8x1x1xi32> to vector<8x1xi32>
    %broadcast_in_dim3A_39 = vector.shape_cast %squeeze3A_38 : vector<8x1xi32> to vector<8x1xi32>
    %broadcast_in_dim3A_40 = vector.broadcast %broadcast_in_dim3A_39 : vector<8x1xi32> to vector<8x128xi32>
    %swap3A_41 = arith.constant 0 : index
    %swap3A_42 = arith.constant 0 : index
    %swap3A_43 = arith.constant 0 : index
    %swap3A_44 = vector.load %arg3[%swap3A_41, %swap3A_42, %swap3A_43] : memref<1x8x128xi32, #tpu.memory_space<vmem>>, vector<1x8x128xi32>
    %swap3A_45 = vector.shape_cast %swap3A_44 : vector<1x8x128xi32> to vector<8x128xi32>
    %swap3A_46 = vector.shape_cast %broadcast_in_dim3A_40 : vector<8x128xi32> to vector<1x8x128xi32>
    tpu.vector_store %arg3[%swap3A_41, %swap3A_42, %swap3A_43], %swap3A_46 {strides = array<i32>} : memref<1x8x128xi32, #tpu.memory_space<vmem>>, vector<1x8x128xi32>,
    return
  }
  func.func @transform_0(%arg0: i32) -> (i32, i32, i32, i32) {
    %c0_i32 = arith.constant 0 : i32
    %c0_i32_0 = arith.constant 0 : i32
    %c0_i32_1 = arith.constant 0 : i32
    %c0_i32_2 = arith.constant 0 : i32
    return %arg0, %c0_i32, %c0_i32_0, %c0_i32_1 : i32, i32, i32, i32
  }
  func.func @transform_1(%arg0: i32) -> (i32, i32, i32) {
    %c0_i32 = arith.constant 0 : i32
    %c0_i32_0 = arith.constant 0 : i32
    %c0_i32_1 = arith.constant 0 : i32
    return %arg0, %c0_i32, %c0_i32_0 : i32, i32, i32
  }
  func.func @transform_2(%arg0: i32) -> (i32, i32, i32) {
    %c0_i32 = arith.constant 0 : i32
    %c0_i32_0 = arith.constant 0 : i32
    %c0_i32_1 = arith.constant 0 : i32
    return %arg0, %c0_i32, %c0_i32_0 : i32, i32, i32
  }
}

module attributes {stable_mosaic.version = 14 : i64} {
  func.func @_nms_body(%arg0: i32, %arg1: memref<1x512x8xf32, #tpu.memory_space<vmem>>, %arg2: memref<1x8x512xf32, #tpu.memory_space<vmem>>, %arg3: memref<1x1x512xf32, #tpu.memory_space<vmem>>, %arg4: memref<1x1x512xf32, #tpu.memory_space<vmem>>) attributes {dimension_semantics = [#tpu.dimension_semantics<parallel>], iteration_bounds = array<i64: 80>, scalar_prefetch = 0 : i64, scratch_operands = 0 : i64, tpu.core_type = #tpu.core_type<tc>, window_params = [{transform_indices = @transform_0, window_bounds = array<i64: 1, 512, 8>}, {transform_indices = @transform_1, window_bounds = array<i64: 1, 8, 512>}, {transform_indices = @transform_2, window_bounds = array<i64: 1, 1, 512>}, {transform_indices = @transform_3, window_bounds = array<i64: 1, 1, 512>}]} {
    %get3A = arith.constant 0 : index
    %get3A_0 = arith.constant 0 : index
    %get3A_1 = arith.constant 0 : index
    %get3A_2 = vector.load %arg1[%get3A, %get3A_0, %get3A_1] : memref<1x512x8xf32, #tpu.memory_space<vmem>>, vector<1x512x8xf32>
    %get3A_3 = vector.shape_cast %get3A_2 : vector<1x512x8xf32> to vector<512x8xf32>
    %get3A_4 = arith.constant 0 : index
    %get3A_5 = arith.constant 0 : index
    %get3A_6 = arith.constant 0 : index
    %get3A_7 = vector.load %arg2[%get3A_4, %get3A_5, %get3A_6] : memref<1x8x512xf32, #tpu.memory_space<vmem>>, vector<1x8x512xf32>
    %get3A_8 = vector.shape_cast %get3A_7 : vector<1x8x512xf32> to vector<8x512xf32>
    %slice3A = vector.extract_strided_slice %get3A_3 {offsets = [0, 0], sizes = [512, 1], strides = [1, 1]} : vector<512x8xf32> to vector<512x1xf32>
    %slice3A_9 = vector.extract_strided_slice %get3A_3 {offsets = [0, 1], sizes = [512, 1], strides = [1, 1]} : vector<512x8xf32> to vector<512x1xf32>
    %slice3A_10 = vector.extract_strided_slice %get3A_3 {offsets = [0, 2], sizes = [512, 1], strides = [1, 1]} : vector<512x8xf32> to vector<512x1xf32>
    %slice3A_11 = vector.extract_strided_slice %get3A_3 {offsets = [0, 3], sizes = [512, 1], strides = [1, 1]} : vector<512x8xf32> to vector<512x1xf32>
    %slice3A_12 = vector.extract_strided_slice %get3A_3 {offsets = [0, 4], sizes = [512, 1], strides = [1, 1]} : vector<512x8xf32> to vector<512x1xf32>
    %slice3A_13 = vector.extract_strided_slice %get3A_3 {offsets = [0, 5], sizes = [512, 1], strides = [1, 1]} : vector<512x8xf32> to vector<512x1xf32>
    %slice3A_14 = vector.extract_strided_slice %get3A_8 {offsets = [0, 0], sizes = [1, 512], strides = [1, 1]} : vector<8x512xf32> to vector<1x512xf32>
    %slice3A_15 = vector.extract_strided_slice %get3A_8 {offsets = [1, 0], sizes = [1, 512], strides = [1, 1]} : vector<8x512xf32> to vector<1x512xf32>
    %slice3A_16 = vector.extract_strided_slice %get3A_8 {offsets = [2, 0], sizes = [1, 512], strides = [1, 1]} : vector<8x512xf32> to vector<1x512xf32>
    %slice3A_17 = vector.extract_strided_slice %get3A_8 {offsets = [3, 0], sizes = [1, 512], strides = [1, 1]} : vector<8x512xf32> to vector<1x512xf32>
    %slice3A_18 = vector.extract_strided_slice %get3A_8 {offsets = [4, 0], sizes = [1, 512], strides = [1, 1]} : vector<8x512xf32> to vector<1x512xf32>
    %slice3A_19 = vector.extract_strided_slice %get3A_8 {offsets = [5, 0], sizes = [1, 512], strides = [1, 1]} : vector<8x512xf32> to vector<1x512xf32>
    %sub3A = arith.subf %slice3A_10, %slice3A : vector<512x1xf32>
    %sub3A_20 = arith.subf %slice3A_11, %slice3A_9 : vector<512x1xf32>
    %mul3A = arith.mulf %sub3A, %sub3A_20 : vector<512x1xf32>
    %sub3A_21 = arith.subf %slice3A_16, %slice3A_14 : vector<1x512xf32>
    %sub3A_22 = arith.subf %slice3A_17, %slice3A_15 : vector<1x512xf32>
    %mul3A_23 = arith.mulf %sub3A_21, %sub3A_22 : vector<1x512xf32>
    %max3A = vector.broadcast %slice3A : vector<512x1xf32> to vector<512x512xf32>
    %max3A_24 = vector.broadcast %slice3A_14 : vector<1x512xf32> to vector<512x512xf32>
    %max3A_25 = arith.maximumf %max3A, %max3A_24 : vector<512x512xf32>
    %max3A_26 = vector.broadcast %slice3A_9 : vector<512x1xf32> to vector<512x512xf32>
    %max3A_27 = vector.broadcast %slice3A_15 : vector<1x512xf32> to vector<512x512xf32>
    %max3A_28 = arith.maximumf %max3A_26, %max3A_27 : vector<512x512xf32>
    %min3A = vector.broadcast %slice3A_10 : vector<512x1xf32> to vector<512x512xf32>
    %min3A_29 = vector.broadcast %slice3A_16 : vector<1x512xf32> to vector<512x512xf32>
    %min3A_30 = arith.minimumf %min3A, %min3A_29 : vector<512x512xf32>
    %min3A_31 = vector.broadcast %slice3A_11 : vector<512x1xf32> to vector<512x512xf32>
    %min3A_32 = vector.broadcast %slice3A_17 : vector<1x512xf32> to vector<512x512xf32>
    %min3A_33 = arith.minimumf %min3A_31, %min3A_32 : vector<512x512xf32>
    %sub3A_34 = arith.subf %min3A_30, %max3A_25 : vector<512x512xf32>
    %jit3A = arith.constant 0.000000e+00 : f32
    %max3A_35 = vector.broadcast %jit3A : f32 to vector<512x512xf32>
    %max3A_36 = arith.maximumf %max3A_35, %sub3A_34 : vector<512x512xf32>
    %sub3A_37 = arith.subf %min3A_33, %max3A_28 : vector<512x512xf32>
    %jit3A_38 = arith.constant 0.000000e+00 : f32
    %max3A_39 = vector.broadcast %jit3A_38 : f32 to vector<512x512xf32>
    %max3A_40 = arith.maximumf %max3A_39, %sub3A_37 : vector<512x512xf32>
    %mul3A_41 = arith.mulf %max3A_36, %max3A_40 : vector<512x512xf32>
    %add3A = vector.broadcast %mul3A : vector<512x1xf32> to vector<512x512xf32>
    %add3A_42 = vector.broadcast %mul3A_23 : vector<1x512xf32> to vector<512x512xf32>
    %add3A_43 = arith.addf %add3A, %add3A_42 : vector<512x512xf32>
    %sub3A_44 = arith.subf %add3A_43, %mul3A_41 : vector<512x512xf32>
    %div3A = arith.divf %mul3A_41, %sub3A_44 : vector<512x512xf32>
    %gt3A = vector.broadcast %slice3A_12 : vector<512x1xf32> to vector<512x512xf32>
    %gt3A_45 = vector.broadcast %slice3A_18 : vector<1x512xf32> to vector<512x512xf32>
    %gt3A_46 = arith.cmpf ogt, %gt3A, %gt3A_45 : vector<512x512xf32>
    %eq3A = vector.broadcast %slice3A_12 : vector<512x1xf32> to vector<512x512xf32>
    %eq3A_47 = vector.broadcast %slice3A_18 : vector<1x512xf32> to vector<512x512xf32>
    %eq3A_48 = arith.cmpf oeq, %eq3A, %eq3A_47 : vector<512x512xf32>
    %lt3A = vector.broadcast %slice3A_13 : vector<512x1xf32> to vector<512x512xf32>
    %lt3A_49 = vector.broadcast %slice3A_19 : vector<1x512xf32> to vector<512x512xf32>
    %lt3A_50 = arith.cmpf olt, %lt3A, %lt3A_49 : vector<512x512xf32>
    %and3A = arith.andi %eq3A_48, %lt3A_50 : vector<512x512xi1>
    %or3A = arith.ori %gt3A_46, %and3A : vector<512x512xi1>
    %gt3A_51 = arith.constant 5.000000e-01 : f32
    %gt3A_52 = vector.broadcast %gt3A_51 : f32 to vector<512x512xf32>
    %gt3A_53 = arith.cmpf ogt, %div3A, %gt3A_52 : vector<512x512xf32>
    %and3A_54 = arith.andi %gt3A_53, %or3A : vector<512x512xi1>
    %jit3A_55 = arith.constant 1.000000e+00 : f32
    %jit3A_56 = arith.constant 0.000000e+00 : f32
    %broadcast_in_dim3A = vector.broadcast %jit3A_55 : f32 to vector<512x512xf32>
    %broadcast_in_dim3A_57 = vector.broadcast %jit3A_56 : f32 to vector<512x512xf32>
    %select_n3A = arith.select %and3A_54, %broadcast_in_dim3A, %broadcast_in_dim3A_57 : vector<512x512xi1>, vector<512x512xf32>
    %broadcast_in_dim3A_58 = arith.constant 0.000000e+00 : f32
    %broadcast_in_dim3A_59 = vector.broadcast %broadcast_in_dim3A_58 : f32 to vector<1x512xf32>
    %while3A = arith.constant true
    %while3A_60:2 = scf.while (%while3A_83 = %broadcast_in_dim3A_59, %while3A_84 = %while3A) : (vector<1x512xf32>, i1) -> (vector<1x512xf32>, i1) {
      scf.condition(%while3A_84) %while3A_83, %while3A_84 : vector<1x512xf32>, i1
    } do {
    ^bb0(%while3A_83: vector<1x512xf32>, %while3A_84: i1):
      %sub3A_85 = arith.constant 1.000000e+00 : f32
      %sub3A_86 = vector.broadcast %sub3A_85 : f32 to vector<1x512xf32>
      %sub3A_87 = arith.subf %sub3A_86, %while3A_83 : vector<1x512xf32>
      %dot_general3A = arith.constant dense<0.000000e+00> : vector<1x512xf32>
      %dot_general3A_88 = tpu.matmul %sub3A_87, %select_n3A, %dot_general3A {dimension_numbers = #tpu.dot_dimension_numbers<[1], [0], [0], [1], [0, 0, 1, 1], [], []>, transpose_lhs_hint = false} : vector<1x512xf32>, vector<512x512xf32>, vector<1x512xf32> -> vector<1x512xf32>
      %gt3A_89 = arith.constant 0.000000e+00 : f32
      %gt3A_90 = vector.broadcast %gt3A_89 : f32 to vector<1x512xf32>
      %gt3A_91 = arith.cmpf ogt, %dot_general3A_88, %gt3A_90 : vector<1x512xf32>
      %jit3A_92 = arith.constant 1.000000e+00 : f32
      %jit3A_93 = arith.constant 0.000000e+00 : f32
      %broadcast_in_dim3A_94 = vector.broadcast %jit3A_92 : f32 to vector<1x512xf32>
      %broadcast_in_dim3A_95 = vector.broadcast %jit3A_93 : f32 to vector<1x512xf32>
      %select_n3A_96 = arith.select %gt3A_91, %broadcast_in_dim3A_94, %broadcast_in_dim3A_95 : vector<1x512xi1>, vector<1x512xf32>
      %ne3A = arith.cmpf one, %select_n3A_96, %while3A_83 : vector<1x512xf32>
      %reduce_or3A = arith.constant 1.000000e+00 : f32
      %reduce_or3A_97 = arith.constant 0.000000e+00 : f32
      %reduce_or3A_98 = vector.broadcast %reduce_or3A : f32 to vector<1x512xf32>
      %reduce_or3A_99 = vector.broadcast %reduce_or3A_97 : f32 to vector<1x512xf32>
      %reduce_or3A_100 = arith.select %ne3A, %reduce_or3A_98, %reduce_or3A_99 : vector<1x512xi1>, vector<1x512xf32>
      %reduce_or3A_101 = vector.shape_cast %reduce_or3A_100 : vector<1x512xf32> to vector<1x1x512xf32>
      %reduce_or3A_102 = arith.constant dense<0xFF800000> : vector<1xf32>
      %reduce_or3A_103 = vector.multi_reduction <maximumf>, %reduce_or3A_101, %reduce_or3A_102 [1, 2] : vector<1x1x512xf32> to vector<1xf32>
      %reduce_or3A_104 = vector.shape_cast %reduce_or3A_103 : vector<1xf32> to vector<1x1x1xf32>
      %reduce_or3A_105 = vector.extract %reduce_or3A_104[0, 0, 0] : f32 from vector<1x1x1xf32>
      %reduce_or3A_106 = arith.constant 0.000000e+00 : f32
      %reduce_or3A_107 = arith.cmpf ogt, %reduce_or3A_105, %reduce_or3A_106 : f32
      scf.yield %select_n3A_96, %reduce_or3A_107 : vector<1x512xf32>, i1
    }
    %eq3A_61 = arith.constant 0.000000e+00 : f32
    %eq3A_62 = vector.broadcast %eq3A_61 : f32 to vector<1x512xf32>
    %eq3A_63 = arith.cmpf oeq, %while3A_60#0, %eq3A_62 : vector<1x512xf32>
    %jit3A_64 = arith.constant 1.000000e+00 : f32
    %jit3A_65 = arith.constant 0.000000e+00 : f32
    %broadcast_in_dim3A_66 = vector.broadcast %jit3A_64 : f32 to vector<1x512xf32>
    %broadcast_in_dim3A_67 = vector.broadcast %jit3A_65 : f32 to vector<1x512xf32>
    %select_n3A_68 = arith.select %eq3A_63, %broadcast_in_dim3A_66, %broadcast_in_dim3A_67 : vector<1x512xi1>, vector<1x512xf32>
    %swap3A = arith.constant 0 : index
    %swap3A_69 = arith.constant 0 : index
    %swap3A_70 = arith.constant 0 : index
    %swap3A_71 = vector.load %arg4[%swap3A, %swap3A_69, %swap3A_70] : memref<1x1x512xf32, #tpu.memory_space<vmem>>, vector<1x1x512xf32>
    %swap3A_72 = vector.shape_cast %swap3A_71 : vector<1x1x512xf32> to vector<1x512xf32>
    %swap3A_73 = vector.shape_cast %select_n3A_68 : vector<1x512xf32> to vector<1x1x512xf32>
    tpu.vector_store %arg4[%swap3A, %swap3A_69, %swap3A_70], %swap3A_73 {strides = array<i32>} : memref<1x1x512xf32, #tpu.memory_space<vmem>>, vector<1x1x512xf32>,
    %jit3A_74 = arith.constant 0xFF800000 : f32
    %broadcast_in_dim3A_75 = vector.broadcast %jit3A_74 : f32 to vector<1x512xf32>
    %select_n3A_76 = arith.select %eq3A_63, %slice3A_18, %broadcast_in_dim3A_75 : vector<1x512xi1>, vector<1x512xf32>
    %swap3A_77 = arith.constant 0 : index
    %swap3A_78 = arith.constant 0 : index
    %swap3A_79 = arith.constant 0 : index
    %swap3A_80 = vector.load %arg3[%swap3A_77, %swap3A_78, %swap3A_79] : memref<1x1x512xf32, #tpu.memory_space<vmem>>, vector<1x1x512xf32>
    %swap3A_81 = vector.shape_cast %swap3A_80 : vector<1x1x512xf32> to vector<1x512xf32>
    %swap3A_82 = vector.shape_cast %select_n3A_76 : vector<1x512xf32> to vector<1x1x512xf32>
    tpu.vector_store %arg3[%swap3A_77, %swap3A_78, %swap3A_79], %swap3A_82 {strides = array<i32>} : memref<1x1x512xf32, #tpu.memory_space<vmem>>, vector<1x1x512xf32>,
    return
  }
  func.func @transform_0(%arg0: i32) -> (i32, i32, i32) {
    %c0_i32 = arith.constant 0 : i32
    %c0_i32_0 = arith.constant 0 : i32
    %c0_i32_1 = arith.constant 0 : i32
    return %arg0, %c0_i32, %c0_i32_0 : i32, i32, i32
  }
  func.func @transform_1(%arg0: i32) -> (i32, i32, i32) {
    %c0_i32 = arith.constant 0 : i32
    %c0_i32_0 = arith.constant 0 : i32
    %c0_i32_1 = arith.constant 0 : i32
    return %arg0, %c0_i32, %c0_i32_0 : i32, i32, i32
  }
  func.func @transform_2(%arg0: i32) -> (i32, i32, i32) {
    %c0_i32 = arith.constant 0 : i32
    %c0_i32_0 = arith.constant 0 : i32
    %c0_i32_1 = arith.constant 0 : i32
    return %arg0, %c0_i32, %c0_i32_0 : i32, i32, i32
  }
  func.func @transform_3(%arg0: i32) -> (i32, i32, i32) {
    %c0_i32 = arith.constant 0 : i32
    %c0_i32_0 = arith.constant 0 : i32
    %c0_i32_1 = arith.constant 0 : i32
    return %arg0, %c0_i32, %c0_i32_0 : i32, i32, i32
  }
}

</mosaic_0001>

<sc_bundles>
// kernel: _run.11.cloned.1.call-start
scs
__scs_entry_jumppad:
0x0: {  	(pc) =	sbr.rel $0x88, $3  }
0x1: {  	(tag) =	ssettag $0x0;
	lr =	simm.s32 $0x1  }
0x2: {  	[smem:$0x3F9D] =	sst lr;
	_ =	strace $0xD0000000  }
0x3: {  	_ = 	snop  }
0x4: {  	_ = 	snop  }
0x5: {  	_ = 	snop  }
0x6: {  	_ = 	snop  }
0x7: {  	_ = 	snop  }
__scs_overlays_trampoline_lowered:
0x8: {  	[smem:$0x3FAC] =	sst s0  }
0x9: {  	[smem:$0x3FAD] =	sst s1  }
0xa: {  	[smem:$0x3FAE] =	sst s2  }
0xb: {  	[smem:$0x3FAF] =	sst s3  }
0xc: {  	[smem:$0x3FB0] =	sst s4  }
0xd: {  	[smem:$0x3FB1] =	sst s5  }
0xe: {  	[smem:$0x3FB2] =	sst s6  }
0xf: {  	[smem:$0x3FB3] =	sst s7  }
0x10: {  	[smem:$0x3FB4] =	sst s8  }
0x11: {  	[smem:$0x3FB5] =	sst s9;
	s0 =	simm.s32 @!p0 $0x0  }
0x12: {  	s1 =	sld [smem:$0x3F9B];
	s0 =	simm.s32 @p0 $0x1  }
0x13: {  	[smem:$0x3FB6] =	sst s0;
	s0 =	simm.s32 @!p1 $0x0  }
0x14: {  	s2 =	sld [smem:$0x3F9A];
	s0 =	simm.s32 @p1 $0x1  }
0x15: {  	[smem:$0x3FB7] =	sst s0;
	s0 =	simm.s32 @!p2 $0x0  }
0x16: {  	s3 =	sld [smem:$0x3FDB];
	s0 =	simm.s32 @p2 $0x1  }
0x17: {  	s4 =	simm.s32 $0x1BF5;
	[smem:$0x3FB9] =	sst s0  }
0x18: {  	s0 =	sld [smem:$0x3F9C];
	_ =	swait.ge [sflag:s4], $0x0  }
0x19: {  	s7 =	sld [smem:$0x3F9D]  }
0x1a: {  	s8 =	sadd.s32 $0xFFFFE003, lr  }
0x1b: {  	s9 =	sadd.s32 $0xFFFFFEF7, lr;
	s5 =	simm.s32 $0xFFFFFFFF;
	p2 =	slt.u32 s8, $0xFFFFF086  }
0x1c: {  	p1 =	slt.u32 s9, $0xF7A;
	s5 =	simm.s32 @!p2 $0x0  }
0x1d: {  	s5 =	simm.s32 @p1 $0x1;
	p0 =	seq.s32 s7, s2  }
0x1e: {  	s7 =	smul.u32 @!p0 $0xF7A, s2;
	p2 =	seq.s32 @!p0 s5, $0x0  }
0x1f: {  	s9 =	smul.u32 $0xF7A, s1;
	s8 =	simm.s32 @!p0 $0x1BF5;
	p2 =	por !p2, p0  }
0x20: {  	[sflag:s8] =	ssyncset.s32 @!p0 $0xFFFFF086;
	s6 =	sadd.s32 @!p0 s3, s7;
	s7 =	simm.s32 @!p0 $0x108  }
0x21: {  	s3 =	sadd.s32 s3, s9;
	s6 =	sadd.s32 @!p0 $0x88, s6;
	s7 =	simm.s32 @p2 $0x1082  }
0x22: {  	[simem:s7], [sflag:s8] =	dma.local @!p0 [hbm:s6], $0xF7A  }
0x23: {  	s9 =	sor.u32 $0xD0000000, s2;
	s6 =	simm.s32 $0x108;
	_ =	swait.ge @!p0 [sflag:s8], $0x0  }
0x24: {  	s3 =	sadd.s32 $0x88, s3;
	s6 =	simm.s32 @!p1 $0x1082;
	[sflag:s4] =	ssyncset.s32 $0xFFFFF086  }
0x25: {  	[simem:s6], [sflag:s4] =	dma.local [hbm:s3], $0xF7A  }
0x26: {  	[smem:$0x3F9D] =	sst s1;
	(tag) =	ssettag s2;
	_ =	strace s9  }
0x27: {  	s1 =	sld [smem:$0x3FAD]  }
0x28: {  	s2 =	sld [smem:$0x3FAE]  }
0x29: {  	s4 =	sld [smem:$0x3FB0]  }
0x2a: {  	p0 =	seq.s32 s5, $0x0;
	s5 =	sld [smem:$0x3FB1]  }
0x2b: {  	s6 =	sld [smem:$0x3FB2]  }
0x2c: {  	s7 =	sld [smem:$0x3FB3]  }
0x2d: {  	s3 =	simm.s32 $0x108;
	s8 =	sld [smem:$0x3FB4]  }
0x2e: {  	s3 =	simm.s32 @!p0 $0x1082;
	s9 =	sld [smem:$0x3FB5]  }
0x2f: {  	lr =	sadd.s32 s0, s3;
	s0 =	sld [smem:$0x3FAC]  }
0x30: {  	s3 =	sld [smem:$0x3FAF]  }
0x31: {  	[smem:$0x3FB8] =	sst s10  }
0x32: {  	s10 =	sld [smem:$0x3FB6];
	_ =	sdelay $0x3  }
0x33: {  	p0 =	seq.s32 s10, $0x1;
	s10 =	sld [smem:$0x3FB8];
	_ =	sdelay $0x3  }
0x34: {  	[smem:$0x3FB8] =	sst s10  }
0x35: {  	s10 =	sld [smem:$0x3FB7];
	_ =	sdelay $0x3  }
0x36: {  	p1 =	seq.s32 s10, $0x1;
	s10 =	sld [smem:$0x3FB8];
	_ =	sdelay $0x3  }
0x37: {  	[smem:$0x3FB8] =	sst s10  }
0x38: {  	s10 =	sld [smem:$0x3FB9]  }
0x39: {  	_ = 	snop;
	(pc) =	sbr.ind lr, $3  }
0x3a: {  	_ = 	snop  }
0x3b: {  	_ = 	snop  }
0x3c: {  	p2 =	seq.s32 s10, $0x1;
	s10 =	sld [smem:$0x3FB8]  }
0x3d: {  	_ =	shalt  }
0x3e: {  	_ =	shalt  }
0x3f: {  	_ =	shalt  }
0x40: {  	_ =	shalt  }
0x41: {  	_ =	shalt  }
0x42: {  	_ =	shalt  }
0x43: {  	_ =	shalt  }
0x44: {  	_ =	shalt  }
0x45: {  	_ =	shalt  }
0x46: {  	_ =	shalt  }
0x47: {  	_ =	shalt  }
0x48: {  	_ =	shalt  }
0x49: {  	_ =	shalt  }
0x4a: {  	_ =	shalt  }
0x4b: {  	_ =	shalt  }
0x4c: {  	_ =	shalt  }
0x4d: {  	_ =	shalt  }
0x4e: {  	_ =	shalt  }
0x4f: {  	_ =	shalt  }
0x50: {  	_ =	shalt  }
0x51: {  	_ =	shalt  }
0x52: {  	_ =	shalt  }
0x53: {  	_ =	shalt  }
0x54: {  	_ =	shalt  }
0x55: {  	_ =	shalt  }
0x56: {  	_ =	shalt  }
0x57: {  	_ =	shalt  }
0x58: {  	_ =	shalt  }
0x59: {  	_ =	shalt  }
0x5a: {  	_ =	shalt  }
0x5b: {  	_ =	shalt  }
0x5c: {  	_ =	shalt  }
0x5d: {  	_ =	shalt  }
0x5e: {  	_ =	shalt  }
0x5f: {  	_ =	shalt  }
0x60: {  	_ =	shalt  }
0x61: {  	_ =	shalt  }
0x62: {  	_ =	shalt  }
0x63: {  	_ =	shalt  }
0x64: {  	_ =	shalt  }
0x65: {  	_ =	shalt  }
0x66: {  	_ =	shalt  }
0x67: {  	_ =	shalt  }
0x68: {  	_ =	shalt  }
0x69: {  	_ =	shalt  }
0x6a: {  	_ =	shalt  }
0x6b: {  	_ =	shalt  }
0x6c: {  	_ =	shalt  }
0x6d: {  	_ =	shalt  }
0x6e: {  	_ =	shalt  }
0x6f: {  	_ =	shalt  }
0x70: {  	_ =	shalt  }
0x71: {  	_ =	shalt  }
0x72: {  	_ =	shalt  }
0x73: {  	_ =	shalt  }
0x74: {  	_ =	shalt  }
0x75: {  	_ =	shalt  }
0x76: {  	_ =	shalt  }
0x77: {  	_ =	shalt  }
0x78: {  	_ =	shalt  }
0x79: {  	_ =	shalt  }
0x7a: {  	_ =	shalt  }
0x7b: {  	_ =	shalt  }
0x7c: {  	_ =	shalt  }
0x7d: {  	_ =	shalt  }
0x7e: {  	_ =	shalt  }
0x7f: {  	_ =	shalt  }
0x80: {  	_ =	shalt  }
0x81: {  	_ =	shalt  }
0x82: {  	_ =	shalt  }
0x83: {  	_ =	shalt  }
0x84: {  	_ =	shalt  }
0x85: {  	_ =	shalt  }
0x86: {  	_ =	shalt  }
0x87: {  	_ =	shalt  }
.Lfunc_end0:
.L_simem_size_0:
called_computation.3_lowered:
.L_overlay_start_0:
0x88: {  	s2 =	sld [smem:$0x3FD9]  }
0x89: {  	s3 =	sld [smem:$0x3FFE];
	_ =	sdelay $0x1  }
0x8a: {  	s1 =	srdreg.scid  }
0x8b: {  	s0 =	sand.u32 $0x1, s1  }
0x8c: {  	s16 =	sshll.u32 s0, $0xA;
	s2 =	sadd.s32 s3, s2  }
0x8d: {  	s2 =	sadd.s32 s2, s16  }
0x8e: {  	[smem:$0x3FC4] =	sst s2  }
0x8f: {  	_ = 	snop  }
0x90: {  	(tm) =	ssettm $0x1  }
0x91: {  	s17 =	sld [smem:$0x3FFB];
	_ =	sdelay $0x3  }
0x92: {  	_ =	strace s17  }
0x93: {  	s2 =	sld [smem:$0x3FFC];
	_ =	sdelay $0x3  }
0x94: {  	_ =	strace s2  }
0x95: {  	s2 =	sld [smem:$0x3FFD];
	_ =	sdelay $0x3  }
0x96: {  	_ =	strace s2  }
0x97: {  	_ =	strace $0x8FFFFFFF  }
0x98: {  	s18 =	sld [smem:$0x3FDB];
	_ =	sdelay $0x1  }
0x99: {  	s19 =	simm.s32 $_scs_section_size  }
0x9a: {  	s4 =	simm.s32 $_size__tile_overlayer_lowered;
	s5 =	simm.s32 $_tile_overlayer_lowered  }
0x9b: {  	s22 =	simm.s32 $0x1BFF;
	s21 =	sshll.u32 s5, $0x1;
	s2 =	sadd.s32 s19, s18  }
0x9c: {  	s6 =	simm.s32 $0x0;
	s20 =	sshll.u32 s4, $0x1;
	s4 =	sadd.s32 s21, s2  }
0x9d: {  	[timem:s6], [sflag:s22] =	dma.local [hbm:s4], s20  }
0x9e: {  	_ =	swait.ge [sflag:s22], s20  }
0x9f: {  	s3 =	ssub.s32 $0x0, s20;
	[sflag:s22] =	ssyncset.done $0x0  }
0xa0: {  	[sflag:s22] =	ssyncadd.s32 s3;
	_ =	sdelay $0x1  }
0xa1: {  	s23 =	simm.s32 $0x1B8B  }
0xa2: {  	_ =	swait.ge [sflag:s23], $0x1  }
0xa3: {  	[sflag:s23] =	ssyncset.done $0x0  }
0xa4: {  	s25 =	simm.s32 $0x1B8E;
	s24 =	sld [smem:$0x3FFE];
	[sflag:s23] =	ssyncadd.s32 $0xFFFFFFFF  }
0xa5: {  	s26 =	simm.s32 $execute0_lowered;
	[smem:$0x3FD2] =	sst s25  }
0xa6: {  	s4 =	sshll.u32 s26, $0x1;
	_ =	strace $0x80000046;
	[dreg:$0x1] =	wrdreg $0xFFFFFFFF  }
0xa7: {  	s28 =	simm.s32 $_size_execute0_lowered;
	s2 =	sadd.s32 s2, s4;
	[dreg:$0x0] =	wrdreg $0x0  }
0xa8: {  	s4 =	sshll.u32 s28, $0x1;
	[dreg:$0x2] =	wrdreg s2  }
0xa9: {  	[dreg:$0x3] =	wrdreg s4  }
0xaa: {  	[dreg:$0x4] =	wrdreg $0xC0  }
0xab: {  	_ =	task [dreg:s6], $0x5FFFF  }
0xac: {  	[dreg:$0x1] =	wrdreg $0xFFFFFFFF  }
0xad: {  	[dreg:$0x0] =	wrdreg $0x60  }
0xae: {  	[dreg:$0x2] =	wrdreg s24  }
0xaf: {  	[dreg:$0x3] =	wrdreg $0xA  }
0xb0: {  	_ =	task.clear_ibuf [dreg:s6], $0x4FFFF;
	_ =	strace $0x90000046  }
0xb1: {  	s29 =	simm.s32 $0xA;
	_ =	strace $0x80000048  }
0xb2: {  	_ =	swait.ge [sflag:s29], $0x1  }
0xb3: {  	[sflag:s29] =	ssyncadd.s32 $0xFFFFFFFF  }
0xb4: {  	_ =	strace $0x90000048  }
0xb5: {  	_ =	sfence  }
0xb6: {  	s30 =	sld [smem:$0x0];
	_ =	sdelay $0x2  }
0xb7: {  	s31 =	sshll.u32 s1, $0xD;
	s1 =	sshrl.u32 s1, $0x2  }
0xb8: {  	s3 =	sand.u32 $0x4000, s31;
	s1 =	sadd.s32 s1, s30  }
0xb9: {  	s0 =	sor.u32 s3, s0;
	s1 =	sshll.u32 s1, $0x11  }
0xba: {  	s0 =	sor.u32 s1, s0  }
0xbb: {  	s0 =	sadd.s32 $0x8F2B, s0  }
0xbc: {  	[sflag:s0] =	ssyncadd.remote.s32 $0x1  }
0xbd: {  	_ =	sfence.sel $0xFFFF  }
0xbe: {  	[dreg:$0x0] =	wrdreg $0xFFFFFFFF;
	(pc) =	sbr.abs _section_cstart, $3  }
0xbf: {  	[dreg:$0x1] =	wrdreg $0xFFFFFFFF  }
0xc0: {  	_ =	task.clear_ibuf [dreg:s6], $0x2FFFF;
	_ =	strace $0x9FFFFFFF  }
0xc1: {  	(tm) =	ssettm $0x7FFFFFFF  }
tec
execute0_lowered:
.L_overlay_start_1:
0x0: {  	(tag) =	ssettag $0x1  }
0x1: {  	s1 =	srdreg.scid  }
0x2: {  	s0 =	stileid.u32;
	s3 =	rddreg [dreg:$0x0]  }
0x3: {  	s2 =	simm.s32 $0x0;
	s4 =	sand.u32 $0x1, s1;
	s1 =	rddreg [dreg:$0x1]  }
0x4: {  	s5 =	sshll.u32 s0, $0x1;
	[smem:$0x7FF] =	sst s2  }
0x5: {  	s13 =	sadd.s32 $0x600, s3;
	s14 =	sadd.s32 $0x19600, s3;
	s15 =	sadd.s32 $0x19C00, s3  }
0x6: {  	s16 =	sadd.s32 $0x1A200, s3;
	s17 =	sadd.s32 $0x1B600, s3;
	s19 =	sor.u32 s4, s5  }
0x7: {  	p1 =	sgt.u32 s0, $0xC;
	s4 =	ssub.s32 $0x2, s4;
	s9 =	smul.u32 $0x3, s19  }
0x8: {  	_ =	strace $0x80000047;
	s6 =	smul.u32 $0x180, s19;
	s23 =	sshrl.u32 s4, $0x1  }
0x9: {  	p0 =	sgt.u32 s19, $0x1A;
	s19 =	simm.s32 $0x80;
	s18 =	ssub.s32 s4, s23  }
0xa: {  	s22 =	sshrl.u32 s9, $0x3;
	s6 =	sand.u32 $0x380, s6;
	s26 =	sadd.s32 $0x1, s9  }
0xb: {  	s20 =	sadd.s32 $0x2, s9;
	s18 =	smax.u32 s18, $0x1;
	s7 =	smul.u32 $0xA000, s22  }
0xc: {  	s25 =	sshll.u32 s22, $0xA;
	s10 =	sshrl.u32 s26, $0x3;
	s5 =	sshll.u32 s22, $0xC  }
0xd: {  	s21 =	sshrl.u32 s20, $0x3;
	s20 =	sshll.u32 s20, $0x7;
	s4 =	sor.u32 s6, s25  }
0xe: {  	s11 =	smul.u32 $0xA000, s10;
	s30 =	sshll.u32 s10, $0xA;
	s10 =	sshll.u32 s10, $0xC  }
0xf: {  	s22 =	smul.u32 $0xA000, s21;
	s20 =	sand.u32 $0x380, s20;
	s23 =	sshll.u32 s21, $0xA  }
0x10: {  	s21 =	sshll.u32 s21, $0xC;
	s25 =	simm.s32 $0x1780;
	s24 =	sor.u32 s6, s7  }
0x11: {  	s8 =	sshrl.u32 s4, $0x3;
	s7 =	sshll.u32 s26, $0x7;
	s6 =	sor.u32 s6, s5  }
0x12: {  	s23 =	sor.u32 s20, s23;
	s3 =	sshrl.u32 s24, $0x3;
	s4 =	sadd.s32 s14, s8  }
0x13: {  	s12 =	sand.u32 $0x380, s7;
	s5 =	sadd.s32 s15, s8;
	s28 =	sshrl.u32 s6, $0x3  }
0x14: {  	s22 =	sor.u32 s20, s22;
	s31 =	sshrl.u32 s23, $0x3;
	s20 =	sor.u32 s20, s21  }
0x15: {  	s21 =	simm.s32 $0x1;
	s23 =	simm.s32 $0x1480;
	s24 =	simm.s32 $0x1500  }
0x16: {  	s3 =	sadd.s32 s13, s3;
	s29 =	sor.u32 s12, s11;
	s6 =	sadd.s32 s16, s28  }
0x17: {  	s7 =	sadd.s32 s17, s28;
	s11 =	sor.u32 s12, s30;
	s10 =	sor.u32 s12, s10  }
0x18: {  	s22 =	sshrl.u32 s22, $0x3;
	s20 =	sshrl.u32 s20, $0x3;
	s8 =	sshrl.u32 s29, $0x3  }
.Ltmp0:
0x19: {  	s11 =	sshrl.u32 s11, $0x3;
	s12 =	sshrl.u32 s10, $0x3;
	(pc) =	sbr.rel .LBB2_1-.Ltmp0, $4  }
0x1a: {  	s8 =	sadd.s32 s13, s8;
	s9 =	sadd.s32 s14, s11;
	s10 =	sadd.s32 s15, s11  }
0x1b: {  	s11 =	sadd.s32 s16, s12;
	s12 =	sadd.s32 s17, s12;
	s13 =	sadd.s32 s13, s22  }
0x1c: {  	s14 =	sadd.s32 s14, s31;
	s15 =	sadd.s32 s15, s31;
	s16 =	sadd.s32 s16, s20  }
0x1d: {  	v0 =	vimm.s32 $0x0;
	s17 =	sadd.s32 s17, s20;
	s20 =	simm.s32 $0x400;
	s22 =	simm.s32 $0x1400  }
.LBB2_10:
0x1e: {  	v4 =	vld [tilespmem:s29+$0x0];
	_ =	sdelay $0x4  }
0x1f: {  	vm0 =	veq.f32 v4, v1  }
0x20: {  	v6 =	vsel vm0, $0x1, v0  }
0x21: {  	(xrf0) =	vadd.scan.msk.s32 $0xffff, v6;
	_ =	sdelay $0x4  }
0x22: {  	v63, _, _ =	vpop (xrf0)  }
0x23: {  	v7, _, _ =	vpop (xrf0)  }
0x24: {  	v5 =	vadd.s32 v5, v7  }
0x25: {  	vm1 =	vle.s32 v5, v3  }
0x26: {  	vm2 =	vgt.f32 v4, v1;
	vm0 =	vmand vm0, vm1  }
0x27: {  	vm0 =	vmor vm2, vm0  }
0x28: {  	v1 =	vsel vm0, $0x1, v0  }
0x29: {  	(xrf0) =	vadd.scan.msk.s32 $0xffff, v1;
	_ =	sdelay $0x1  }
0x2a: {  	(v2sf) =	vpush v63, $0xF;
	_ =	sdelay $0x3  }
0x2b: {  	v1, _, _ =	vpop (xrf0)  }
0x2c: {  	(v2sf) =	vpush v1, $0xF;
	_ =	sdelay $0x9  }
0x2d: {  	s28 =	spop (v2sf)  }
0x2e: {  	s26 =	sadd.s32 s26, s28;
	v1 =	vadd.s32 $0x10, v2  }
0x2f: {  	[tilespmem:s26+$0x1500] =	vst.msk vm0, v1  }
0x30: {  	[tilespmem:s26+$0x1780] =	vst.msk vm0, v4  }
0x31: {  	[hbm4b:s16+s19] =	stream.strided.scatter [tilespmem:s24], [sflag:$0x1], $0x200, s20, s19, $0x38;
	[tilespmem:$0x1A00] =	vst v63  }
0x32: {  	s31 =	spop (v2sf)  }
0x33: {  	_ =	swait.ge [sflag:s21], $0x200  }
0x34: {  	[sflag:s21] =	ssyncset.done $0x0  }
0x35: {  	[sflag:s21] =	ssyncadd.s32 $0xFFFFFE00  }
0x36: {  	[hbm4b:s17+s19] =	stream.strided.scatter [tilespmem:s25], [sflag:$0x1], $0x200, s20, s19, $0x38;
	[tilespmem:$0x1A00] =	vst v63  }
0x37: {  	_ =	swait.ge [sflag:s21], $0x200  }
0x38: {  	[sflag:s21] =	ssyncset.done $0x0  }
0x39: {  	[sflag:s21] =	ssyncadd.s32 $0xFFFFFE00  }
.LBB2_11:
0x3a: {  	s2 =	sadd.s32 $0x1, s2  }
0x3b: {  	p2 =	sne.s32 s2, s18  }
.Ltmp1:
0x3c: {  	_ = 	snop;
	(pc) =	sbr.rel @!p2 .LBB2_12-.Ltmp1, $1  }
0x3d: {  	_ =	sdelay $0x3  }
.LBB2_1:
.Ltmp2:
0x3e: {  	(pc) =	sbr.rel @p0 .LBB2_7-.Ltmp2, $1  }
0x3f: {  	_ =	sdelay $0x3  }
0x40: {  	s26 =	simm.s32 $0x0  }
0x41: {  	[tilespmem:s26], [sflag:$0x1] =	stream.strided.gather [hbm4b:s3+s19], $0x1400, s20, s19, $0x38;
	[tilespmem:$0x1A00] =	vst v63  }
0x42: {  	_ =	swait.ge [sflag:s21], $0x1400  }
0x43: {  	[sflag:s21] =	ssyncset.done $0x0  }
0x44: {  	[sflag:s21] =	ssyncadd.s32 $0xFFFFEC00  }
0x45: {  	[tilespmem:s22], [sflag:$0x1] =	stream.linear.gather [hbm4b:s4+s26], $0x80, $0x38;
	[tilespmem:$0x1A00] =	vst v63  }
0x46: {  	_ =	swait.ge [sflag:s21], $0x80  }
0x47: {  	[sflag:s21] =	ssyncset.done $0x0  }
0x48: {  	[sflag:s21] =	ssyncadd.s32 $0xFFFFFF80  }
0x49: {  	[tilespmem:s23], [sflag:$0x1] =	stream.linear.gather [hbm4b:s5+s26], $0x80, $0x38;
	[tilespmem:$0x1A00] =	vst v63  }
0x4a: {  	_ =	swait.ge [sflag:s21], $0x80  }
0x4b: {  	[sflag:s21] =	ssyncset.done $0x0  }
0x4c: {  	[sflag:s21] =	ssyncadd.s32 $0xFFFFFF80  }
0x4d: {  	s28 =	simm.s32 $0x0;
	v1 =	vld [tilespmem:$0x1400]  }
0x4e: {  	v5 =	vld [tilespmem:s28+$0x0];
	_ =	sdelay $0x4  }
0x4f: {  	vm0 =	veq.f32 v5, v1  }
0x50: {  	v2 =	vsel vm0, $0x1, v0  }
0x51: {  	(xrf0) =	vadd.scan.msk.s32 $0xffff, v2;
	_ =	sdelay $0x2  }
0x52: {  	v3 =	vld [tilespmem:$0x1480];
	_ =	sdelay $0x2  }
0x53: {  	v4 =	vimm.s32 $0x0;
	v2, _, _ =	vpop (xrf0)  }
0x54: {  	v2 =	vadd.s32 v4, v2  }
0x55: {  	vm1 =	vle.s32 v2, v3  }
0x56: {  	vm2 =	vgt.f32 v5, v1;
	v6 =	vmpcnt.ones.xlane vm0;
	vm0 =	vmand vm0, vm1  }
0x57: {  	vm0 =	vmor vm2, vm0  }
0x58: {  	v4 =	vadd.s32 v4, v6;
	v6 =	vsel vm0, $0x1, v0  }
0x59: {  	(xrf0) =	vadd.scan.msk.s32 $0xffff, v6  }
0x5a: {  	v2 =	vlaneseq.u32  }
0x5b: {  	[tilespmem:s26+$0x1500] =	vst.msk vm0, v2  }
0x5c: {  	s29 =	simm.s32 $0x10;
	s28 =	simm.s32 $0x80;
	[tilespmem:s26+$0x1780] =	vst.msk vm0, v5;
	v5 =	vmov v4  }
.LBB2_3:
0x5d: {  	p2 =	sne.s32 s28, $0x4FC0;
	v6 =	vld [tilespmem:s29+$0x0];
	_ =	sdelay $0x1  }
0x5e: {  	v7, _, _ =	vpop (xrf0)  }
0x5f: {  	(v2sf) =	vpush v7, $0xF;
	_ =	sdelay $0x1  }
0x60: {  	vm0 =	veq.f32 v6, v1  }
0x61: {  	v7 =	vsel vm0, $0x1, v0;
	v8 =	vmpcnt.ones.xlane vm0  }
0x62: {  	(xrf0) =	vadd.scan.msk.s32 $0xffff, v7  }
0x63: {  	v4 =	vadd.s32 v4, v8;
	_ =	sdelay $0x4  }
0x64: {  	v7, _, _ =	vpop (xrf0)  }
0x65: {  	v7 =	vadd.s32 v5, v7;
	v5 =	vmov v4  }
0x66: {  	vm1 =	vle.s32 v7, v3  }
0x67: {  	vm2 =	vgt.f32 v6, v1;
	vm0 =	vmand vm0, vm1  }
0x68: {  	vm0 =	vmor vm2, vm0  }
.Ltmp3:
0x69: {  	v7 =	vsel vm0, $0x1, v0;
	s29 =	spop (v2sf);
	(pc) =	sbr.rel @p2 .LBB2_3-.Ltmp3, $4  }
0x6a: {  	v2 =	vadd.s32 $0x10, v2;
	(xrf0) =	vadd.scan.msk.s32 $0xffff, v7;
	s26 =	sadd.s32 s26, s29  }
0x6b: {  	[tilespmem:s26+$0x1500] =	vst.msk vm0, v2  }
0x6c: {  	[tilespmem:s26+$0x1780] =	vst.msk vm0, v6  }
0x6d: {  	s29 =	sshra.s32 s28, $0x2;
	s28 =	sadd.s32 $0x40, s28  }
0x6e: {  	v4 =	vld [tilespmem:s29+$0x0];
	_ =	sdelay $0x4  }
0x6f: {  	vm0 =	veq.f32 v4, v1  }
0x70: {  	v6 =	vsel vm0, $0x1, v0  }
0x71: {  	(xrf0) =	vadd.scan.msk.s32 $0xffff, v6;
	_ =	sdelay $0x4  }
0x72: {  	v6, _, _ =	vpop (xrf0)  }
0x73: {  	v7, _, _ =	vpop (xrf0)  }
0x74: {  	v5 =	vadd.s32 v5, v7  }
0x75: {  	vm1 =	vle.s32 v5, v3  }
0x76: {  	vm2 =	vgt.f32 v4, v1;
	vm0 =	vmand vm0, vm1  }
0x77: {  	vm0 =	vmor vm2, vm0  }
0x78: {  	v1 =	vsel vm0, $0x1, v0  }
0x79: {  	(xrf0) =	vadd.scan.msk.s32 $0xffff, v1;
	_ =	sdelay $0x1  }
0x7a: {  	(v2sf) =	vpush v6, $0xF;
	_ =	sdelay $0x3  }
0x7b: {  	v1, _, _ =	vpop (xrf0)  }
0x7c: {  	(v2sf) =	vpush v1, $0xF;
	_ =	sdelay $0x9  }
0x7d: {  	s28 =	spop (v2sf)  }
0x7e: {  	s26 =	sadd.s32 s26, s28;
	v1 =	vadd.s32 $0x10, v2  }
0x7f: {  	[tilespmem:s26+$0x1500] =	vst.msk vm0, v1  }
0x80: {  	[tilespmem:s26+$0x1780] =	vst.msk vm0, v4  }
0x81: {  	[hbm4b:s6+s19] =	stream.strided.scatter [tilespmem:s24], [sflag:$0x1], $0x200, s20, s19, $0x38;
	[tilespmem:$0x1A00] =	vst v63  }
0x82: {  	s31 =	spop (v2sf)  }
0x83: {  	_ =	swait.ge [sflag:s21], $0x200  }
0x84: {  	[sflag:s21] =	ssyncset.done $0x0  }
0x85: {  	[sflag:s21] =	ssyncadd.s32 $0xFFFFFE00  }
0x86: {  	[hbm4b:s7+s19] =	stream.strided.scatter [tilespmem:s25], [sflag:$0x1], $0x200, s20, s19, $0x38;
	[tilespmem:$0x1A00] =	vst v63  }
0x87: {  	_ =	swait.ge [sflag:s21], $0x200  }
0x88: {  	[sflag:s21] =	ssyncset.done $0x0  }
0x89: {  	s26 =	simm.s32 $0x0;
	[sflag:s21] =	ssyncadd.s32 $0xFFFFFE00  }
0x8a: {  	[tilespmem:s26], [sflag:$0x1] =	stream.strided.gather [hbm4b:s8+s19], $0x1400, s20, s19, $0x38;
	[tilespmem:$0x1A00] =	vst v63  }
0x8b: {  	_ =	swait.ge [sflag:s21], $0x1400  }
0x8c: {  	[sflag:s21] =	ssyncset.done $0x0  }
0x8d: {  	[sflag:s21] =	ssyncadd.s32 $0xFFFFEC00  }
0x8e: {  	[tilespmem:s22], [sflag:$0x1] =	stream.linear.gather [hbm4b:s9+s26], $0x80, $0x38;
	[tilespmem:$0x1A00] =	vst v63  }
0x8f: {  	_ =	swait.ge [sflag:s21], $0x80  }
0x90: {  	[sflag:s21] =	ssyncset.done $0x0  }
0x91: {  	[sflag:s21] =	ssyncadd.s32 $0xFFFFFF80  }
0x92: {  	[tilespmem:s23], [sflag:$0x1] =	stream.linear.gather [hbm4b:s10+s26], $0x80, $0x38;
	[tilespmem:$0x1A00] =	vst v63  }
0x93: {  	_ =	swait.ge [sflag:s21], $0x80  }
0x94: {  	[sflag:s21] =	ssyncset.done $0x0  }
0x95: {  	[sflag:s21] =	ssyncadd.s32 $0xFFFFFF80  }
0x96: {  	s28 =	simm.s32 $0x0;
	v1 =	vld [tilespmem:$0x1400]  }
0x97: {  	v5 =	vld [tilespmem:s28+$0x0];
	_ =	sdelay $0x4  }
0x98: {  	vm13 =	veq.f32 v5, v1  }
0x99: {  	v2 =	vsel vm13, $0x1, v0  }
0x9a: {  	(xrf0) =	vadd.scan.msk.s32 $0xffff, v2;
	_ =	sdelay $0x2  }
0x9b: {  	v3 =	vld [tilespmem:$0x1480];
	_ =	sdelay $0x2  }
0x9c: {  	v4 =	vimm.s32 $0x0;
	v2, _, _ =	vpop (xrf0)  }
0x9d: {  	v2 =	vadd.s32 v4, v2  }
0x9e: {  	vm14 =	vle.s32 v2, v3  }
0x9f: {  	vm15 =	vgt.f32 v5, v1;
	v6 =	vmpcnt.ones.xlane vm13;
	vm0 =	vmand vm13, vm14  }
0xa0: {  	vm0 =	vmor vm15, vm0  }
0xa1: {  	v4 =	vadd.s32 v4, v6;
	v6 =	vsel vm0, $0x1, v0  }
0xa2: {  	(xrf0) =	vadd.scan.msk.s32 $0xffff, v6  }
0xa3: {  	v2 =	vlaneseq.u32  }
0xa4: {  	[tilespmem:s26+$0x1500] =	vst.msk vm0, v2  }
0xa5: {  	s29 =	simm.s32 $0x10;
	s28 =	simm.s32 $0x80;
	[tilespmem:s26+$0x1780] =	vst.msk vm0, v5;
	v5 =	vmov v4  }
.LBB2_5:
0xa6: {  	p2 =	sne.s32 s28, $0x4FC0;
	v6 =	vld [tilespmem:s29+$0x0];
	_ =	sdelay $0x1  }
0xa7: {  	v7, _, _ =	vpop (xrf0)  }
0xa8: {  	(v2sf) =	vpush v7, $0xF;
	_ =	sdelay $0x1  }
0xa9: {  	vm0 =	veq.f32 v6, v1  }
0xaa: {  	v7 =	vsel vm0, $0x1, v0;
	v8 =	vmpcnt.ones.xlane vm0  }
0xab: {  	(xrf0) =	vadd.scan.msk.s32 $0xffff, v7  }
0xac: {  	v4 =	vadd.s32 v4, v8;
	_ =	sdelay $0x4  }
0xad: {  	v7, _, _ =	vpop (xrf0)  }
0xae: {  	v7 =	vadd.s32 v5, v7;
	v5 =	vmov v4  }
0xaf: {  	vm1 =	vle.s32 v7, v3  }
0xb0: {  	vm2 =	vgt.f32 v6, v1;
	vm0 =	vmand vm0, vm1  }
0xb1: {  	vm0 =	vmor vm2, vm0  }
.Ltmp4:
0xb2: {  	v7 =	vsel vm0, $0x1, v0;
	s29 =	spop (v2sf);
	(pc) =	sbr.rel @p2 .LBB2_5-.Ltmp4, $4  }
0xb3: {  	v2 =	vadd.s32 $0x10, v2;
	(xrf0) =	vadd.scan.msk.s32 $0xffff, v7;
	s26 =	sadd.s32 s26, s29  }
0xb4: {  	[tilespmem:s26+$0x1500] =	vst.msk vm0, v2  }
0xb5: {  	[tilespmem:s26+$0x1780] =	vst.msk vm0, v6  }
0xb6: {  	s29 =	sshra.s32 s28, $0x2;
	s28 =	sadd.s32 $0x40, s28  }
0xb7: {  	v4 =	vld [tilespmem:s29+$0x0];
	_ =	sdelay $0x4  }
0xb8: {  	vm0 =	veq.f32 v4, v1  }
0xb9: {  	v6 =	vsel vm0, $0x1, v0  }
0xba: {  	(xrf0) =	vadd.scan.msk.s32 $0xffff, v6;
	_ =	sdelay $0x4  }
0xbb: {  	v63, _, _ =	vpop (xrf0)  }
0xbc: {  	v7, _, _ =	vpop (xrf0)  }
0xbd: {  	v5 =	vadd.s32 v5, v7  }
0xbe: {  	vm1 =	vle.s32 v5, v3  }
0xbf: {  	vm2 =	vgt.f32 v4, v1;
	vm0 =	vmand vm0, vm1  }
0xc0: {  	vm0 =	vmor vm2, vm0  }
0xc1: {  	v1 =	vsel vm0, $0x1, v0  }
0xc2: {  	(xrf0) =	vadd.scan.msk.s32 $0xffff, v1;
	_ =	sdelay $0x1  }
0xc3: {  	(v2sf) =	vpush v63, $0xF;
	_ =	sdelay $0x3  }
0xc4: {  	v1, _, _ =	vpop (xrf0)  }
0xc5: {  	(v2sf) =	vpush v1, $0xF;
	_ =	sdelay $0x9  }
0xc6: {  	s28 =	spop (v2sf)  }
0xc7: {  	s26 =	sadd.s32 s26, s28;
	v1 =	vadd.s32 $0x10, v2  }
0xc8: {  	[tilespmem:s26+$0x1500] =	vst.msk vm0, v1  }
0xc9: {  	[tilespmem:s26+$0x1780] =	vst.msk vm0, v4  }
0xca: {  	[hbm4b:s11+s19] =	stream.strided.scatter [tilespmem:s24], [sflag:$0x1], $0x200, s20, s19, $0x38;
	[tilespmem:$0x1A00] =	vst v63  }
0xcb: {  	s31 =	spop (v2sf)  }
0xcc: {  	_ =	swait.ge [sflag:s21], $0x200  }
0xcd: {  	[sflag:s21] =	ssyncset.done $0x0  }
0xce: {  	[sflag:s21] =	ssyncadd.s32 $0xFFFFFE00  }
0xcf: {  	[hbm4b:s12+s19] =	stream.strided.scatter [tilespmem:s25], [sflag:$0x1], $0x200, s20, s19, $0x38;
	[tilespmem:$0x1A00] =	vst v63  }
0xd0: {  	_ =	swait.ge [sflag:s21], $0x200  }
0xd1: {  	[sflag:s21] =	ssyncset.done $0x0  }
0xd2: {  	[sflag:s21] =	ssyncadd.s32 $0xFFFFFE00  }
.LBB2_7:
.Ltmp5:
0xd3: {  	(pc) =	sbr.rel @p1 .LBB2_11-.Ltmp5, $1  }
0xd4: {  	_ =	sdelay $0x3  }
0xd5: {  	s26 =	simm.s32 $0x0  }
0xd6: {  	[tilespmem:s26], [sflag:$0x1] =	stream.strided.gather [hbm4b:s13+s19], $0x1400, s20, s19, $0x38;
	[tilespmem:$0x1A00] =	vst v63  }
0xd7: {  	_ =	swait.ge [sflag:s21], $0x1400  }
0xd8: {  	[sflag:s21] =	ssyncset.done $0x0  }
0xd9: {  	[sflag:s21] =	ssyncadd.s32 $0xFFFFEC00  }
0xda: {  	[tilespmem:s22], [sflag:$0x1] =	stream.linear.gather [hbm4b:s14+s26], $0x80, $0x38;
	[tilespmem:$0x1A00] =	vst v63  }
0xdb: {  	_ =	swait.ge [sflag:s21], $0x80  }
0xdc: {  	[sflag:s21] =	ssyncset.done $0x0  }
0xdd: {  	[sflag:s21] =	ssyncadd.s32 $0xFFFFFF80  }
0xde: {  	[tilespmem:s23], [sflag:$0x1] =	stream.linear.gather [hbm4b:s15+s26], $0x80, $0x38;
	[tilespmem:$0x1A00] =	vst v63  }
0xdf: {  	_ =	swait.ge [sflag:s21], $0x80  }
0xe0: {  	[sflag:s21] =	ssyncset.done $0x0  }
0xe1: {  	[sflag:s21] =	ssyncadd.s32 $0xFFFFFF80  }
0xe2: {  	s28 =	simm.s32 $0x0;
	v1 =	vld [tilespmem:$0x1400]  }
0xe3: {  	v5 =	vld [tilespmem:s28+$0x0];
	_ =	sdelay $0x4  }
0xe4: {  	vm0 =	veq.f32 v5, v1  }
0xe5: {  	v2 =	vsel vm0, $0x1, v0  }
0xe6: {  	(xrf0) =	vadd.scan.msk.s32 $0xffff, v2;
	_ =	sdelay $0x2  }
0xe7: {  	v3 =	vld [tilespmem:$0x1480];
	_ =	sdelay $0x2  }
0xe8: {  	v4 =	vimm.s32 $0x0;
	v2, _, _ =	vpop (xrf0)  }
0xe9: {  	v2 =	vadd.s32 v4, v2  }
0xea: {  	vm1 =	vle.s32 v2, v3  }
0xeb: {  	vm2 =	vgt.f32 v5, v1;
	v6 =	vmpcnt.ones.xlane vm0;
	vm0 =	vmand vm0, vm1  }
0xec: {  	vm0 =	vmor vm2, vm0  }
0xed: {  	v4 =	vadd.s32 v4, v6;
	v6 =	vsel vm0, $0x1, v0  }
0xee: {  	(xrf0) =	vadd.scan.msk.s32 $0xffff, v6  }
0xef: {  	v2 =	vlaneseq.u32  }
0xf0: {  	[tilespmem:s26+$0x1500] =	vst.msk vm0, v2  }
0xf1: {  	s29 =	simm.s32 $0x10;
	s28 =	simm.s32 $0x80;
	[tilespmem:s26+$0x1780] =	vst.msk vm0, v5;
	v5 =	vmov v4  }
.LBB2_9:
0xf2: {  	p2 =	sne.s32 s28, $0x4FC0;
	v6 =	vld [tilespmem:s29+$0x0];
	_ =	sdelay $0x1  }
0xf3: {  	v7, _, _ =	vpop (xrf0)  }
0xf4: {  	(v2sf) =	vpush v7, $0xF;
	_ =	sdelay $0x1  }
0xf5: {  	vm0 =	veq.f32 v6, v1  }
0xf6: {  	v7 =	vsel vm0, $0x1, v0;
	v8 =	vmpcnt.ones.xlane vm0  }
0xf7: {  	(xrf0) =	vadd.scan.msk.s32 $0xffff, v7  }
0xf8: {  	v4 =	vadd.s32 v4, v8;
	_ =	sdelay $0x4  }
0xf9: {  	v7, _, _ =	vpop (xrf0)  }
0xfa: {  	v7 =	vadd.s32 v5, v7;
	v5 =	vmov v4  }
0xfb: {  	vm1 =	vle.s32 v7, v3  }
0xfc: {  	vm2 =	vgt.f32 v6, v1;
	vm0 =	vmand vm0, vm1  }
0xfd: {  	vm0 =	vmor vm2, vm0  }
.Ltmp6:
0xfe: {  	v7 =	vsel vm0, $0x1, v0;
	s29 =	spop (v2sf);
	(pc) =	sbr.rel @p2 .LBB2_9-.Ltmp6, $4  }
0xff: {  	v2 =	vadd.s32 $0x10, v2;
	(xrf0) =	vadd.scan.msk.s32 $0xffff, v7;
	s26 =	sadd.s32 s26, s29  }
0x100: {  	[tilespmem:s26+$0x1500] =	vst.msk vm0, v2  }
0x101: {  	[tilespmem:s26+$0x1780] =	vst.msk vm0, v6  }
0x102: {  	s29 =	sshra.s32 s28, $0x2;
	s28 =	sadd.s32 $0x40, s28  }
.Ltmp7:
0x103: {  	_ = 	snop;
	(pc) =	sbr.rel .LBB2_10-.Ltmp7, $1  }
0x104: {  	_ =	sdelay $0x3  }
.LBB2_12:
0x105: {  	_ =	sfence.sel $0x180000  }
0x106: {  	[bflag:$0x0] =	sbarrier.arrive $0xFFFF  }
0x107: {  	p0 =	sne.s32 s0, $0x0;
	_ =	strace $0x90000047  }
0x108: {  	s0 =	sadd.s32 @!p0 $0x100000, s1;
	[bflag:$0x2] =	sbarrier.arrive $0xFFFF  }
0x109: {  	[sflag:s0] =	ssyncadd.tile.s32 @!p0 $0x1;
	_ =	shalt  }
.Lfunc_end2:
_tile_overlayer_lowered:
.L_overlay_start_2:
0x10a: {  	(tag) =	ssettag $0x2  }
0x10b: {  	s0 =	rddreg [dreg:$0x0];
	s2 =	stileid.u32  }
0x10c: {  	s1 =	rddreg [dreg:$0x1];
	p0 =	sne.s32 s2, $0x0  }
0x10d: {  	s3 =	rddreg [dreg:$0x2];
	[bflag:$0x3] =	sbarrier.arrive $0xFFFF;
	s2 =	simm.s32 @!p0 $0x1C01  }
0x10e: {  	[timem:s3], [sflag:s2] =	dma.local @!p0 [hbm:s0], s1  }
0x10f: {  	s0 =	simm.s32 @!p0 $0x1  }
0x110: {  	_ =	swait.ge @!p0 [sflag:s0], s1  }
0x111: {  	s1 =	ssub.s32 @!p0 $0x0, s1;
	[sflag:s0] =	ssyncset.done @!p0 $0x0  }
0x112: {  	[sflag:s0] =	ssyncadd.s32 @!p0 s1  }
0x113: {  	[bflag:$0x3] =	sbarrier.arrive $0xFFFF  }
0x114: {  	_ =	shalt  }

// kernel: _run.8.cloned.1.call-start
scs
__scs_entry_jumppad:
0x0: {  	(pc) =	sbr.rel $0x88, $3  }
0x1: {  	(tag) =	ssettag $0x0;
	lr =	simm.s32 $0x1  }
0x2: {  	[smem:$0x3F9D] =	sst lr;
	_ =	strace $0xD0000000  }
0x3: {  	_ = 	snop  }
0x4: {  	_ = 	snop  }
0x5: {  	_ = 	snop  }
0x6: {  	_ = 	snop  }
0x7: {  	_ = 	snop  }
__scs_overlays_trampoline_lowered:
0x8: {  	[smem:$0x3FAC] =	sst s0  }
0x9: {  	[smem:$0x3FAD] =	sst s1  }
0xa: {  	[smem:$0x3FAE] =	sst s2  }
0xb: {  	[smem:$0x3FAF] =	sst s3  }
0xc: {  	[smem:$0x3FB0] =	sst s4  }
0xd: {  	[smem:$0x3FB1] =	sst s5  }
0xe: {  	[smem:$0x3FB2] =	sst s6  }
0xf: {  	[smem:$0x3FB3] =	sst s7  }
0x10: {  	[smem:$0x3FB4] =	sst s8  }
0x11: {  	[smem:$0x3FB5] =	sst s9;
	s0 =	simm.s32 @!p0 $0x0  }
0x12: {  	s1 =	sld [smem:$0x3F9B];
	s0 =	simm.s32 @p0 $0x1  }
0x13: {  	[smem:$0x3FB6] =	sst s0;
	s0 =	simm.s32 @!p1 $0x0  }
0x14: {  	s2 =	sld [smem:$0x3F9A];
	s0 =	simm.s32 @p1 $0x1  }
0x15: {  	[smem:$0x3FB7] =	sst s0;
	s0 =	simm.s32 @!p2 $0x0  }
0x16: {  	s3 =	sld [smem:$0x3FDB];
	s0 =	simm.s32 @p2 $0x1  }
0x17: {  	s4 =	simm.s32 $0x1BF5;
	[smem:$0x3FB9] =	sst s0  }
0x18: {  	s0 =	sld [smem:$0x3F9C];
	_ =	swait.ge [sflag:s4], $0x0  }
0x19: {  	s7 =	sld [smem:$0x3F9D]  }
0x1a: {  	s8 =	sadd.s32 $0xFFFFE003, lr  }
0x1b: {  	s9 =	sadd.s32 $0xFFFFFEF7, lr;
	s5 =	simm.s32 $0xFFFFFFFF;
	p2 =	slt.u32 s8, $0xFFFFF086  }
0x1c: {  	p1 =	slt.u32 s9, $0xF7A;
	s5 =	simm.s32 @!p2 $0x0  }
0x1d: {  	s5 =	simm.s32 @p1 $0x1;
	p0 =	seq.s32 s7, s2  }
0x1e: {  	s7 =	smul.u32 @!p0 $0xF7A, s2;
	p2 =	seq.s32 @!p0 s5, $0x0  }
0x1f: {  	s9 =	smul.u32 $0xF7A, s1;
	s8 =	simm.s32 @!p0 $0x1BF5;
	p2 =	por !p2, p0  }
0x20: {  	[sflag:s8] =	ssyncset.s32 @!p0 $0xFFFFF086;
	s6 =	sadd.s32 @!p0 s3, s7;
	s7 =	simm.s32 @!p0 $0x108  }
0x21: {  	s3 =	sadd.s32 s3, s9;
	s6 =	sadd.s32 @!p0 $0x88, s6;
	s7 =	simm.s32 @p2 $0x1082  }
0x22: {  	[simem:s7], [sflag:s8] =	dma.local @!p0 [hbm:s6], $0xF7A  }
0x23: {  	s9 =	sor.u32 $0xD0000000, s2;
	s6 =	simm.s32 $0x108;
	_ =	swait.ge @!p0 [sflag:s8], $0x0  }
0x24: {  	s3 =	sadd.s32 $0x88, s3;
	s6 =	simm.s32 @!p1 $0x1082;
	[sflag:s4] =	ssyncset.s32 $0xFFFFF086  }
0x25: {  	[simem:s6], [sflag:s4] =	dma.local [hbm:s3], $0xF7A  }
0x26: {  	[smem:$0x3F9D] =	sst s1;
	(tag) =	ssettag s2;
	_ =	strace s9  }
0x27: {  	s1 =	sld [smem:$0x3FAD]  }
0x28: {  	s2 =	sld [smem:$0x3FAE]  }
0x29: {  	s4 =	sld [smem:$0x3FB0]  }
0x2a: {  	p0 =	seq.s32 s5, $0x0;
	s5 =	sld [smem:$0x3FB1]  }
0x2b: {  	s6 =	sld [smem:$0x3FB2]  }
0x2c: {  	s7 =	sld [smem:$0x3FB3]  }
0x2d: {  	s3 =	simm.s32 $0x108;
	s8 =	sld [smem:$0x3FB4]  }
0x2e: {  	s3 =	simm.s32 @!p0 $0x1082;
	s9 =	sld [smem:$0x3FB5]  }
0x2f: {  	lr =	sadd.s32 s0, s3;
	s0 =	sld [smem:$0x3FAC]  }
0x30: {  	s3 =	sld [smem:$0x3FAF]  }
0x31: {  	[smem:$0x3FB8] =	sst s10  }
0x32: {  	s10 =	sld [smem:$0x3FB6];
	_ =	sdelay $0x3  }
0x33: {  	p0 =	seq.s32 s10, $0x1;
	s10 =	sld [smem:$0x3FB8];
	_ =	sdelay $0x3  }
0x34: {  	[smem:$0x3FB8] =	sst s10  }
0x35: {  	s10 =	sld [smem:$0x3FB7];
	_ =	sdelay $0x3  }
0x36: {  	p1 =	seq.s32 s10, $0x1;
	s10 =	sld [smem:$0x3FB8];
	_ =	sdelay $0x3  }
0x37: {  	[smem:$0x3FB8] =	sst s10  }
0x38: {  	s10 =	sld [smem:$0x3FB9]  }
0x39: {  	_ = 	snop;
	(pc) =	sbr.ind lr, $3  }
0x3a: {  	_ = 	snop  }
0x3b: {  	_ = 	snop  }
0x3c: {  	p2 =	seq.s32 s10, $0x1;
	s10 =	sld [smem:$0x3FB8]  }
0x3d: {  	_ =	shalt  }
0x3e: {  	_ =	shalt  }
0x3f: {  	_ =	shalt  }
0x40: {  	_ =	shalt  }
0x41: {  	_ =	shalt  }
0x42: {  	_ =	shalt  }
0x43: {  	_ =	shalt  }
0x44: {  	_ =	shalt  }
0x45: {  	_ =	shalt  }
0x46: {  	_ =	shalt  }
0x47: {  	_ =	shalt  }
0x48: {  	_ =	shalt  }
0x49: {  	_ =	shalt  }
0x4a: {  	_ =	shalt  }
0x4b: {  	_ =	shalt  }
0x4c: {  	_ =	shalt  }
0x4d: {  	_ =	shalt  }
0x4e: {  	_ =	shalt  }
0x4f: {  	_ =	shalt  }
0x50: {  	_ =	shalt  }
0x51: {  	_ =	shalt  }
0x52: {  	_ =	shalt  }
0x53: {  	_ =	shalt  }
0x54: {  	_ =	shalt  }
0x55: {  	_ =	shalt  }
0x56: {  	_ =	shalt  }
0x57: {  	_ =	shalt  }
0x58: {  	_ =	shalt  }
0x59: {  	_ =	shalt  }
0x5a: {  	_ =	shalt  }
0x5b: {  	_ =	shalt  }
0x5c: {  	_ =	shalt  }
0x5d: {  	_ =	shalt  }
0x5e: {  	_ =	shalt  }
0x5f: {  	_ =	shalt  }
0x60: {  	_ =	shalt  }
0x61: {  	_ =	shalt  }
0x62: {  	_ =	shalt  }
0x63: {  	_ =	shalt  }
0x64: {  	_ =	shalt  }
0x65: {  	_ =	shalt  }
0x66: {  	_ =	shalt  }
0x67: {  	_ =	shalt  }
0x68: {  	_ =	shalt  }
0x69: {  	_ =	shalt  }
0x6a: {  	_ =	shalt  }
0x6b: {  	_ =	shalt  }
0x6c: {  	_ =	shalt  }
0x6d: {  	_ =	shalt  }
0x6e: {  	_ =	shalt  }
0x6f: {  	_ =	shalt  }
0x70: {  	_ =	shalt  }
0x71: {  	_ =	shalt  }
0x72: {  	_ =	shalt  }
0x73: {  	_ =	shalt  }
0x74: {  	_ =	shalt  }
0x75: {  	_ =	shalt  }
0x76: {  	_ =	shalt  }
0x77: {  	_ =	shalt  }
0x78: {  	_ =	shalt  }
0x79: {  	_ =	shalt  }
0x7a: {  	_ =	shalt  }
0x7b: {  	_ =	shalt  }
0x7c: {  	_ =	shalt  }
0x7d: {  	_ =	shalt  }
0x7e: {  	_ =	shalt  }
0x7f: {  	_ =	shalt  }
0x80: {  	_ =	shalt  }
0x81: {  	_ =	shalt  }
0x82: {  	_ =	shalt  }
0x83: {  	_ =	shalt  }
0x84: {  	_ =	shalt  }
0x85: {  	_ =	shalt  }
0x86: {  	_ =	shalt  }
0x87: {  	_ =	shalt  }
.Lfunc_end0:
.L_simem_size_0:
called_computation.2_lowered:
.L_overlay_start_0:
0x88: {  	s2 =	sld [smem:$0x3FD9]  }
0x89: {  	s3 =	sld [smem:$0x3FFE];
	_ =	sdelay $0x1  }
0x8a: {  	s1 =	srdreg.scid  }
0x8b: {  	s0 =	sand.u32 $0x1, s1  }
0x8c: {  	s17 =	sshll.u32 s0, $0xA;
	s2 =	sadd.s32 s3, s2  }
0x8d: {  	s2 =	sadd.s32 s2, s17  }
0x8e: {  	[smem:$0x3FC4] =	sst s2  }
0x8f: {  	_ = 	snop  }
0x90: {  	(tm) =	ssettm $0x1  }
0x91: {  	s18 =	sld [smem:$0x3FFB];
	_ =	sdelay $0x3  }
0x92: {  	_ =	strace s18  }
0x93: {  	s2 =	sld [smem:$0x3FFC];
	_ =	sdelay $0x3  }
0x94: {  	_ =	strace s2  }
0x95: {  	s2 =	sld [smem:$0x3FFD];
	_ =	sdelay $0x3  }
0x96: {  	_ =	strace s2  }
0x97: {  	_ =	strace $0x8FFFFFFF  }
0x98: {  	s19 =	sld [smem:$0x3FDB];
	_ =	sdelay $0x1  }
0x99: {  	s20 =	simm.s32 $_scs_section_size  }
0x9a: {  	s4 =	simm.s32 $_size__tile_overlayer_lowered;
	s5 =	simm.s32 $_tile_overlayer_lowered  }
0x9b: {  	s6 =	simm.s32 $0x1BFF;
	s21 =	sshll.u32 s5, $0x1;
	s3 =	sadd.s32 s20, s19  }
0x9c: {  	s22 =	simm.s32 $0x0;
	s4 =	sshll.u32 s4, $0x1;
	s5 =	sadd.s32 s21, s3  }
0x9d: {  	[timem:s22], [sflag:s6] =	dma.local [hbm:s5], s4  }
0x9e: {  	_ =	swait.ge [sflag:s6], s4  }
0x9f: {  	s4 =	ssub.s32 $0x0, s4;
	[sflag:s6] =	ssyncset.done $0x0  }
0xa0: {  	[sflag:s6] =	ssyncadd.s32 s4;
	_ =	sdelay $0x1  }
0xa1: {  	s23 =	simm.s32 $0x1B8B  }
0xa2: {  	_ =	swait.ge [sflag:s23], $0x1  }
0xa3: {  	[sflag:s23] =	ssyncset.done $0x0  }
0xa4: {  	[sflag:s23] =	ssyncadd.s32 $0xFFFFFFFF  }
0xa5: {  	s4 =	sld [smem:$0x0]  }
0xa6: {  	s5 =	sand.u32 $0xFFFFFFFE, s1  }
0xa7: {  	p0 =	sne.s32 s1, s5  }
0xa8: {  	s5 =	sshll.u32 @p0 s5, $0xE  }
0xa9: {  	s5 =	sadd.s32 @p0 $0x11B8D, s5;
	s6 =	sshll.u32 @p0 s4, $0x11  }
0xaa: {  	s5 =	sor.u32 @p0 s6, s5  }
0xab: {  	[sflag:s5] =	ssyncadd.remote.s32 @p0 $0x1;
	_ =	sdelay $0x1  }
0xac: {  	s5 =	simm.s32 @p0 $0x1B8D  }
0xad: {  	_ =	swait.eq @p0 [sflag:s5], $0x1  }
0xae: {  	[sflag:s5] =	ssyncadd.s32 @p0 $0xFFFFFFFF  }
0xaf: {  	s6 =	sshll.u32 @!p0 s1, $0xE  }
0xb0: {  	s6 =	sor.u32 @!p0 $0x4000, s6;
	s5 =	simm.s32 @!p0 $0x1B8D  }
0xb1: {  	s4 =	sshll.u32 @!p0 s4, $0x11;
	s6 =	sadd.s32 @!p0 $0x11B8D, s6;
	_ =	swait.eq @!p0 [sflag:s5], $0x1  }
0xb2: {  	s4 =	sor.u32 @!p0 s4, s6;
	[sflag:s5] =	ssyncadd.s32 @!p0 $0xFFFFFFFF  }
0xb3: {  	s25 =	simm.s32 $0x1B8E;
	s24 =	sld [smem:$0x3FFE];
	[sflag:s4] =	ssyncadd.remote.s32 @!p0 $0x1  }
0xb4: {  	s26 =	simm.s32 $execute0_lowered;
	[smem:$0x3FD2] =	sst s25  }
0xb5: {  	s5 =	sshll.u32 s26, $0x1;
	_ =	strace $0x80000049;
	[dreg:$0x1] =	wrdreg $0xFFFFFFFF  }
0xb6: {  	s28 =	simm.s32 $_size_execute0_lowered;
	s3 =	sadd.s32 s3, s5;
	[dreg:$0x0] =	wrdreg $0x0  }
0xb7: {  	s5 =	sshll.u32 s28, $0x1;
	[dreg:$0x2] =	wrdreg s3  }
0xb8: {  	[dreg:$0x3] =	wrdreg s5  }
0xb9: {  	[dreg:$0x4] =	wrdreg $0xC0  }
0xba: {  	_ =	task [dreg:s22], $0x5FFFF  }
0xbb: {  	[dreg:$0x1] =	wrdreg $0xFFFFFFFF  }
0xbc: {  	[dreg:$0x0] =	wrdreg $0x60  }
0xbd: {  	[dreg:$0x2] =	wrdreg s24  }
0xbe: {  	[dreg:$0x3] =	wrdreg $0x9  }
0xbf: {  	_ =	task.clear_ibuf [dreg:s22], $0x4FFFF;
	_ =	strace $0x90000049  }
0xc0: {  	s29 =	simm.s32 $0x9;
	_ =	strace $0x8000004B  }
0xc1: {  	_ =	swait.ge [sflag:s29], $0x1  }
0xc2: {  	[sflag:s29] =	ssyncadd.s32 $0xFFFFFFFF  }
0xc3: {  	_ =	strace $0x9000004B  }
0xc4: {  	_ =	sfence  }
0xc5: {  	s30 =	sld [smem:$0x0];
	_ =	sdelay $0x2  }
0xc6: {  	s31 =	sshll.u32 s1, $0xD;
	s1 =	sshrl.u32 s1, $0x2  }
0xc7: {  	s4 =	sand.u32 $0x4000, s31;
	s1 =	sadd.s32 s1, s30  }
0xc8: {  	s0 =	sor.u32 s4, s0;
	s1 =	sshll.u32 s1, $0x11  }
0xc9: {  	s0 =	sor.u32 s1, s0  }
0xca: {  	s0 =	sadd.s32 $0x8F2B, s0  }
0xcb: {  	[sflag:s0] =	ssyncadd.remote.s32 $0x1  }
0xcc: {  	_ =	sfence.sel $0xFFFF  }
0xcd: {  	[dreg:$0x0] =	wrdreg $0xFFFFFFFF;
	(pc) =	sbr.abs _section_cstart, $3  }
0xce: {  	[dreg:$0x1] =	wrdreg $0xFFFFFFFF  }
0xcf: {  	_ =	task.clear_ibuf [dreg:s22], $0x2FFFF;
	_ =	strace $0x9FFFFFFF  }
0xd0: {  	(tm) =	ssettm $0x7FFFFFFF  }
0xd1: {  	_ =	shalt  }
tec
execute0_lowered:
.L_overlay_start_1:
0x0: {  	(tag) =	ssettag $0x1  }
0x1: {  	s1 =	srdreg.scid  }
0x2: {  	s0 =	stileid.u32;
	s3 =	rddreg [dreg:$0x0]  }
0x3: {  	s2 =	simm.s32 $0x0;
	s4 =	sand.u32 $0x1, s1;
	s1 =	rddreg [dreg:$0x1]  }
0x4: {  	s5 =	sshll.u32 s0, $0x1;
	[smem:$0x7FF] =	sst s2  }
0x5: {  	s13 =	sadd.s32 $0xCE00, s3;
	s14 =	sadd.s32 $0x1CA00, s3;
	s15 =	sadd.s32 $0x1D000, s3  }
0x6: {  	s16 =	sadd.s32 $0x1D600, s3;
	s17 =	sadd.s32 $0x1EA00, s3;
	s19 =	sor.u32 s4, s5  }
0x7: {  	p1 =	sgt.u32 s0, $0xC;
	s4 =	ssub.s32 $0x2, s4;
	s9 =	smul.u32 $0x3, s19  }
0x8: {  	_ =	strace $0x8000004A;
	s6 =	smul.u32 $0x180, s19;
	s23 =	sshrl.u32 s4, $0x1  }
0x9: {  	p0 =	sgt.u32 s19, $0x1A;
	s19 =	simm.s32 $0x80;
	s18 =	ssub.s32 s4, s23  }
0xa: {  	s22 =	sshrl.u32 s9, $0x3;
	s6 =	sand.u32 $0x380, s6;
	s26 =	sadd.s32 $0x1, s9  }
0xb: {  	s20 =	sadd.s32 $0x2, s9;
	s18 =	smax.u32 s18, $0x1;
	s7 =	smul.u32 $0xA000, s22  }
0xc: {  	s25 =	sshll.u32 s22, $0xA;
	s10 =	sshrl.u32 s26, $0x3;
	s5 =	sshll.u32 s22, $0xC  }
0xd: {  	s21 =	sshrl.u32 s20, $0x3;
	s20 =	sshll.u32 s20, $0x7;
	s4 =	sor.u32 s6, s25  }
0xe: {  	s11 =	smul.u32 $0xA000, s10;
	s30 =	sshll.u32 s10, $0xA;
	s10 =	sshll.u32 s10, $0xC  }
0xf: {  	s22 =	smul.u32 $0xA000, s21;
	s20 =	sand.u32 $0x380, s20;
	s23 =	sshll.u32 s21, $0xA  }
0x10: {  	s21 =	sshll.u32 s21, $0xC;
	s25 =	simm.s32 $0x1780;
	s24 =	sor.u32 s6, s7  }
0x11: {  	s8 =	sshrl.u32 s4, $0x3;
	s7 =	sshll.u32 s26, $0x7;
	s6 =	sor.u32 s6, s5  }
0x12: {  	s23 =	sor.u32 s20, s23;
	s3 =	sshrl.u32 s24, $0x3;
	s4 =	sadd.s32 s14, s8  }
0x13: {  	s12 =	sand.u32 $0x380, s7;
	s5 =	sadd.s32 s15, s8;
	s28 =	sshrl.u32 s6, $0x3  }
0x14: {  	s22 =	sor.u32 s20, s22;
	s31 =	sshrl.u32 s23, $0x3;
	s20 =	sor.u32 s20, s21  }
0x15: {  	s21 =	simm.s32 $0x1;
	s23 =	simm.s32 $0x1480;
	s24 =	simm.s32 $0x1500  }
0x16: {  	s3 =	sadd.s32 s13, s3;
	s29 =	sor.u32 s12, s11;
	s6 =	sadd.s32 s16, s28  }
0x17: {  	s7 =	sadd.s32 s17, s28;
	s11 =	sor.u32 s12, s30;
	s10 =	sor.u32 s12, s10  }
0x18: {  	s22 =	sshrl.u32 s22, $0x3;
	s20 =	sshrl.u32 s20, $0x3;
	s8 =	sshrl.u32 s29, $0x3  }
.Ltmp0:
0x19: {  	s11 =	sshrl.u32 s11, $0x3;
	s12 =	sshrl.u32 s10, $0x3;
	(pc) =	sbr.rel .LBB2_1-.Ltmp0, $4  }
0x1a: {  	s8 =	sadd.s32 s13, s8;
	s9 =	sadd.s32 s14, s11;
	s10 =	sadd.s32 s15, s11  }
0x1b: {  	s11 =	sadd.s32 s16, s12;
	s12 =	sadd.s32 s17, s12;
	s13 =	sadd.s32 s13, s22  }
0x1c: {  	s14 =	sadd.s32 s14, s31;
	s15 =	sadd.s32 s15, s31;
	s16 =	sadd.s32 s16, s20  }
0x1d: {  	v0 =	vimm.s32 $0x0;
	s17 =	sadd.s32 s17, s20;
	s20 =	simm.s32 $0x400;
	s22 =	simm.s32 $0x1400  }
.LBB2_10:
0x1e: {  	v4 =	vld [tilespmem:s29+$0x0];
	_ =	sdelay $0x4  }
0x1f: {  	vm0 =	veq.f32 v4, v1  }
0x20: {  	v6 =	vsel vm0, $0x1, v0  }
0x21: {  	(xrf0) =	vadd.scan.msk.s32 $0xffff, v6;
	_ =	sdelay $0x4  }
0x22: {  	v63, _, _ =	vpop (xrf0)  }
0x23: {  	v7, _, _ =	vpop (xrf0)  }
0x24: {  	v5 =	vadd.s32 v5, v7  }
0x25: {  	vm1 =	vle.s32 v5, v3  }
0x26: {  	vm2 =	vgt.f32 v4, v1;
	vm0 =	vmand vm0, vm1  }
0x27: {  	vm0 =	vmor vm2, vm0  }
0x28: {  	v1 =	vsel vm0, $0x1, v0  }
0x29: {  	(xrf0) =	vadd.scan.msk.s32 $0xffff, v1;
	_ =	sdelay $0x1  }
0x2a: {  	(v2sf) =	vpush v63, $0xF;
	_ =	sdelay $0x3  }
0x2b: {  	v1, _, _ =	vpop (xrf0)  }
0x2c: {  	(v2sf) =	vpush v1, $0xF;
	_ =	sdelay $0x9  }
0x2d: {  	s28 =	spop (v2sf)  }
0x2e: {  	s26 =	sadd.s32 s26, s28;
	v1 =	vadd.s32 $0x10, v2  }
0x2f: {  	[tilespmem:s26+$0x1500] =	vst.msk vm0, v1  }
0x30: {  	[tilespmem:s26+$0x1780] =	vst.msk vm0, v4  }
0x31: {  	[hbm4b:s16+s19] =	stream.strided.scatter [tilespmem:s24], [sflag:$0x1], $0x200, s20, s19, $0x38;
	[tilespmem:$0x1A00] =	vst v63  }
0x32: {  	s31 =	spop (v2sf)  }
0x33: {  	_ =	swait.ge [sflag:s21], $0x200  }
0x34: {  	[sflag:s21] =	ssyncset.done $0x0  }
0x35: {  	[sflag:s21] =	ssyncadd.s32 $0xFFFFFE00  }
0x36: {  	[hbm4b:s17+s19] =	stream.strided.scatter [tilespmem:s25], [sflag:$0x1], $0x200, s20, s19, $0x38;
	[tilespmem:$0x1A00] =	vst v63  }
0x37: {  	_ =	swait.ge [sflag:s21], $0x200  }
0x38: {  	[sflag:s21] =	ssyncset.done $0x0  }
0x39: {  	[sflag:s21] =	ssyncadd.s32 $0xFFFFFE00  }
.LBB2_11:
0x3a: {  	s2 =	sadd.s32 $0x1, s2  }
0x3b: {  	p2 =	sne.s32 s2, s18  }
.Ltmp1:
0x3c: {  	_ = 	snop;
	(pc) =	sbr.rel @!p2 .LBB2_12-.Ltmp1, $1  }
0x3d: {  	_ =	sdelay $0x3  }
.LBB2_1:
.Ltmp2:
0x3e: {  	(pc) =	sbr.rel @p0 .LBB2_7-.Ltmp2, $1  }
0x3f: {  	_ =	sdelay $0x3  }
0x40: {  	s26 =	simm.s32 $0x0  }
0x41: {  	[tilespmem:s26], [sflag:$0x1] =	stream.strided.gather [hbm4b:s3+s19], $0x1400, s20, s19, $0x38;
	[tilespmem:$0x1A00] =	vst v63  }
0x42: {  	_ =	swait.ge [sflag:s21], $0x1400  }
0x43: {  	[sflag:s21] =	ssyncset.done $0x0  }
0x44: {  	[sflag:s21] =	ssyncadd.s32 $0xFFFFEC00  }
0x45: {  	[tilespmem:s22], [sflag:$0x1] =	stream.linear.gather [hbm4b:s4+s26], $0x80, $0x38;
	[tilespmem:$0x1A00] =	vst v63  }
0x46: {  	_ =	swait.ge [sflag:s21], $0x80  }
0x47: {  	[sflag:s21] =	ssyncset.done $0x0  }
0x48: {  	[sflag:s21] =	ssyncadd.s32 $0xFFFFFF80  }
0x49: {  	[tilespmem:s23], [sflag:$0x1] =	stream.linear.gather [hbm4b:s5+s26], $0x80, $0x38;
	[tilespmem:$0x1A00] =	vst v63  }
0x4a: {  	_ =	swait.ge [sflag:s21], $0x80  }
0x4b: {  	[sflag:s21] =	ssyncset.done $0x0  }
0x4c: {  	[sflag:s21] =	ssyncadd.s32 $0xFFFFFF80  }
0x4d: {  	s28 =	simm.s32 $0x0;
	v1 =	vld [tilespmem:$0x1400]  }
0x4e: {  	v5 =	vld [tilespmem:s28+$0x0];
	_ =	sdelay $0x4  }
0x4f: {  	vm0 =	veq.f32 v5, v1  }
0x50: {  	v2 =	vsel vm0, $0x1, v0  }
0x51: {  	(xrf0) =	vadd.scan.msk.s32 $0xffff, v2;
	_ =	sdelay $0x2  }
0x52: {  	v3 =	vld [tilespmem:$0x1480];
	_ =	sdelay $0x2  }
0x53: {  	v4 =	vimm.s32 $0x0;
	v2, _, _ =	vpop (xrf0)  }
0x54: {  	v2 =	vadd.s32 v4, v2  }
0x55: {  	vm1 =	vle.s32 v2, v3  }
0x56: {  	vm2 =	vgt.f32 v5, v1;
	v6 =	vmpcnt.ones.xlane vm0;
	vm0 =	vmand vm0, vm1  }
0x57: {  	vm0 =	vmor vm2, vm0  }
0x58: {  	v4 =	vadd.s32 v4, v6;
	v6 =	vsel vm0, $0x1, v0  }
0x59: {  	(xrf0) =	vadd.scan.msk.s32 $0xffff, v6  }
0x5a: {  	v2 =	vlaneseq.u32  }
0x5b: {  	[tilespmem:s26+$0x1500] =	vst.msk vm0, v2  }
0x5c: {  	s29 =	simm.s32 $0x10;
	s28 =	simm.s32 $0x80;
	[tilespmem:s26+$0x1780] =	vst.msk vm0, v5;
	v5 =	vmov v4  }
.LBB2_3:
0x5d: {  	p2 =	sne.s32 s28, $0x4FC0;
	v6 =	vld [tilespmem:s29+$0x0];
	_ =	sdelay $0x1  }
0x5e: {  	v7, _, _ =	vpop (xrf0)  }
0x5f: {  	(v2sf) =	vpush v7, $0xF;
	_ =	sdelay $0x1  }
0x60: {  	vm0 =	veq.f32 v6, v1  }
0x61: {  	v7 =	vsel vm0, $0x1, v0;
	v8 =	vmpcnt.ones.xlane vm0  }
0x62: {  	(xrf0) =	vadd.scan.msk.s32 $0xffff, v7  }
0x63: {  	v4 =	vadd.s32 v4, v8;
	_ =	sdelay $0x4  }
0x64: {  	v7, _, _ =	vpop (xrf0)  }
0x65: {  	v7 =	vadd.s32 v5, v7;
	v5 =	vmov v4  }
0x66: {  	vm1 =	vle.s32 v7, v3  }
0x67: {  	vm2 =	vgt.f32 v6, v1;
	vm0 =	vmand vm0, vm1  }
0x68: {  	vm0 =	vmor vm2, vm0  }
.Ltmp3:
0x69: {  	v7 =	vsel vm0, $0x1, v0;
	s29 =	spop (v2sf);
	(pc) =	sbr.rel @p2 .LBB2_3-.Ltmp3, $4  }
0x6a: {  	v2 =	vadd.s32 $0x10, v2;
	(xrf0) =	vadd.scan.msk.s32 $0xffff, v7;
	s26 =	sadd.s32 s26, s29  }
0x6b: {  	[tilespmem:s26+$0x1500] =	vst.msk vm0, v2  }
0x6c: {  	[tilespmem:s26+$0x1780] =	vst.msk vm0, v6  }
0x6d: {  	s29 =	sshra.s32 s28, $0x2;
	s28 =	sadd.s32 $0x40, s28  }
0x6e: {  	v4 =	vld [tilespmem:s29+$0x0];
	_ =	sdelay $0x4  }
0x6f: {  	vm0 =	veq.f32 v4, v1  }
0x70: {  	v6 =	vsel vm0, $0x1, v0  }
0x71: {  	(xrf0) =	vadd.scan.msk.s32 $0xffff, v6;
	_ =	sdelay $0x4  }
0x72: {  	v6, _, _ =	vpop (xrf0)  }
0x73: {  	v7, _, _ =	vpop (xrf0)  }
0x74: {  	v5 =	vadd.s32 v5, v7  }
0x75: {  	vm1 =	vle.s32 v5, v3  }
0x76: {  	vm2 =	vgt.f32 v4, v1;
	vm0 =	vmand vm0, vm1  }
0x77: {  	vm0 =	vmor vm2, vm0  }
0x78: {  	v1 =	vsel vm0, $0x1, v0  }
0x79: {  	(xrf0) =	vadd.scan.msk.s32 $0xffff, v1;
	_ =	sdelay $0x1  }
0x7a: {  	(v2sf) =	vpush v6, $0xF;
	_ =	sdelay $0x3  }
0x7b: {  	v1, _, _ =	vpop (xrf0)  }
0x7c: {  	(v2sf) =	vpush v1, $0xF;
	_ =	sdelay $0x9  }
0x7d: {  	s28 =	spop (v2sf)  }
0x7e: {  	s26 =	sadd.s32 s26, s28;
	v1 =	vadd.s32 $0x10, v2  }
0x7f: {  	[tilespmem:s26+$0x1500] =	vst.msk vm0, v1  }
0x80: {  	[tilespmem:s26+$0x1780] =	vst.msk vm0, v4  }
0x81: {  	[hbm4b:s6+s19] =	stream.strided.scatter [tilespmem:s24], [sflag:$0x1], $0x200, s20, s19, $0x38;
	[tilespmem:$0x1A00] =	vst v63  }
0x82: {  	s31 =	spop (v2sf)  }
0x83: {  	_ =	swait.ge [sflag:s21], $0x200  }
0x84: {  	[sflag:s21] =	ssyncset.done $0x0  }
0x85: {  	[sflag:s21] =	ssyncadd.s32 $0xFFFFFE00  }
0x86: {  	[hbm4b:s7+s19] =	stream.strided.scatter [tilespmem:s25], [sflag:$0x1], $0x200, s20, s19, $0x38;
	[tilespmem:$0x1A00] =	vst v63  }
0x87: {  	_ =	swait.ge [sflag:s21], $0x200  }
0x88: {  	[sflag:s21] =	ssyncset.done $0x0  }
0x89: {  	s26 =	simm.s32 $0x0;
	[sflag:s21] =	ssyncadd.s32 $0xFFFFFE00  }
0x8a: {  	[tilespmem:s26], [sflag:$0x1] =	stream.strided.gather [hbm4b:s8+s19], $0x1400, s20, s19, $0x38;
	[tilespmem:$0x1A00] =	vst v63  }
0x8b: {  	_ =	swait.ge [sflag:s21], $0x1400  }
0x8c: {  	[sflag:s21] =	ssyncset.done $0x0  }
0x8d: {  	[sflag:s21] =	ssyncadd.s32 $0xFFFFEC00  }
0x8e: {  	[tilespmem:s22], [sflag:$0x1] =	stream.linear.gather [hbm4b:s9+s26], $0x80, $0x38;
	[tilespmem:$0x1A00] =	vst v63  }
0x8f: {  	_ =	swait.ge [sflag:s21], $0x80  }
0x90: {  	[sflag:s21] =	ssyncset.done $0x0  }
0x91: {  	[sflag:s21] =	ssyncadd.s32 $0xFFFFFF80  }
0x92: {  	[tilespmem:s23], [sflag:$0x1] =	stream.linear.gather [hbm4b:s10+s26], $0x80, $0x38;
	[tilespmem:$0x1A00] =	vst v63  }
0x93: {  	_ =	swait.ge [sflag:s21], $0x80  }
0x94: {  	[sflag:s21] =	ssyncset.done $0x0  }
0x95: {  	[sflag:s21] =	ssyncadd.s32 $0xFFFFFF80  }
0x96: {  	s28 =	simm.s32 $0x0;
	v1 =	vld [tilespmem:$0x1400]  }
0x97: {  	v5 =	vld [tilespmem:s28+$0x0];
	_ =	sdelay $0x4  }
0x98: {  	vm13 =	veq.f32 v5, v1  }
0x99: {  	v2 =	vsel vm13, $0x1, v0  }
0x9a: {  	(xrf0) =	vadd.scan.msk.s32 $0xffff, v2;
	_ =	sdelay $0x2  }
0x9b: {  	v3 =	vld [tilespmem:$0x1480];
	_ =	sdelay $0x2  }
0x9c: {  	v4 =	vimm.s32 $0x0;
	v2, _, _ =	vpop (xrf0)  }
0x9d: {  	v2 =	vadd.s32 v4, v2  }
0x9e: {  	vm14 =	vle.s32 v2, v3  }
0x9f: {  	vm15 =	vgt.f32 v5, v1;
	v6 =	vmpcnt.ones.xlane vm13;
	vm0 =	vmand vm13, vm14  }
0xa0: {  	vm0 =	vmor vm15, vm0  }
0xa1: {  	v4 =	vadd.s32 v4, v6;
	v6 =	vsel vm0, $0x1, v0  }
0xa2: {  	(xrf0) =	vadd.scan.msk.s32 $0xffff, v6  }
0xa3: {  	v2 =	vlaneseq.u32  }
0xa4: {  	[tilespmem:s26+$0x1500] =	vst.msk vm0, v2  }
0xa5: {  	s29 =	simm.s32 $0x10;
	s28 =	simm.s32 $0x80;
	[tilespmem:s26+$0x1780] =	vst.msk vm0, v5;
	v5 =	vmov v4  }
.LBB2_5:
0xa6: {  	p2 =	sne.s32 s28, $0x4FC0;
	v6 =	vld [tilespmem:s29+$0x0];
	_ =	sdelay $0x1  }
0xa7: {  	v7, _, _ =	vpop (xrf0)  }
0xa8: {  	(v2sf) =	vpush v7, $0xF;
	_ =	sdelay $0x1  }
0xa9: {  	vm0 =	veq.f32 v6, v1  }
0xaa: {  	v7 =	vsel vm0, $0x1, v0;
	v8 =	vmpcnt.ones.xlane vm0  }
0xab: {  	(xrf0) =	vadd.scan.msk.s32 $0xffff, v7  }
0xac: {  	v4 =	vadd.s32 v4, v8;
	_ =	sdelay $0x4  }
0xad: {  	v7, _, _ =	vpop (xrf0)  }
0xae: {  	v7 =	vadd.s32 v5, v7;
	v5 =	vmov v4  }
0xaf: {  	vm1 =	vle.s32 v7, v3  }
0xb0: {  	vm2 =	vgt.f32 v6, v1;
	vm0 =	vmand vm0, vm1  }
0xb1: {  	vm0 =	vmor vm2, vm0  }
.Ltmp4:
0xb2: {  	v7 =	vsel vm0, $0x1, v0;
	s29 =	spop (v2sf);
	(pc) =	sbr.rel @p2 .LBB2_5-.Ltmp4, $4  }
0xb3: {  	v2 =	vadd.s32 $0x10, v2;
	(xrf0) =	vadd.scan.msk.s32 $0xffff, v7;
	s26 =	sadd.s32 s26, s29  }
0xb4: {  	[tilespmem:s26+$0x1500] =	vst.msk vm0, v2  }
0xb5: {  	[tilespmem:s26+$0x1780] =	vst.msk vm0, v6  }
0xb6: {  	s29 =	sshra.s32 s28, $0x2;
	s28 =	sadd.s32 $0x40, s28  }
0xb7: {  	v4 =	vld [tilespmem:s29+$0x0];
	_ =	sdelay $0x4  }
0xb8: {  	vm0 =	veq.f32 v4, v1  }
0xb9: {  	v6 =	vsel vm0, $0x1, v0  }
0xba: {  	(xrf0) =	vadd.scan.msk.s32 $0xffff, v6;
	_ =	sdelay $0x4  }
0xbb: {  	v63, _, _ =	vpop (xrf0)  }
0xbc: {  	v7, _, _ =	vpop (xrf0)  }
0xbd: {  	v5 =	vadd.s32 v5, v7  }
0xbe: {  	vm1 =	vle.s32 v5, v3  }
0xbf: {  	vm2 =	vgt.f32 v4, v1;
	vm0 =	vmand vm0, vm1  }
0xc0: {  	vm0 =	vmor vm2, vm0  }
0xc1: {  	v1 =	vsel vm0, $0x1, v0  }
0xc2: {  	(xrf0) =	vadd.scan.msk.s32 $0xffff, v1;
	_ =	sdelay $0x1  }
0xc3: {  	(v2sf) =	vpush v63, $0xF;
	_ =	sdelay $0x3  }
0xc4: {  	v1, _, _ =	vpop (xrf0)  }
0xc5: {  	(v2sf) =	vpush v1, $0xF;
	_ =	sdelay $0x9  }
0xc6: {  	s28 =	spop (v2sf)  }
0xc7: {  	s26 =	sadd.s32 s26, s28;
	v1 =	vadd.s32 $0x10, v2  }
0xc8: {  	[tilespmem:s26+$0x1500] =	vst.msk vm0, v1  }
0xc9: {  	[tilespmem:s26+$0x1780] =	vst.msk vm0, v4  }
0xca: {  	[hbm4b:s11+s19] =	stream.strided.scatter [tilespmem:s24], [sflag:$0x1], $0x200, s20, s19, $0x38;
	[tilespmem:$0x1A00] =	vst v63  }
0xcb: {  	s31 =	spop (v2sf)  }
0xcc: {  	_ =	swait.ge [sflag:s21], $0x200  }
0xcd: {  	[sflag:s21] =	ssyncset.done $0x0  }
0xce: {  	[sflag:s21] =	ssyncadd.s32 $0xFFFFFE00  }
0xcf: {  	[hbm4b:s12+s19] =	stream.strided.scatter [tilespmem:s25], [sflag:$0x1], $0x200, s20, s19, $0x38;
	[tilespmem:$0x1A00] =	vst v63  }
0xd0: {  	_ =	swait.ge [sflag:s21], $0x200  }
0xd1: {  	[sflag:s21] =	ssyncset.done $0x0  }
0xd2: {  	[sflag:s21] =	ssyncadd.s32 $0xFFFFFE00  }
.LBB2_7:
.Ltmp5:
0xd3: {  	(pc) =	sbr.rel @p1 .LBB2_11-.Ltmp5, $1  }
0xd4: {  	_ =	sdelay $0x3  }
0xd5: {  	s26 =	simm.s32 $0x0  }
0xd6: {  	[tilespmem:s26], [sflag:$0x1] =	stream.strided.gather [hbm4b:s13+s19], $0x1400, s20, s19, $0x38;
	[tilespmem:$0x1A00] =	vst v63  }
0xd7: {  	_ =	swait.ge [sflag:s21], $0x1400  }
0xd8: {  	[sflag:s21] =	ssyncset.done $0x0  }
0xd9: {  	[sflag:s21] =	ssyncadd.s32 $0xFFFFEC00  }
0xda: {  	[tilespmem:s22], [sflag:$0x1] =	stream.linear.gather [hbm4b:s14+s26], $0x80, $0x38;
	[tilespmem:$0x1A00] =	vst v63  }
0xdb: {  	_ =	swait.ge [sflag:s21], $0x80  }
0xdc: {  	[sflag:s21] =	ssyncset.done $0x0  }
0xdd: {  	[sflag:s21] =	ssyncadd.s32 $0xFFFFFF80  }
0xde: {  	[tilespmem:s23], [sflag:$0x1] =	stream.linear.gather [hbm4b:s15+s26], $0x80, $0x38;
	[tilespmem:$0x1A00] =	vst v63  }
0xdf: {  	_ =	swait.ge [sflag:s21], $0x80  }
0xe0: {  	[sflag:s21] =	ssyncset.done $0x0  }
0xe1: {  	[sflag:s21] =	ssyncadd.s32 $0xFFFFFF80  }
0xe2: {  	s28 =	simm.s32 $0x0;
	v1 =	vld [tilespmem:$0x1400]  }
0xe3: {  	v5 =	vld [tilespmem:s28+$0x0];
	_ =	sdelay $0x4  }
0xe4: {  	vm0 =	veq.f32 v5, v1  }
0xe5: {  	v2 =	vsel vm0, $0x1, v0  }
0xe6: {  	(xrf0) =	vadd.scan.msk.s32 $0xffff, v2;
	_ =	sdelay $0x2  }
0xe7: {  	v3 =	vld [tilespmem:$0x1480];
	_ =	sdelay $0x2  }
0xe8: {  	v4 =	vimm.s32 $0x0;
	v2, _, _ =	vpop (xrf0)  }
0xe9: {  	v2 =	vadd.s32 v4, v2  }
0xea: {  	vm1 =	vle.s32 v2, v3  }
0xeb: {  	vm2 =	vgt.f32 v5, v1;
	v6 =	vmpcnt.ones.xlane vm0;
	vm0 =	vmand vm0, vm1  }
0xec: {  	vm0 =	vmor vm2, vm0  }
0xed: {  	v4 =	vadd.s32 v4, v6;
	v6 =	vsel vm0, $0x1, v0  }
0xee: {  	(xrf0) =	vadd.scan.msk.s32 $0xffff, v6  }
0xef: {  	v2 =	vlaneseq.u32  }
0xf0: {  	[tilespmem:s26+$0x1500] =	vst.msk vm0, v2  }
0xf1: {  	s29 =	simm.s32 $0x10;
	s28 =	simm.s32 $0x80;
	[tilespmem:s26+$0x1780] =	vst.msk vm0, v5;
	v5 =	vmov v4  }
.LBB2_9:
0xf2: {  	p2 =	sne.s32 s28, $0x4FC0;
	v6 =	vld [tilespmem:s29+$0x0];
	_ =	sdelay $0x1  }
0xf3: {  	v7, _, _ =	vpop (xrf0)  }
0xf4: {  	(v2sf) =	vpush v7, $0xF;
	_ =	sdelay $0x1  }
0xf5: {  	vm0 =	veq.f32 v6, v1  }
0xf6: {  	v7 =	vsel vm0, $0x1, v0;
	v8 =	vmpcnt.ones.xlane vm0  }
0xf7: {  	(xrf0) =	vadd.scan.msk.s32 $0xffff, v7  }
0xf8: {  	v4 =	vadd.s32 v4, v8;
	_ =	sdelay $0x4  }
0xf9: {  	v7, _, _ =	vpop (xrf0)  }
0xfa: {  	v7 =	vadd.s32 v5, v7;
	v5 =	vmov v4  }
0xfb: {  	vm1 =	vle.s32 v7, v3  }
0xfc: {  	vm2 =	vgt.f32 v6, v1;
	vm0 =	vmand vm0, vm1  }
0xfd: {  	vm0 =	vmor vm2, vm0  }
.Ltmp6:
0xfe: {  	v7 =	vsel vm0, $0x1, v0;
	s29 =	spop (v2sf);
	(pc) =	sbr.rel @p2 .LBB2_9-.Ltmp6, $4  }
0xff: {  	v2 =	vadd.s32 $0x10, v2;
	(xrf0) =	vadd.scan.msk.s32 $0xffff, v7;
	s26 =	sadd.s32 s26, s29  }
0x100: {  	[tilespmem:s26+$0x1500] =	vst.msk vm0, v2  }
0x101: {  	[tilespmem:s26+$0x1780] =	vst.msk vm0, v6  }
0x102: {  	s29 =	sshra.s32 s28, $0x2;
	s28 =	sadd.s32 $0x40, s28  }
.Ltmp7:
0x103: {  	_ = 	snop;
	(pc) =	sbr.rel .LBB2_10-.Ltmp7, $1  }
0x104: {  	_ =	sdelay $0x3  }
.LBB2_12:
0x105: {  	_ =	sfence.sel $0x180000  }
0x106: {  	[bflag:$0x0] =	sbarrier.arrive $0xFFFF  }
0x107: {  	p0 =	sne.s32 s0, $0x0;
	_ =	strace $0x9000004A  }
0x108: {  	s0 =	sadd.s32 @!p0 $0x100000, s1;
	[bflag:$0x2] =	sbarrier.arrive $0xFFFF  }
0x109: {  	[sflag:s0] =	ssyncadd.tile.s32 @!p0 $0x1;
	_ =	shalt  }
.Lfunc_end2:
_tile_overlayer_lowered:
.L_overlay_start_2:
0x10a: {  	(tag) =	ssettag $0x2  }
0x10b: {  	s0 =	rddreg [dreg:$0x0];
	s2 =	stileid.u32  }
0x10c: {  	s1 =	rddreg [dreg:$0x1];
	p0 =	sne.s32 s2, $0x0  }
0x10d: {  	s3 =	rddreg [dreg:$0x2];
	[bflag:$0x3] =	sbarrier.arrive $0xFFFF;
	s2 =	simm.s32 @!p0 $0x1C01  }
0x10e: {  	[timem:s3], [sflag:s2] =	dma.local @!p0 [hbm:s0], s1  }
0x10f: {  	s0 =	simm.s32 @!p0 $0x1  }
0x110: {  	_ =	swait.ge @!p0 [sflag:s0], s1  }
0x111: {  	s1 =	ssub.s32 @!p0 $0x0, s1;
	[sflag:s0] =	ssyncset.done @!p0 $0x0  }
0x112: {  	[sflag:s0] =	ssyncadd.s32 @!p0 s1  }
0x113: {  	[bflag:$0x3] =	sbarrier.arrive $0xFFFF  }
0x114: {  	_ =	shalt  }

// kernel: gather_offload_async_start.1
scs
__scs_entry_jumppad:
0x0: {  	(pc) =	sbr.rel $0x88, $3  }
0x1: {  	(tag) =	ssettag $0x0;
	lr =	simm.s32 $0x1  }
0x2: {  	[smem:$0x3F9D] =	sst lr;
	_ =	strace $0xD0000000  }
0x3: {  	_ = 	snop  }
0x4: {  	_ = 	snop  }
0x5: {  	_ = 	snop  }
0x6: {  	_ = 	snop  }
0x7: {  	_ = 	snop  }
__scs_overlays_trampoline_lowered:
0x8: {  	[smem:$0x3FAC] =	sst s0  }
0x9: {  	[smem:$0x3FAD] =	sst s1  }
0xa: {  	[smem:$0x3FAE] =	sst s2  }
0xb: {  	[smem:$0x3FAF] =	sst s3  }
0xc: {  	[smem:$0x3FB0] =	sst s4  }
0xd: {  	[smem:$0x3FB1] =	sst s5  }
0xe: {  	[smem:$0x3FB2] =	sst s6  }
0xf: {  	[smem:$0x3FB3] =	sst s7  }
0x10: {  	[smem:$0x3FB4] =	sst s8  }
0x11: {  	[smem:$0x3FB5] =	sst s9;
	s0 =	simm.s32 @!p0 $0x0  }
0x12: {  	s1 =	sld [smem:$0x3F9B];
	s0 =	simm.s32 @p0 $0x1  }
0x13: {  	[smem:$0x3FB6] =	sst s0;
	s0 =	simm.s32 @!p1 $0x0  }
0x14: {  	s2 =	sld [smem:$0x3F9A];
	s0 =	simm.s32 @p1 $0x1  }
0x15: {  	[smem:$0x3FB7] =	sst s0;
	s0 =	simm.s32 @!p2 $0x0  }
0x16: {  	s3 =	sld [smem:$0x3FDB];
	s0 =	simm.s32 @p2 $0x1  }
0x17: {  	s4 =	simm.s32 $0x1BF5;
	[smem:$0x3FB9] =	sst s0  }
0x18: {  	s0 =	sld [smem:$0x3F9C];
	_ =	swait.ge [sflag:s4], $0x0  }
0x19: {  	s7 =	sld [smem:$0x3F9D]  }
0x1a: {  	s8 =	sadd.s32 $0xFFFFE003, lr  }
0x1b: {  	s9 =	sadd.s32 $0xFFFFFEF7, lr;
	s5 =	simm.s32 $0xFFFFFFFF;
	p2 =	slt.u32 s8, $0xFFFFF086  }
0x1c: {  	p1 =	slt.u32 s9, $0xF7A;
	s5 =	simm.s32 @!p2 $0x0  }
0x1d: {  	s5 =	simm.s32 @p1 $0x1;
	p0 =	seq.s32 s7, s2  }
0x1e: {  	s7 =	smul.u32 @!p0 $0xF7A, s2;
	p2 =	seq.s32 @!p0 s5, $0x0  }
0x1f: {  	s9 =	smul.u32 $0xF7A, s1;
	s8 =	simm.s32 @!p0 $0x1BF5;
	p2 =	por !p2, p0  }
0x20: {  	[sflag:s8] =	ssyncset.s32 @!p0 $0xFFFFF086;
	s6 =	sadd.s32 @!p0 s3, s7;
	s7 =	simm.s32 @!p0 $0x108  }
0x21: {  	s3 =	sadd.s32 s3, s9;
	s6 =	sadd.s32 @!p0 $0x88, s6;
	s7 =	simm.s32 @p2 $0x1082  }
0x22: {  	[simem:s7], [sflag:s8] =	dma.local @!p0 [hbm:s6], $0xF7A  }
0x23: {  	s9 =	sor.u32 $0xD0000000, s2;
	s6 =	simm.s32 $0x108;
	_ =	swait.ge @!p0 [sflag:s8], $0x0  }
0x24: {  	s3 =	sadd.s32 $0x88, s3;
	s6 =	simm.s32 @!p1 $0x1082;
	[sflag:s4] =	ssyncset.s32 $0xFFFFF086  }
0x25: {  	[simem:s6], [sflag:s4] =	dma.local [hbm:s3], $0xF7A  }
0x26: {  	[smem:$0x3F9D] =	sst s1;
	(tag) =	ssettag s2;
	_ =	strace s9  }
0x27: {  	s1 =	sld [smem:$0x3FAD]  }
0x28: {  	s2 =	sld [smem:$0x3FAE]  }
0x29: {  	s4 =	sld [smem:$0x3FB0]  }
0x2a: {  	p0 =	seq.s32 s5, $0x0;
	s5 =	sld [smem:$0x3FB1]  }
0x2b: {  	s6 =	sld [smem:$0x3FB2]  }
0x2c: {  	s7 =	sld [smem:$0x3FB3]  }
0x2d: {  	s3 =	simm.s32 $0x108;
	s8 =	sld [smem:$0x3FB4]  }
0x2e: {  	s3 =	simm.s32 @!p0 $0x1082;
	s9 =	sld [smem:$0x3FB5]  }
0x2f: {  	lr =	sadd.s32 s0, s3;
	s0 =	sld [smem:$0x3FAC]  }
0x30: {  	s3 =	sld [smem:$0x3FAF]  }
0x31: {  	[smem:$0x3FB8] =	sst s10  }
0x32: {  	s10 =	sld [smem:$0x3FB6];
	_ =	sdelay $0x3  }
0x33: {  	p0 =	seq.s32 s10, $0x1;
	s10 =	sld [smem:$0x3FB8];
	_ =	sdelay $0x3  }
0x34: {  	[smem:$0x3FB8] =	sst s10  }
0x35: {  	s10 =	sld [smem:$0x3FB7];
	_ =	sdelay $0x3  }
0x36: {  	p1 =	seq.s32 s10, $0x1;
	s10 =	sld [smem:$0x3FB8];
	_ =	sdelay $0x3  }
0x37: {  	[smem:$0x3FB8] =	sst s10  }
0x38: {  	s10 =	sld [smem:$0x3FB9]  }
0x39: {  	_ = 	snop;
	(pc) =	sbr.ind lr, $3  }
0x3a: {  	_ = 	snop  }
0x3b: {  	_ = 	snop  }
0x3c: {  	p2 =	seq.s32 s10, $0x1;
	s10 =	sld [smem:$0x3FB8]  }
0x3d: {  	_ =	shalt  }
0x3e: {  	_ =	shalt  }
0x3f: {  	_ =	shalt  }
0x40: {  	_ =	shalt  }
0x41: {  	_ =	shalt  }
0x42: {  	_ =	shalt  }
0x43: {  	_ =	shalt  }
0x44: {  	_ =	shalt  }
0x45: {  	_ =	shalt  }
0x46: {  	_ =	shalt  }
0x47: {  	_ =	shalt  }
0x48: {  	_ =	shalt  }
0x49: {  	_ =	shalt  }
0x4a: {  	_ =	shalt  }
0x4b: {  	_ =	shalt  }
0x4c: {  	_ =	shalt  }
0x4d: {  	_ =	shalt  }
0x4e: {  	_ =	shalt  }
0x4f: {  	_ =	shalt  }
0x50: {  	_ =	shalt  }
0x51: {  	_ =	shalt  }
0x52: {  	_ =	shalt  }
0x53: {  	_ =	shalt  }
0x54: {  	_ =	shalt  }
0x55: {  	_ =	shalt  }
0x56: {  	_ =	shalt  }
0x57: {  	_ =	shalt  }
0x58: {  	_ =	shalt  }
0x59: {  	_ =	shalt  }
0x5a: {  	_ =	shalt  }
0x5b: {  	_ =	shalt  }
0x5c: {  	_ =	shalt  }
0x5d: {  	_ =	shalt  }
0x5e: {  	_ =	shalt  }
0x5f: {  	_ =	shalt  }
0x60: {  	_ =	shalt  }
0x61: {  	_ =	shalt  }
0x62: {  	_ =	shalt  }
0x63: {  	_ =	shalt  }
0x64: {  	_ =	shalt  }
0x65: {  	_ =	shalt  }
0x66: {  	_ =	shalt  }
0x67: {  	_ =	shalt  }
0x68: {  	_ =	shalt  }
0x69: {  	_ =	shalt  }
0x6a: {  	_ =	shalt  }
0x6b: {  	_ =	shalt  }
0x6c: {  	_ =	shalt  }
0x6d: {  	_ =	shalt  }
0x6e: {  	_ =	shalt  }
0x6f: {  	_ =	shalt  }
0x70: {  	_ =	shalt  }
0x71: {  	_ =	shalt  }
0x72: {  	_ =	shalt  }
0x73: {  	_ =	shalt  }
0x74: {  	_ =	shalt  }
0x75: {  	_ =	shalt  }
0x76: {  	_ =	shalt  }
0x77: {  	_ =	shalt  }
0x78: {  	_ =	shalt  }
0x79: {  	_ =	shalt  }
0x7a: {  	_ =	shalt  }
0x7b: {  	_ =	shalt  }
0x7c: {  	_ =	shalt  }
0x7d: {  	_ =	shalt  }
0x7e: {  	_ =	shalt  }
0x7f: {  	_ =	shalt  }
0x80: {  	_ =	shalt  }
0x81: {  	_ =	shalt  }
0x82: {  	_ =	shalt  }
0x83: {  	_ =	shalt  }
0x84: {  	_ =	shalt  }
0x85: {  	_ =	shalt  }
0x86: {  	_ =	shalt  }
0x87: {  	_ =	shalt  }
.Lfunc_end0:
.L_simem_size_0:
called_computation.1_lowered:
.L_overlay_start_0:
0x88: {  	s2 =	sld [smem:$0x3FD9]  }
0x89: {  	s3 =	sld [smem:$0x3FFE];
	_ =	sdelay $0x1  }
0x8a: {  	s1 =	srdreg.scid  }
0x8b: {  	s0 =	sand.u32 $0x1, s1  }
0x8c: {  	s17 =	sshll.u32 s0, $0xA;
	s2 =	sadd.s32 s3, s2  }
0x8d: {  	s2 =	sadd.s32 s2, s17  }
0x8e: {  	[smem:$0x3FC4] =	sst s2  }
0x8f: {  	_ = 	snop  }
0x90: {  	(tm) =	ssettm $0x1  }
0x91: {  	s18 =	sld [smem:$0x3FFB];
	_ =	sdelay $0x3  }
0x92: {  	_ =	strace s18  }
0x93: {  	s2 =	sld [smem:$0x3FFC];
	_ =	sdelay $0x3  }
0x94: {  	_ =	strace s2  }
0x95: {  	s2 =	sld [smem:$0x3FFD];
	_ =	sdelay $0x3  }
0x96: {  	_ =	strace s2  }
0x97: {  	_ =	strace $0x8FFFFFFF  }
0x98: {  	s19 =	sld [smem:$0x3FDB];
	_ =	sdelay $0x1  }
0x99: {  	s20 =	simm.s32 $_scs_section_size  }
0x9a: {  	s4 =	simm.s32 $_size__tile_overlayer_lowered;
	s5 =	simm.s32 $_tile_overlayer_lowered  }
0x9b: {  	s6 =	simm.s32 $0x1BFF;
	s21 =	sshll.u32 s5, $0x1;
	s3 =	sadd.s32 s20, s19  }
0x9c: {  	s22 =	simm.s32 $0x0;
	s4 =	sshll.u32 s4, $0x1;
	s5 =	sadd.s32 s21, s3  }
0x9d: {  	[timem:s22], [sflag:s6] =	dma.local [hbm:s5], s4  }
0x9e: {  	_ =	swait.ge [sflag:s6], s4  }
0x9f: {  	s4 =	ssub.s32 $0x0, s4;
	[sflag:s6] =	ssyncset.done $0x0  }
0xa0: {  	[sflag:s6] =	ssyncadd.s32 s4;
	_ =	sdelay $0x1  }
0xa1: {  	s23 =	simm.s32 $0x1B8B  }
0xa2: {  	_ =	swait.ge [sflag:s23], $0x1  }
0xa3: {  	[sflag:s23] =	ssyncset.done $0x0  }
0xa4: {  	[sflag:s23] =	ssyncadd.s32 $0xFFFFFFFF  }
0xa5: {  	s4 =	sld [smem:$0x0]  }
0xa6: {  	s5 =	sand.u32 $0xFFFFFFFE, s1  }
0xa7: {  	p0 =	sne.s32 s1, s5  }
0xa8: {  	s5 =	sshll.u32 @p0 s5, $0xE  }
0xa9: {  	s5 =	sadd.s32 @p0 $0x11B8D, s5;
	s6 =	sshll.u32 @p0 s4, $0x11  }
0xaa: {  	s5 =	sor.u32 @p0 s6, s5  }
0xab: {  	[sflag:s5] =	ssyncadd.remote.s32 @p0 $0x1;
	_ =	sdelay $0x1  }
0xac: {  	s5 =	simm.s32 @p0 $0x1B8D  }
0xad: {  	_ =	swait.eq @p0 [sflag:s5], $0x1  }
0xae: {  	[sflag:s5] =	ssyncadd.s32 @p0 $0xFFFFFFFF  }
0xaf: {  	s6 =	sshll.u32 @!p0 s1, $0xE  }
0xb0: {  	s6 =	sor.u32 @!p0 $0x4000, s6;
	s5 =	simm.s32 @!p0 $0x1B8D  }
0xb1: {  	s4 =	sshll.u32 @!p0 s4, $0x11;
	s6 =	sadd.s32 @!p0 $0x11B8D, s6;
	_ =	swait.eq @!p0 [sflag:s5], $0x1  }
0xb2: {  	s4 =	sor.u32 @!p0 s4, s6;
	[sflag:s5] =	ssyncadd.s32 @!p0 $0xFFFFFFFF  }
0xb3: {  	s25 =	simm.s32 $0x1B8E;
	s24 =	sld [smem:$0x3FFE];
	[sflag:s4] =	ssyncadd.remote.s32 @!p0 $0x1  }
0xb4: {  	s26 =	simm.s32 $execute0_lowered;
	[smem:$0x3FD2] =	sst s25  }
0xb5: {  	s5 =	sshll.u32 s26, $0x1;
	_ =	strace $0x8000004F;
	[dreg:$0x1] =	wrdreg $0xFFFFFFFF  }
0xb6: {  	s28 =	simm.s32 $_size_execute0_lowered;
	s3 =	sadd.s32 s3, s5;
	[dreg:$0x0] =	wrdreg $0x0  }
0xb7: {  	s5 =	sshll.u32 s28, $0x1;
	[dreg:$0x2] =	wrdreg s3  }
0xb8: {  	[dreg:$0x3] =	wrdreg s5  }
0xb9: {  	[dreg:$0x4] =	wrdreg $0xC0  }
0xba: {  	_ =	task [dreg:s22], $0x5FFFF  }
0xbb: {  	[dreg:$0x1] =	wrdreg $0xFFFFFFFF  }
0xbc: {  	[dreg:$0x0] =	wrdreg $0x60  }
0xbd: {  	[dreg:$0x2] =	wrdreg s24  }
0xbe: {  	[dreg:$0x3] =	wrdreg $0xA  }
0xbf: {  	_ =	task.clear_ibuf [dreg:s22], $0x4FFFF;
	_ =	strace $0x9000004F  }
0xc0: {  	s29 =	simm.s32 $0xA;
	_ =	strace $0x80000051  }
0xc1: {  	_ =	swait.ge [sflag:s29], $0x1  }
0xc2: {  	[sflag:s29] =	ssyncadd.s32 $0xFFFFFFFF  }
0xc3: {  	_ =	strace $0x90000051  }
0xc4: {  	_ =	sfence  }
0xc5: {  	s30 =	sld [smem:$0x0];
	_ =	sdelay $0x2  }
0xc6: {  	s31 =	sshll.u32 s1, $0xD;
	s1 =	sshrl.u32 s1, $0x2  }
0xc7: {  	s4 =	sand.u32 $0x4000, s31;
	s1 =	sadd.s32 s1, s30  }
0xc8: {  	s0 =	sor.u32 s4, s0;
	s1 =	sshll.u32 s1, $0x11  }
0xc9: {  	s0 =	sor.u32 s1, s0  }
0xca: {  	s0 =	sadd.s32 $0x8F2B, s0  }
0xcb: {  	[sflag:s0] =	ssyncadd.remote.s32 $0x1  }
0xcc: {  	_ =	sfence.sel $0xFFFF  }
0xcd: {  	[dreg:$0x0] =	wrdreg $0xFFFFFFFF;
	(pc) =	sbr.abs _section_cstart, $3  }
0xce: {  	[dreg:$0x1] =	wrdreg $0xFFFFFFFF  }
0xcf: {  	_ =	task.clear_ibuf [dreg:s22], $0x2FFFF;
	_ =	strace $0x9FFFFFFF  }
0xd0: {  	(tm) =	ssettm $0x7FFFFFFF  }
0xd1: {  	_ =	shalt  }
tec
execute0_lowered:
.L_overlay_start_1:
0x0: {  	(tag) =	ssettag $0x1  }
0x1: {  	s0 =	stileid.u32;
	s1 =	srdreg.scid  }
0x2: {  	s4 =	rddreg [dreg:$0x0];
	s9 =	simm.s32 $0x1;
	s10 =	simm.s32 $0x3  }
0x3: {  	s12 =	simm.s32 $0x0;
	s1 =	sand.u32 $0x1, s1;
	s2 =	sshll.u32 s0, $0x1  }
0x4: {  	s11 =	simm.s32 $0x0;
	s3 =	sadd.s32 $0x50C00, s4;
	s6 =	sor.u32 s2, s1  }
0x5: {  	s2 =	smul.u32 $0x500, s6;
	p0 =	seq.s32 s6, $0x0;
	s6 =	simm.s32 $0xA000  }
0x6: {  	s1 =	rddreg [dreg:$0x1];
	_ =	strace $0x80000050;
	s6 =	simm.s32 @!p0 $0x0  }
0x7: {  	s9 =	simm.s32 @!p0 $0x0;
	s5 =	sshrl.u32 s2, $0x3;
	s7 =	ssub.s32 $0xA000, s2  }
.Ltmp0:
0x8: {  	s8 =	sadd.s32 s5, s4;
	s4 =	sadd.s32 $0x9200, s4;
	(pc) =	sbr.rel .LBB2_1-.Ltmp0, $4  }
0x9: {  	s5 =	simm.s32 $0x1;
	p0 =	sne.s32 s7, s6;
	s7 =	simm.s32 $0x1  }
0xa: {  	s6 =	simm.s32 $0x2;
	[sflag:s5] =	ssyncpa.u1 $0x0;
	s7 =	simm.s32 @!p0 $0x0  }
0xb: {  	s8 =	sadd.s32 $0x7E00, s8;
	[sflag:s6] =	ssyncpa.u1 $0x0;
	s7 =	sadd.s32 s9, s7  }
0xc: {  	vm0 =	vmmov $0xffff;
	[sflag:s10] =	ssyncpa.u1 $0x0;
	s9 =	sadd.s32 $0x1, s7;
	s10 =	simm.s32 $0x0  }
.LBB2_4:
0xd: {  	_ =	sdelay $0x3  }
0xe: {  	[tilespmem:s20], [sflag:$0x1] =	stream.indirect_vreg.gather [hbm4b:s3+s10], $0x1, v0, vm0, $0x4038;
	[tilespmem:$0x3200] =	vst v63  }
0xf: {  	s14 =	sadd.s32 s17, s14  }
0x10: {  	v0 =	vld.msk [tilespmem:s14+$0x0 ss:$0x1], $0xffff;
	_ =	sdelay $0x4  }
0x11: {  	vm1 =	vgt.s32 v0, $0x0  }
0x12: {  	v0 =	vnsel vm1, $0x0, v0  }
0x13: {  	v0 =	vmin.u32 v0, $0x61A7F  }
0x14: {  	v1 =	vshll.u32 v0, $0x2  }
0x15: {  	v0 =	vand.u32 $0x7F, v0;
	v1 =	vand.u32 $0x1FFE00, v1  }
0x16: {  	v0 =	vor.u32 v0, v1;
	_ =	sdelay $0x1  }
0x17: {  	s30 =	sand.u32 $0x1E00, s16  }
0x18: {  	s15 =	sand.u32 $0x70, s15;
	(ifvalue) =	ssetifvalue $0x7FFFFFFF;
	s14 =	sadd.s32 s30, s13;
	v1 =	vor.u32 $0x80, v0  }
0x19: {  	s14 =	sadd.s32 s15, s14;
	(ifvalue) =	ssetifvalue $0x7FFFFFFF  }
0x1a: {  	[tilespmem:s14], [sflag:$0x1] =	stream.indirect_vreg.gather [hbm4b:s3+s10], $0x1, v0, vm0, $0x4038;
	[tilespmem:$0x3200] =	vst v63  }
0x1b: {  	v2 =	vor.u32 $0x100, v0;
	(ifvalue) =	ssetifvalue $0x7FFFFFFF  }
0x1c: {  	s15 =	sadd.s32 $0x80, s14;
	(ifvalue) =	ssetifvalue $0x7FFFFFFF  }
0x1d: {  	[tilespmem:s15], [sflag:$0x1] =	stream.indirect_vreg.gather [hbm4b:s3+s10], $0x1, v1, vm0, $0x4038;
	[tilespmem:$0x3200] =	vst v63  }
0x1e: {  	v0 =	vor.u32 $0x180, v0;
	(ifvalue) =	ssetifvalue $0x7FFFFFFF  }
0x1f: {  	s31 =	sadd.s32 $0x100, s14;
	(ifvalue) =	ssetifvalue $0x7FFFFFFF  }
0x20: {  	[tilespmem:s31], [sflag:$0x1] =	stream.indirect_vreg.gather [hbm4b:s3+s10], $0x1, v2, vm0, $0x4038;
	[tilespmem:$0x3200] =	vst v63  }
0x21: {  	(ifvalue) =	ssetifvalue $0x7FFFFFFF  }
0x22: {  	s14 =	sadd.s32 $0x180, s14;
	(ifvalue) =	ssetifvalue $0x7FFFFFFF  }
0x23: {  	[tilespmem:s14], [sflag:$0x1] =	stream.indirect_vreg.gather [hbm4b:s3+s10], $0x1, v0, vm0, $0x4038;
	[tilespmem:$0x3200] =	vst v63  }
0x24: {  	_ =	swait.ge [sflag:s5], $0x1400  }
0x25: {  	s12 =	sshrl.u32 s12, $0x1;
	[sflag:s5] =	ssyncset.done $0x0  }
0x26: {  	s12 =	sadd.s32 s4, s12;
	[sflag:s5] =	ssyncadd.s32 $0xFFFFEC00  }
0x27: {  	[hbm:s12] =	stream.linear.scatter [tilespmem:s13], [sflag:$0x3], $0x1400, $0x38;
	[tilespmem:$0x3200] =	vst v63  }
.LBB2_5:
0x28: {  	p1 =	sne.s32 s11, s9  }
.Ltmp1:
0x29: {  	p0 =	slt.u32 s11, $0x2;
	(pc) =	sbr.rel @!p1 .LBB2_6-.Ltmp1, $4  }
0x2a: {  	s12 =	simm.s32 @!p0 $0x3  }
0x2b: {  	_ =	swait.ge @!p0 [sflag:s12], $0x1400  }
0x2c: {  	s13 =	sadd.s32 $0x1, s11;
	[sflag:s12] =	ssyncset.done @!p0 $0x0  }
0x2d: {  	s11 =	smov.u32 s13;
	[sflag:s12] =	ssyncadd.s32 @!p0 $0xFFFFEC00;
	s12 =	smov.u32 s2  }
.LBB2_1:
0x2e: {  	p0 =	sge.u32 s11, s7  }
0x2f: {  	s13 =	sxor.u32 @!p0 $0x1, s11  }
0x30: {  	s13 =	smul.u32 @!p0 $0x1400, s13;
	_ =	sdelay $0x1  }
0x31: {  	s31 =	sadd.s32 $0xFFFFFFFF, s11;
	s14 =	simm.s32 @!p0 $0x0;
	s13 =	sshra.s32 @!p0 s13, $0x2  }
0x32: {  	[tilespmem:s13], [sflag:$0x2] =	stream.linear.gather @!p0 [hbm4b:s8+s14], $0x500, $0x38;
	[tilespmem:$0x3200] =	vst v63  }
0x33: {  	p0 =	sge.u32 s31, s7  }
.Ltmp2:
0x34: {  	_ = 	snop;
	(pc) =	sbr.rel @p0 .LBB2_5-.Ltmp2, $1  }
0x35: {  	_ =	sdelay $0x3  }
0x36: {  	s13 =	sand.u32 $0x1, s11  }
0x37: {  	p0 =	seq.s32 s13, $0x1;
	s13 =	simm.s32 $0x1400  }
0x38: {  	_ =	swait.ge [sflag:s6], $0x500;
	s13 =	simm.s32 @!p0 $0x0  }
0x39: {  	[sflag:s6] =	ssyncset.done $0x0;
	s14 =	sshrl.u32 s13, $0x2  }
0x3a: {  	[sflag:s6] =	ssyncadd.s32 $0xFFFFFB00;
	s15 =	sadd.s32 $0x0, s14  }
0x3b: {  	v0 =	vld.msk [tilespmem:s15+$0x0 ss:$0x1], $0xffff;
	_ =	sdelay $0x4  }
0x3c: {  	vm1 =	vgt.s32 v0, $0x0  }
0x3d: {  	v0 =	vnsel vm1, $0x0, v0  }
0x3e: {  	v0 =	vmin.u32 v0, $0x61A7F  }
0x3f: {  	v1 =	vshll.u32 v0, $0x2  }
0x40: {  	v0 =	vand.u32 $0x7F, v0;
	v1 =	vand.u32 $0x1FFE00, v1  }
0x41: {  	v0 =	vor.u32 v0, v1  }
0x42: {  	s31 =	simm.s32 $0x0  }
0x43: {  	s16 =	sand.u32 $0x1E00, s31;
	s13 =	sor.u32 $0xA00, s13  }
0x44: {  	s16 =	sadd.s32 s16, s13;
	(ifvalue) =	ssetifvalue $0x7FFFFFFF;
	s15 =	sand.u32 $0x70, s31;
	v1 =	vor.u32 $0x80, v0  }
0x45: {  	s20 =	sadd.s32 s15, s16;
	(ifvalue) =	ssetifvalue $0x7FFFFFFF  }
0x46: {  	[tilespmem:s20], [sflag:$0x1] =	stream.indirect_vreg.gather [hbm4b:s3+s10], $0x1, v0, vm0, $0x4038;
	[tilespmem:$0x3200] =	vst v63  }
0x47: {  	v2 =	vor.u32 $0x100, v0;
	(ifvalue) =	ssetifvalue $0x7FFFFFFF  }
0x48: {  	s15 =	sadd.s32 $0x80, s20;
	(ifvalue) =	ssetifvalue $0x7FFFFFFF  }
0x49: {  	[tilespmem:s15], [sflag:$0x1] =	stream.indirect_vreg.gather [hbm4b:s3+s10], $0x1, v1, vm0, $0x4038;
	[tilespmem:$0x3200] =	vst v63  }
0x4a: {  	s18 =	simm.s32 $0x20;
	v0 =	vor.u32 $0x180, v0;
	(ifvalue) =	ssetifvalue $0x7FFFFFFF  }
0x4b: {  	s19 =	simm.s32 $0x80;
	s17 =	sadd.s32 $0x100, s20;
	(ifvalue) =	ssetifvalue $0x7FFFFFFF  }
0x4c: {  	[tilespmem:s17], [sflag:$0x1] =	stream.indirect_vreg.gather [hbm4b:s3+s10], $0x1, v2, vm0, $0x4038;
	[tilespmem:$0x3200] =	vst v63  }
0x4d: {  	s16 =	simm.s32 $0x40;
	s20 =	sadd.s32 $0x180, s20;
	(ifvalue) =	ssetifvalue $0x7FFFFFFF  }
0x4e: {  	s15 =	simm.s32 $0x10;
	s17 =	simm.s32 $0x10;
	(ifvalue) =	ssetifvalue $0x7FFFFFFF  }
.LBB2_3:
0x4f: {  	[tilespmem:s20], [sflag:$0x1] =	stream.indirect_vreg.gather [hbm4b:s3+s10], $0x1, v0, vm0, $0x4038;
	[tilespmem:$0x3200] =	vst v63  }
0x50: {  	p0 =	sne.s32 s18, $0x4F0;
	s20 =	sadd.s32 s17, s14;
	s17 =	sshra.s32 s19, $0x2  }
0x51: {  	v0 =	vld.msk [tilespmem:s20+$0x0 ss:$0x1], $0xffff;
	s20 =	smov.u32 s18;
	s18 =	sadd.s32 $0x10, s18  }
0x52: {  	(ifvalue) =	ssetifvalue $0x7FFFFFFF;
	_ =	sdelay $0x4  }
0x53: {  	vm1 =	vgt.s32 v0, $0x0  }
0x54: {  	v0 =	vnsel vm1, $0x0, v0  }
0x55: {  	v0 =	vmin.u32 v0, $0x61A7F  }
0x56: {  	v1 =	vshll.u32 v0, $0x2  }
0x57: {  	v0 =	vand.u32 $0x7F, v0;
	v1 =	vand.u32 $0x1FFE00, v1  }
0x58: {  	v0 =	vor.u32 v0, v1;
	_ =	sdelay $0x1  }
0x59: {  	s21 =	sand.u32 $0x1E00, s16;
	s16 =	smov.u32 s19  }
0x5a: {  	s22 =	sand.u32 $0x70, s15;
	s21 =	sadd.s32 s21, s13;
	s15 =	smov.u32 s20;
	v1 =	vor.u32 $0x80, v0  }
0x5b: {  	s20 =	sadd.s32 s22, s21;
	(ifvalue) =	ssetifvalue $0x7FFFFFFF  }
0x5c: {  	[tilespmem:s20], [sflag:$0x1] =	stream.indirect_vreg.gather [hbm4b:s3+s10], $0x1, v0, vm0, $0x4038;
	[tilespmem:$0x3200] =	vst v63  }
0x5d: {  	v2 =	vor.u32 $0x100, v0;
	(ifvalue) =	ssetifvalue $0x7FFFFFFF  }
0x5e: {  	s21 =	sadd.s32 $0x80, s20;
	(ifvalue) =	ssetifvalue $0x7FFFFFFF  }
0x5f: {  	[tilespmem:s21], [sflag:$0x1] =	stream.indirect_vreg.gather [hbm4b:s3+s10], $0x1, v1, vm0, $0x4038;
	[tilespmem:$0x3200] =	vst v63  }
.Ltmp3:
0x60: {  	v0 =	vor.u32 $0x180, v0;
	(ifvalue) =	ssetifvalue $0x7FFFFFFF;
	(pc) =	sbr.rel @p0 .LBB2_3-.Ltmp3, $4  }
0x61: {  	s21 =	sadd.s32 $0x100, s20;
	(ifvalue) =	ssetifvalue $0x7FFFFFFF  }
0x62: {  	[tilespmem:s21], [sflag:$0x1] =	stream.indirect_vreg.gather [hbm4b:s3+s10], $0x1, v2, vm0, $0x4038;
	[tilespmem:$0x3200] =	vst v63  }
0x63: {  	(ifvalue) =	ssetifvalue $0x7FFFFFFF  }
0x64: {  	s19 =	sadd.s32 $0x40, s19;
	s20 =	sadd.s32 $0x180, s20;
	(ifvalue) =	ssetifvalue $0x7FFFFFFF  }
.Ltmp4:
0x65: {  	_ = 	snop;
	(pc) =	sbr.rel .LBB2_4-.Ltmp4, $1  }
0x66: {  	_ =	sdelay $0x3  }
.LBB2_6:
0x67: {  	_ =	sfence.sel $0x180000  }
0x68: {  	s2 =	simm.s32 $0x2;
	[bflag:$0x0] =	sbarrier.arrive $0xFFFF  }
0x69: {  	s30 =	simm.s32 $0x3;
	[sflag:s2] =	ssyncpa.u1 $0x1  }
0x6a: {  	s31 =	simm.s32 $0x1;
	[sflag:s30] =	ssyncpa.u1 $0x1  }
0x6b: {  	[sflag:s31] =	ssyncpa.u1 $0x1  }
0x6c: {  	p0 =	sne.s32 s0, $0x0;
	_ =	strace $0x90000050  }
0x6d: {  	s0 =	sadd.s32 @!p0 $0x100000, s1;
	[bflag:$0x2] =	sbarrier.arrive $0xFFFF  }
0x6e: {  	[sflag:s0] =	ssyncadd.tile.s32 @!p0 $0x1;
	_ =	shalt  }
.Lfunc_end2:
_tile_overlayer_lowered:
.L_overlay_start_2:
0x6f: {  	(tag) =	ssettag $0x2  }
0x70: {  	s0 =	rddreg [dreg:$0x0];
	s2 =	stileid.u32  }
0x71: {  	s1 =	rddreg [dreg:$0x1];
	p0 =	sne.s32 s2, $0x0  }
0x72: {  	s3 =	rddreg [dreg:$0x2];
	[bflag:$0x3] =	sbarrier.arrive $0xFFFF;
	s2 =	simm.s32 @!p0 $0x1C01  }
0x73: {  	[timem:s3], [sflag:s2] =	dma.local @!p0 [hbm:s0], s1  }
0x74: {  	s0 =	simm.s32 @!p0 $0x1  }
0x75: {  	_ =	swait.ge @!p0 [sflag:s0], s1  }
0x76: {  	s1 =	ssub.s32 @!p0 $0x0, s1;
	[sflag:s0] =	ssyncset.done @!p0 $0x0  }
0x77: {  	[sflag:s0] =	ssyncadd.s32 @!p0 s1  }
0x78: {  	[bflag:$0x3] =	sbarrier.arrive $0xFFFF  }
0x79: {  	_ =	shalt  }

// kernel: gather_offload_async_start
scs
__scs_entry_jumppad:
0x0: {  	(pc) =	sbr.rel $0x88, $3  }
0x1: {  	(tag) =	ssettag $0x0;
	lr =	simm.s32 $0x1  }
0x2: {  	[smem:$0x3F9D] =	sst lr;
	_ =	strace $0xD0000000  }
0x3: {  	_ = 	snop  }
0x4: {  	_ = 	snop  }
0x5: {  	_ = 	snop  }
0x6: {  	_ = 	snop  }
0x7: {  	_ = 	snop  }
__scs_overlays_trampoline_lowered:
0x8: {  	[smem:$0x3FAC] =	sst s0  }
0x9: {  	[smem:$0x3FAD] =	sst s1  }
0xa: {  	[smem:$0x3FAE] =	sst s2  }
0xb: {  	[smem:$0x3FAF] =	sst s3  }
0xc: {  	[smem:$0x3FB0] =	sst s4  }
0xd: {  	[smem:$0x3FB1] =	sst s5  }
0xe: {  	[smem:$0x3FB2] =	sst s6  }
0xf: {  	[smem:$0x3FB3] =	sst s7  }
0x10: {  	[smem:$0x3FB4] =	sst s8  }
0x11: {  	[smem:$0x3FB5] =	sst s9;
	s0 =	simm.s32 @!p0 $0x0  }
0x12: {  	s1 =	sld [smem:$0x3F9B];
	s0 =	simm.s32 @p0 $0x1  }
0x13: {  	[smem:$0x3FB6] =	sst s0;
	s0 =	simm.s32 @!p1 $0x0  }
0x14: {  	s2 =	sld [smem:$0x3F9A];
	s0 =	simm.s32 @p1 $0x1  }
0x15: {  	[smem:$0x3FB7] =	sst s0;
	s0 =	simm.s32 @!p2 $0x0  }
0x16: {  	s3 =	sld [smem:$0x3FDB];
	s0 =	simm.s32 @p2 $0x1  }
0x17: {  	s4 =	simm.s32 $0x1BF5;
	[smem:$0x3FB9] =	sst s0  }
0x18: {  	s0 =	sld [smem:$0x3F9C];
	_ =	swait.ge [sflag:s4], $0x0  }
0x19: {  	s7 =	sld [smem:$0x3F9D]  }
0x1a: {  	s8 =	sadd.s32 $0xFFFFE003, lr  }
0x1b: {  	s9 =	sadd.s32 $0xFFFFFEF7, lr;
	s5 =	simm.s32 $0xFFFFFFFF;
	p2 =	slt.u32 s8, $0xFFFFF086  }
0x1c: {  	p1 =	slt.u32 s9, $0xF7A;
	s5 =	simm.s32 @!p2 $0x0  }
0x1d: {  	s5 =	simm.s32 @p1 $0x1;
	p0 =	seq.s32 s7, s2  }
0x1e: {  	s7 =	smul.u32 @!p0 $0xF7A, s2;
	p2 =	seq.s32 @!p0 s5, $0x0  }
0x1f: {  	s9 =	smul.u32 $0xF7A, s1;
	s8 =	simm.s32 @!p0 $0x1BF5;
	p2 =	por !p2, p0  }
0x20: {  	[sflag:s8] =	ssyncset.s32 @!p0 $0xFFFFF086;
	s6 =	sadd.s32 @!p0 s3, s7;
	s7 =	simm.s32 @!p0 $0x108  }
0x21: {  	s3 =	sadd.s32 s3, s9;
	s6 =	sadd.s32 @!p0 $0x88, s6;
	s7 =	simm.s32 @p2 $0x1082  }
0x22: {  	[simem:s7], [sflag:s8] =	dma.local @!p0 [hbm:s6], $0xF7A  }
0x23: {  	s9 =	sor.u32 $0xD0000000, s2;
	s6 =	simm.s32 $0x108;
	_ =	swait.ge @!p0 [sflag:s8], $0x0  }
0x24: {  	s3 =	sadd.s32 $0x88, s3;
	s6 =	simm.s32 @!p1 $0x1082;
	[sflag:s4] =	ssyncset.s32 $0xFFFFF086  }
0x25: {  	[simem:s6], [sflag:s4] =	dma.local [hbm:s3], $0xF7A  }
0x26: {  	[smem:$0x3F9D] =	sst s1;
	(tag) =	ssettag s2;
	_ =	strace s9  }
0x27: {  	s1 =	sld [smem:$0x3FAD]  }
0x28: {  	s2 =	sld [smem:$0x3FAE]  }
0x29: {  	s4 =	sld [smem:$0x3FB0]  }
0x2a: {  	p0 =	seq.s32 s5, $0x0;
	s5 =	sld [smem:$0x3FB1]  }
0x2b: {  	s6 =	sld [smem:$0x3FB2]  }
0x2c: {  	s7 =	sld [smem:$0x3FB3]  }
0x2d: {  	s3 =	simm.s32 $0x108;
	s8 =	sld [smem:$0x3FB4]  }
0x2e: {  	s3 =	simm.s32 @!p0 $0x1082;
	s9 =	sld [smem:$0x3FB5]  }
0x2f: {  	lr =	sadd.s32 s0, s3;
	s0 =	sld [smem:$0x3FAC]  }
0x30: {  	s3 =	sld [smem:$0x3FAF]  }
0x31: {  	[smem:$0x3FB8] =	sst s10  }
0x32: {  	s10 =	sld [smem:$0x3FB6];
	_ =	sdelay $0x3  }
0x33: {  	p0 =	seq.s32 s10, $0x1;
	s10 =	sld [smem:$0x3FB8];
	_ =	sdelay $0x3  }
0x34: {  	[smem:$0x3FB8] =	sst s10  }
0x35: {  	s10 =	sld [smem:$0x3FB7];
	_ =	sdelay $0x3  }
0x36: {  	p1 =	seq.s32 s10, $0x1;
	s10 =	sld [smem:$0x3FB8];
	_ =	sdelay $0x3  }
0x37: {  	[smem:$0x3FB8] =	sst s10  }
0x38: {  	s10 =	sld [smem:$0x3FB9]  }
0x39: {  	_ = 	snop;
	(pc) =	sbr.ind lr, $3  }
0x3a: {  	_ = 	snop  }
0x3b: {  	_ = 	snop  }
0x3c: {  	p2 =	seq.s32 s10, $0x1;
	s10 =	sld [smem:$0x3FB8]  }
0x3d: {  	_ =	shalt  }
0x3e: {  	_ =	shalt  }
0x3f: {  	_ =	shalt  }
0x40: {  	_ =	shalt  }
0x41: {  	_ =	shalt  }
0x42: {  	_ =	shalt  }
0x43: {  	_ =	shalt  }
0x44: {  	_ =	shalt  }
0x45: {  	_ =	shalt  }
0x46: {  	_ =	shalt  }
0x47: {  	_ =	shalt  }
0x48: {  	_ =	shalt  }
0x49: {  	_ =	shalt  }
0x4a: {  	_ =	shalt  }
0x4b: {  	_ =	shalt  }
0x4c: {  	_ =	shalt  }
0x4d: {  	_ =	shalt  }
0x4e: {  	_ =	shalt  }
0x4f: {  	_ =	shalt  }
0x50: {  	_ =	shalt  }
0x51: {  	_ =	shalt  }
0x52: {  	_ =	shalt  }
0x53: {  	_ =	shalt  }
0x54: {  	_ =	shalt  }
0x55: {  	_ =	shalt  }
0x56: {  	_ =	shalt  }
0x57: {  	_ =	shalt  }
0x58: {  	_ =	shalt  }
0x59: {  	_ =	shalt  }
0x5a: {  	_ =	shalt  }
0x5b: {  	_ =	shalt  }
0x5c: {  	_ =	shalt  }
0x5d: {  	_ =	shalt  }
0x5e: {  	_ =	shalt  }
0x5f: {  	_ =	shalt  }
0x60: {  	_ =	shalt  }
0x61: {  	_ =	shalt  }
0x62: {  	_ =	shalt  }
0x63: {  	_ =	shalt  }
0x64: {  	_ =	shalt  }
0x65: {  	_ =	shalt  }
0x66: {  	_ =	shalt  }
0x67: {  	_ =	shalt  }
0x68: {  	_ =	shalt  }
0x69: {  	_ =	shalt  }
0x6a: {  	_ =	shalt  }
0x6b: {  	_ =	shalt  }
0x6c: {  	_ =	shalt  }
0x6d: {  	_ =	shalt  }
0x6e: {  	_ =	shalt  }
0x6f: {  	_ =	shalt  }
0x70: {  	_ =	shalt  }
0x71: {  	_ =	shalt  }
0x72: {  	_ =	shalt  }
0x73: {  	_ =	shalt  }
0x74: {  	_ =	shalt  }
0x75: {  	_ =	shalt  }
0x76: {  	_ =	shalt  }
0x77: {  	_ =	shalt  }
0x78: {  	_ =	shalt  }
0x79: {  	_ =	shalt  }
0x7a: {  	_ =	shalt  }
0x7b: {  	_ =	shalt  }
0x7c: {  	_ =	shalt  }
0x7d: {  	_ =	shalt  }
0x7e: {  	_ =	shalt  }
0x7f: {  	_ =	shalt  }
0x80: {  	_ =	shalt  }
0x81: {  	_ =	shalt  }
0x82: {  	_ =	shalt  }
0x83: {  	_ =	shalt  }
0x84: {  	_ =	shalt  }
0x85: {  	_ =	shalt  }
0x86: {  	_ =	shalt  }
0x87: {  	_ =	shalt  }
.Lfunc_end0:
.L_simem_size_0:
called_computation_lowered:
.L_overlay_start_0:
0x88: {  	s2 =	sld [smem:$0x3FD9]  }
0x89: {  	s3 =	sld [smem:$0x3FFE];
	_ =	sdelay $0x1  }
0x8a: {  	s1 =	srdreg.scid  }
0x8b: {  	s0 =	sand.u32 $0x1, s1  }
0x8c: {  	s16 =	sshll.u32 s0, $0xA;
	s2 =	sadd.s32 s3, s2  }
0x8d: {  	s2 =	sadd.s32 s2, s16  }
0x8e: {  	[smem:$0x3FC4] =	sst s2  }
0x8f: {  	_ = 	snop  }
0x90: {  	(tm) =	ssettm $0x1  }
0x91: {  	s17 =	sld [smem:$0x3FFB];
	_ =	sdelay $0x3  }
0x92: {  	_ =	strace s17  }
0x93: {  	s2 =	sld [smem:$0x3FFC];
	_ =	sdelay $0x3  }
0x94: {  	_ =	strace s2  }
0x95: {  	s2 =	sld [smem:$0x3FFD];
	_ =	sdelay $0x3  }
0x96: {  	_ =	strace s2  }
0x97: {  	_ =	strace $0x8FFFFFFF  }
0x98: {  	s18 =	sld [smem:$0x3FDB];
	_ =	sdelay $0x1  }
0x99: {  	s19 =	simm.s32 $_scs_section_size  }
0x9a: {  	s4 =	simm.s32 $_size__tile_overlayer_lowered;
	s5 =	simm.s32 $_tile_overlayer_lowered  }
0x9b: {  	s22 =	simm.s32 $0x1BFF;
	s21 =	sshll.u32 s5, $0x1;
	s2 =	sadd.s32 s19, s18  }
0x9c: {  	s6 =	simm.s32 $0x0;
	s20 =	sshll.u32 s4, $0x1;
	s4 =	sadd.s32 s21, s2  }
0x9d: {  	[timem:s6], [sflag:s22] =	dma.local [hbm:s4], s20  }
0x9e: {  	_ =	swait.ge [sflag:s22], s20  }
0x9f: {  	s3 =	ssub.s32 $0x0, s20;
	[sflag:s22] =	ssyncset.done $0x0  }
0xa0: {  	[sflag:s22] =	ssyncadd.s32 s3;
	_ =	sdelay $0x1  }
0xa1: {  	s23 =	simm.s32 $0x1B8B  }
0xa2: {  	_ =	swait.ge [sflag:s23], $0x1  }
0xa3: {  	[sflag:s23] =	ssyncset.done $0x0  }
0xa4: {  	s25 =	simm.s32 $0x1B8E;
	s24 =	sld [smem:$0x3FFE];
	[sflag:s23] =	ssyncadd.s32 $0xFFFFFFFF  }
0xa5: {  	s26 =	simm.s32 $execute0_lowered;
	[smem:$0x3FD2] =	sst s25  }
0xa6: {  	s4 =	sshll.u32 s26, $0x1;
	_ =	strace $0x8000004C;
	[dreg:$0x1] =	wrdreg $0xFFFFFFFF  }
0xa7: {  	s28 =	simm.s32 $_size_execute0_lowered;
	s2 =	sadd.s32 s2, s4;
	[dreg:$0x0] =	wrdreg $0x0  }
0xa8: {  	s4 =	sshll.u32 s28, $0x1;
	[dreg:$0x2] =	wrdreg s2  }
0xa9: {  	[dreg:$0x3] =	wrdreg s4  }
0xaa: {  	[dreg:$0x4] =	wrdreg $0xC0  }
0xab: {  	_ =	task [dreg:s6], $0x5FFFF  }
0xac: {  	[dreg:$0x1] =	wrdreg $0xFFFFFFFF  }
0xad: {  	[dreg:$0x0] =	wrdreg $0x60  }
0xae: {  	[dreg:$0x2] =	wrdreg s24  }
0xaf: {  	[dreg:$0x3] =	wrdreg $0x9  }
0xb0: {  	_ =	task.clear_ibuf [dreg:s6], $0x4FFFF;
	_ =	strace $0x9000004C  }
0xb1: {  	s29 =	simm.s32 $0x9;
	_ =	strace $0x8000004E  }
0xb2: {  	_ =	swait.ge [sflag:s29], $0x1  }
0xb3: {  	[sflag:s29] =	ssyncadd.s32 $0xFFFFFFFF  }
0xb4: {  	_ =	strace $0x9000004E  }
0xb5: {  	_ =	sfence  }
0xb6: {  	s30 =	sld [smem:$0x0];
	_ =	sdelay $0x2  }
0xb7: {  	s31 =	sshll.u32 s1, $0xD;
	s1 =	sshrl.u32 s1, $0x2  }
0xb8: {  	s3 =	sand.u32 $0x4000, s31;
	s1 =	sadd.s32 s1, s30  }
0xb9: {  	s0 =	sor.u32 s3, s0;
	s1 =	sshll.u32 s1, $0x11  }
0xba: {  	s0 =	sor.u32 s1, s0  }
0xbb: {  	s0 =	sadd.s32 $0x8F2B, s0  }
0xbc: {  	[sflag:s0] =	ssyncadd.remote.s32 $0x1  }
0xbd: {  	_ =	sfence.sel $0xFFFF  }
0xbe: {  	[dreg:$0x0] =	wrdreg $0xFFFFFFFF;
	(pc) =	sbr.abs _section_cstart, $3  }
0xbf: {  	[dreg:$0x1] =	wrdreg $0xFFFFFFFF  }
0xc0: {  	_ =	task.clear_ibuf [dreg:s6], $0x2FFFF;
	_ =	strace $0x9FFFFFFF  }
0xc1: {  	(tm) =	ssettm $0x7FFFFFFF  }
tec
execute0_lowered:
.L_overlay_start_1:
0x0: {  	(tag) =	ssettag $0x1  }
0x1: {  	s0 =	stileid.u32;
	s1 =	srdreg.scid  }
0x2: {  	s4 =	rddreg [dreg:$0x0];
	s9 =	simm.s32 $0x1;
	s10 =	simm.s32 $0x3  }
0x3: {  	s12 =	simm.s32 $0x0;
	s1 =	sand.u32 $0x1, s1;
	s2 =	sshll.u32 s0, $0x1  }
0x4: {  	s11 =	simm.s32 $0x0;
	s3 =	sadd.s32 $0x1FE00, s4;
	s6 =	sor.u32 s2, s1  }
0x5: {  	s2 =	smul.u32 $0x500, s6;
	p0 =	seq.s32 s6, $0x0;
	s6 =	simm.s32 $0xA000  }
0x6: {  	s1 =	rddreg [dreg:$0x1];
	_ =	strace $0x8000004D;
	s6 =	simm.s32 @!p0 $0x0  }
0x7: {  	s9 =	simm.s32 @!p0 $0x0;
	s5 =	sshrl.u32 s2, $0x3;
	s7 =	ssub.s32 $0xA000, s2  }
.Ltmp0:
0x8: {  	s8 =	sadd.s32 s5, s4;
	s4 =	sadd.s32 $0x2E00, s4;
	(pc) =	sbr.rel .LBB2_1-.Ltmp0, $4  }
0x9: {  	s5 =	simm.s32 $0x1;
	p0 =	sne.s32 s7, s6;
	s7 =	simm.s32 $0x1  }
0xa: {  	s6 =	simm.s32 $0x2;
	[sflag:s5] =	ssyncpa.u1 $0x0;
	s7 =	simm.s32 @!p0 $0x0  }
0xb: {  	s8 =	sadd.s32 $0x1CA00, s8;
	[sflag:s6] =	ssyncpa.u1 $0x0;
	s7 =	sadd.s32 s9, s7  }
0xc: {  	vm0 =	vmmov $0xffff;
	[sflag:s10] =	ssyncpa.u1 $0x0;
	s9 =	sadd.s32 $0x1, s7;
	s10 =	simm.s32 $0x0  }
.LBB2_4:
0xd: {  	_ =	sdelay $0x3  }
0xe: {  	[tilespmem:s20], [sflag:$0x1] =	stream.indirect_vreg.gather [hbm4b:s3+s10], $0x1, v0, vm0, $0x4038;
	[tilespmem:$0x3200] =	vst v63  }
0xf: {  	s14 =	sadd.s32 s17, s14  }
0x10: {  	v0 =	vld.msk [tilespmem:s14+$0x0 ss:$0x1], $0xffff;
	_ =	sdelay $0x4  }
0x11: {  	vm1 =	vgt.s32 v0, $0x0  }
0x12: {  	v0 =	vnsel vm1, $0x0, v0  }
0x13: {  	v0 =	vmin.u32 v0, $0x61A7F  }
0x14: {  	v1 =	vshll.u32 v0, $0x2  }
0x15: {  	v0 =	vand.u32 $0x7F, v0;
	v1 =	vand.u32 $0x1FFE00, v1  }
0x16: {  	v0 =	vor.u32 v0, v1;
	_ =	sdelay $0x1  }
0x17: {  	s30 =	sand.u32 $0x1E00, s16  }
0x18: {  	s15 =	sand.u32 $0x70, s15;
	(ifvalue) =	ssetifvalue $0x7FFFFFFF;
	s14 =	sadd.s32 s30, s13;
	v1 =	vor.u32 $0x80, v0  }
0x19: {  	s14 =	sadd.s32 s15, s14;
	(ifvalue) =	ssetifvalue $0x7FFFFFFF  }
0x1a: {  	[tilespmem:s14], [sflag:$0x1] =	stream.indirect_vreg.gather [hbm4b:s3+s10], $0x1, v0, vm0, $0x4038;
	[tilespmem:$0x3200] =	vst v63  }
0x1b: {  	v2 =	vor.u32 $0x100, v0;
	(ifvalue) =	ssetifvalue $0x7FFFFFFF  }
0x1c: {  	s15 =	sadd.s32 $0x80, s14;
	(ifvalue) =	ssetifvalue $0x7FFFFFFF  }
0x1d: {  	[tilespmem:s15], [sflag:$0x1] =	stream.indirect_vreg.gather [hbm4b:s3+s10], $0x1, v1, vm0, $0x4038;
	[tilespmem:$0x3200] =	vst v63  }
0x1e: {  	v0 =	vor.u32 $0x180, v0;
	(ifvalue) =	ssetifvalue $0x7FFFFFFF  }
0x1f: {  	s31 =	sadd.s32 $0x100, s14;
	(ifvalue) =	ssetifvalue $0x7FFFFFFF  }
0x20: {  	[tilespmem:s31], [sflag:$0x1] =	stream.indirect_vreg.gather [hbm4b:s3+s10], $0x1, v2, vm0, $0x4038;
	[tilespmem:$0x3200] =	vst v63  }
0x21: {  	(ifvalue) =	ssetifvalue $0x7FFFFFFF  }
0x22: {  	s14 =	sadd.s32 $0x180, s14;
	(ifvalue) =	ssetifvalue $0x7FFFFFFF  }
0x23: {  	[tilespmem:s14], [sflag:$0x1] =	stream.indirect_vreg.gather [hbm4b:s3+s10], $0x1, v0, vm0, $0x4038;
	[tilespmem:$0x3200] =	vst v63  }
0x24: {  	_ =	swait.ge [sflag:s5], $0x1400  }
0x25: {  	s12 =	sshrl.u32 s12, $0x1;
	[sflag:s5] =	ssyncset.done $0x0  }
0x26: {  	s12 =	sadd.s32 s4, s12;
	[sflag:s5] =	ssyncadd.s32 $0xFFFFEC00  }
0x27: {  	[hbm:s12] =	stream.linear.scatter [tilespmem:s13], [sflag:$0x3], $0x1400, $0x38;
	[tilespmem:$0x3200] =	vst v63  }
.LBB2_5:
0x28: {  	p1 =	sne.s32 s11, s9  }
.Ltmp1:
0x29: {  	p0 =	slt.u32 s11, $0x2;
	(pc) =	sbr.rel @!p1 .LBB2_6-.Ltmp1, $4  }
0x2a: {  	s12 =	simm.s32 @!p0 $0x3  }
0x2b: {  	_ =	swait.ge @!p0 [sflag:s12], $0x1400  }
0x2c: {  	s13 =	sadd.s32 $0x1, s11;
	[sflag:s12] =	ssyncset.done @!p0 $0x0  }
0x2d: {  	s11 =	smov.u32 s13;
	[sflag:s12] =	ssyncadd.s32 @!p0 $0xFFFFEC00;
	s12 =	smov.u32 s2  }
.LBB2_1:
0x2e: {  	p0 =	sge.u32 s11, s7  }
0x2f: {  	s13 =	sxor.u32 @!p0 $0x1, s11  }
0x30: {  	s13 =	smul.u32 @!p0 $0x1400, s13;
	_ =	sdelay $0x1  }
0x31: {  	s31 =	sadd.s32 $0xFFFFFFFF, s11;
	s14 =	simm.s32 @!p0 $0x0;
	s13 =	sshra.s32 @!p0 s13, $0x2  }
0x32: {  	[tilespmem:s13], [sflag:$0x2] =	stream.linear.gather @!p0 [hbm4b:s8+s14], $0x500, $0x38;
	[tilespmem:$0x3200] =	vst v63  }
0x33: {  	p0 =	sge.u32 s31, s7  }
.Ltmp2:
0x34: {  	_ = 	snop;
	(pc) =	sbr.rel @p0 .LBB2_5-.Ltmp2, $1  }
0x35: {  	_ =	sdelay $0x3  }
0x36: {  	s13 =	sand.u32 $0x1, s11  }
0x37: {  	p0 =	seq.s32 s13, $0x1;
	s13 =	simm.s32 $0x1400  }
0x38: {  	_ =	swait.ge [sflag:s6], $0x500;
	s13 =	simm.s32 @!p0 $0x0  }
0x39: {  	[sflag:s6] =	ssyncset.done $0x0;
	s14 =	sshrl.u32 s13, $0x2  }
0x3a: {  	[sflag:s6] =	ssyncadd.s32 $0xFFFFFB00;
	s15 =	sadd.s32 $0x0, s14  }
0x3b: {  	v0 =	vld.msk [tilespmem:s15+$0x0 ss:$0x1], $0xffff;
	_ =	sdelay $0x4  }
0x3c: {  	vm1 =	vgt.s32 v0, $0x0  }
0x3d: {  	v0 =	vnsel vm1, $0x0, v0  }
0x3e: {  	v0 =	vmin.u32 v0, $0x61A7F  }
0x3f: {  	v1 =	vshll.u32 v0, $0x2  }
0x40: {  	v0 =	vand.u32 $0x7F, v0;
	v1 =	vand.u32 $0x1FFE00, v1  }
0x41: {  	v0 =	vor.u32 v0, v1  }
0x42: {  	s31 =	simm.s32 $0x0  }
0x43: {  	s16 =	sand.u32 $0x1E00, s31;
	s13 =	sor.u32 $0xA00, s13  }
0x44: {  	s16 =	sadd.s32 s16, s13;
	(ifvalue) =	ssetifvalue $0x7FFFFFFF;
	s15 =	sand.u32 $0x70, s31;
	v1 =	vor.u32 $0x80, v0  }
0x45: {  	s20 =	sadd.s32 s15, s16;
	(ifvalue) =	ssetifvalue $0x7FFFFFFF  }
0x46: {  	[tilespmem:s20], [sflag:$0x1] =	stream.indirect_vreg.gather [hbm4b:s3+s10], $0x1, v0, vm0, $0x4038;
	[tilespmem:$0x3200] =	vst v63  }
0x47: {  	v2 =	vor.u32 $0x100, v0;
	(ifvalue) =	ssetifvalue $0x7FFFFFFF  }
0x48: {  	s15 =	sadd.s32 $0x80, s20;
	(ifvalue) =	ssetifvalue $0x7FFFFFFF  }
0x49: {  	[tilespmem:s15], [sflag:$0x1] =	stream.indirect_vreg.gather [hbm4b:s3+s10], $0x1, v1, vm0, $0x4038;
	[tilespmem:$0x3200] =	vst v63  }
0x4a: {  	s18 =	simm.s32 $0x20;
	v0 =	vor.u32 $0x180, v0;
	(ifvalue) =	ssetifvalue $0x7FFFFFFF  }
0x4b: {  	s19 =	simm.s32 $0x80;
	s17 =	sadd.s32 $0x100, s20;
	(ifvalue) =	ssetifvalue $0x7FFFFFFF  }
0x4c: {  	[tilespmem:s17], [sflag:$0x1] =	stream.indirect_vreg.gather [hbm4b:s3+s10], $0x1, v2, vm0, $0x4038;
	[tilespmem:$0x3200] =	vst v63  }
0x4d: {  	s16 =	simm.s32 $0x40;
	s20 =	sadd.s32 $0x180, s20;
	(ifvalue) =	ssetifvalue $0x7FFFFFFF  }
0x4e: {  	s15 =	simm.s32 $0x10;
	s17 =	simm.s32 $0x10;
	(ifvalue) =	ssetifvalue $0x7FFFFFFF  }
.LBB2_3:
0x4f: {  	[tilespmem:s20], [sflag:$0x1] =	stream.indirect_vreg.gather [hbm4b:s3+s10], $0x1, v0, vm0, $0x4038;
	[tilespmem:$0x3200] =	vst v63  }
0x50: {  	p0 =	sne.s32 s18, $0x4F0;
	s20 =	sadd.s32 s17, s14;
	s17 =	sshra.s32 s19, $0x2  }
0x51: {  	v0 =	vld.msk [tilespmem:s20+$0x0 ss:$0x1], $0xffff;
	s20 =	smov.u32 s18;
	s18 =	sadd.s32 $0x10, s18  }
0x52: {  	(ifvalue) =	ssetifvalue $0x7FFFFFFF;
	_ =	sdelay $0x4  }
0x53: {  	vm1 =	vgt.s32 v0, $0x0  }
0x54: {  	v0 =	vnsel vm1, $0x0, v0  }
0x55: {  	v0 =	vmin.u32 v0, $0x61A7F  }
0x56: {  	v1 =	vshll.u32 v0, $0x2  }
0x57: {  	v0 =	vand.u32 $0x7F, v0;
	v1 =	vand.u32 $0x1FFE00, v1  }
0x58: {  	v0 =	vor.u32 v0, v1;
	_ =	sdelay $0x1  }
0x59: {  	s21 =	sand.u32 $0x1E00, s16;
	s16 =	smov.u32 s19  }
0x5a: {  	s22 =	sand.u32 $0x70, s15;
	s21 =	sadd.s32 s21, s13;
	s15 =	smov.u32 s20;
	v1 =	vor.u32 $0x80, v0  }
0x5b: {  	s20 =	sadd.s32 s22, s21;
	(ifvalue) =	ssetifvalue $0x7FFFFFFF  }
0x5c: {  	[tilespmem:s20], [sflag:$0x1] =	stream.indirect_vreg.gather [hbm4b:s3+s10], $0x1, v0, vm0, $0x4038;
	[tilespmem:$0x3200] =	vst v63  }
0x5d: {  	v2 =	vor.u32 $0x100, v0;
	(ifvalue) =	ssetifvalue $0x7FFFFFFF  }
0x5e: {  	s21 =	sadd.s32 $0x80, s20;
	(ifvalue) =	ssetifvalue $0x7FFFFFFF  }
0x5f: {  	[tilespmem:s21], [sflag:$0x1] =	stream.indirect_vreg.gather [hbm4b:s3+s10], $0x1, v1, vm0, $0x4038;
	[tilespmem:$0x3200] =	vst v63  }
.Ltmp3:
0x60: {  	v0 =	vor.u32 $0x180, v0;
	(ifvalue) =	ssetifvalue $0x7FFFFFFF;
	(pc) =	sbr.rel @p0 .LBB2_3-.Ltmp3, $4  }
0x61: {  	s21 =	sadd.s32 $0x100, s20;
	(ifvalue) =	ssetifvalue $0x7FFFFFFF  }
0x62: {  	[tilespmem:s21], [sflag:$0x1] =	stream.indirect_vreg.gather [hbm4b:s3+s10], $0x1, v2, vm0, $0x4038;
	[tilespmem:$0x3200] =	vst v63  }
0x63: {  	(ifvalue) =	ssetifvalue $0x7FFFFFFF  }
0x64: {  	s19 =	sadd.s32 $0x40, s19;
	s20 =	sadd.s32 $0x180, s20;
	(ifvalue) =	ssetifvalue $0x7FFFFFFF  }
.Ltmp4:
0x65: {  	_ = 	snop;
	(pc) =	sbr.rel .LBB2_4-.Ltmp4, $1  }
0x66: {  	_ =	sdelay $0x3  }
.LBB2_6:
0x67: {  	_ =	sfence.sel $0x180000  }
0x68: {  	s2 =	simm.s32 $0x2;
	[bflag:$0x0] =	sbarrier.arrive $0xFFFF  }
0x69: {  	s30 =	simm.s32 $0x3;
	[sflag:s2] =	ssyncpa.u1 $0x1  }
0x6a: {  	s31 =	simm.s32 $0x1;
	[sflag:s30] =	ssyncpa.u1 $0x1  }
0x6b: {  	[sflag:s31] =	ssyncpa.u1 $0x1  }
0x6c: {  	p0 =	sne.s32 s0, $0x0;
	_ =	strace $0x9000004D  }
0x6d: {  	s0 =	sadd.s32 @!p0 $0x100000, s1;
	[bflag:$0x2] =	sbarrier.arrive $0xFFFF  }
0x6e: {  	[sflag:s0] =	ssyncadd.tile.s32 @!p0 $0x1;
	_ =	shalt  }
.Lfunc_end2:
_tile_overlayer_lowered:
.L_overlay_start_2:
0x6f: {  	(tag) =	ssettag $0x2  }
0x70: {  	s0 =	rddreg [dreg:$0x0];
	s2 =	stileid.u32  }
0x71: {  	s1 =	rddreg [dreg:$0x1];
	p0 =	sne.s32 s2, $0x0  }
0x72: {  	s3 =	rddreg [dreg:$0x2];
	[bflag:$0x3] =	sbarrier.arrive $0xFFFF;
	s2 =	simm.s32 @!p0 $0x1C01  }
0x73: {  	[timem:s3], [sflag:s2] =	dma.local @!p0 [hbm:s0], s1  }
0x74: {  	s0 =	simm.s32 @!p0 $0x1  }
0x75: {  	_ =	swait.ge @!p0 [sflag:s0], s1  }
0x76: {  	s1 =	ssub.s32 @!p0 $0x0, s1;
	[sflag:s0] =	ssyncset.done @!p0 $0x0  }
0x77: {  	[sflag:s0] =	ssyncadd.s32 @!p0 s1  }
0x78: {  	[bflag:$0x3] =	sbarrier.arrive $0xFFFF  }
0x79: {  	_ =	shalt  }

</sc_bundles>
